<compile_context>
chip_gen: v7x
topology: tpu7x:2x2x1
jax: 0.10.2.dev20260603
libtpu: 0.0.44.dev20260713+nightly
codegen_flags: <defaults>
</compile_context>

<pallas_src>
import jax
import jax.numpy as jnp
from jax import lax
from jax.experimental import pallas as pl
from jax.experimental.pallas import tpu as pltpu
from jax.experimental.pallas import tpu_sc as plsc

N_NODES = 10000
N_EDGES = 320000
D = 128
N_GRAPHS = 64

NC = 2
NS = 16
NW = NC * NS

CHUNK = 128
N_CHUNKS = N_EDGES // CHUNK
CPT = 80
WIN = 40
N_CHUNKS_PAD = 2520
ROWS_PAD = 10112
RPT = ROWS_PAD // NS

ROW_BLK = 2000
NBUF = 2



def _sc_segsum_body(x_hbm, e_hbm, zeros_hbm, out_hbm,
                    src_v, dst_v, rows_v, accum, gsems):
    cid = lax.axis_index("c")
    sid = lax.axis_index("s")
    wid = sid * NC + cid
    cpt = jnp.minimum(CPT, N_CHUNKS - wid * CPT)

    pltpu.sync_copy(zeros_hbm, accum.at[pl.ds(sid * RPT, RPT)])
    plsc.subcore_barrier()

    for half in range(2):
        win1 = jnp.minimum(WIN, cpt)
        win = win1 if half == 0 else cpt - win1

        @pl.when(win > 0)
        def _process_window():
            start = wid * CPT + half * WIN
            pltpu.sync_copy(e_hbm.at[0, pl.ds(start, WIN)], src_v)
            pltpu.sync_copy(e_hbm.at[1, pl.ds(start, WIN)], dst_v)

            for b in range(NBUF):
                pltpu.async_copy(x_hbm.at[src_v.at[b]], rows_v.at[b],
                                 gsems.at[b])

            def body(t, carry):
                base = t * NBUF
                for b in range(NBUF):
                    j = base + b

                    @pl.when(j < win)
                    def _():
                        pltpu.make_async_copy(
                            x_hbm.at[src_v.at[j]], rows_v.at[b],
                            gsems.at[b]).wait()
                        pltpu.sync_copy(rows_v.at[b],
                                        accum.at[dst_v.at[j]], add=True)

                        @pl.when(j + NBUF < win)
                        def _():
                            pltpu.async_copy(
                                x_hbm.at[src_v.at[j + NBUF]],
                                rows_v.at[b], gsems.at[b])
                return carry

            lax.fori_loop(0, (win + NBUF - 1) // NBUF, body, 0)

    plsc.subcore_barrier()
    pltpu.sync_copy(accum.at[pl.ds(sid * RPT, RPT)],
                    out_hbm.at[cid, pl.ds(sid * RPT, RPT)])


_sc_segsum = pl.kernel(
    _sc_segsum_body,
    out_type=jax.ShapeDtypeStruct((NC, ROWS_PAD, D), jnp.float32),
    mesh=plsc.VectorSubcoreMesh(core_axis_name="c", subcore_axis_name="s"),
    scratch_types=[
        pltpu.VMEM((WIN, CHUNK), jnp.int32),
        pltpu.VMEM((WIN, CHUNK), jnp.int32),
        pltpu.VMEM((NBUF, CHUNK, D), jnp.float32),
        pltpu.VMEM_SHARED((ROWS_PAD, D), jnp.float32),
        pltpu.SemaphoreType.DMA((NBUF,)),
    ],
)



def _tc_sage_body(a_ref, x_ref, wl_ref, wr_ref, bl_ref, o_ref):
    agg = a_ref[0] + a_ref[1]
    acc = jnp.dot(agg, wl_ref[...], preferred_element_type=jnp.float32)
    acc += jnp.dot(x_ref[...], wr_ref[...], preferred_element_type=jnp.float32)
    o_ref[...] = jnp.maximum(acc + bl_ref[...], 0.0)


def _tc_sage(a, x, wl, wr, bl):
    n = x.shape[0]
    grid = n // ROW_BLK
    return pl.pallas_call(
        _tc_sage_body,
        grid=(grid,),
        in_specs=[
            pl.BlockSpec((NC, ROW_BLK, D), lambda i: (0, i, 0)),
            pl.BlockSpec((ROW_BLK, D), lambda i: (i, 0)),
            pl.BlockSpec((D, D), lambda i: (0, 0)),
            pl.BlockSpec((D, D), lambda i: (0, 0)),
            pl.BlockSpec((1, D), lambda i: (0, 0)),
        ],
        out_specs=pl.BlockSpec((ROW_BLK, D), lambda i: (i, 0)),
        out_shape=jax.ShapeDtypeStruct((n, D), jnp.float32),
    )(a, x, wl, wr, bl.reshape(1, D))



def _tc_pool_body(h_ref, b_ref, w1_ref, b1_ref, w2_ref, b2_ref, o_ref):
    gids = lax.broadcasted_iota(jnp.int32, (N_GRAPHS, N_NODES), 0)
    onehot = (b_ref[...] == gids).astype(jnp.float32)
    sums = jnp.dot(onehot, h_ref[...], preferred_element_type=jnp.float32)
    counts = jnp.sum(onehot, axis=1, keepdims=True)
    pooled = sums / jnp.maximum(counts, 1.0)
    z = jnp.maximum(
        jnp.dot(pooled, w1_ref[...], preferred_element_type=jnp.float32)
        + b1_ref[...], 0.0)
    z = jnp.dot(z, w2_ref[...], preferred_element_type=jnp.float32) + b2_ref[...]
    o_ref[...] = 1.0 / (1.0 + jnp.exp(-z))


def _tc_pool(h, batch, w1, b1, w2, b2):
    return pl.pallas_call(
        _tc_pool_body,
        out_shape=jax.ShapeDtypeStruct((N_GRAPHS, 1), jnp.float32),
    )(h, batch.reshape(1, N_NODES), w1, b1.reshape(1, D),
      w2, b2.reshape(1, 1))



@jax.jit
def kernel(x, edge_index, batch, Wl1, bl1, Wr1, Wl2, bl2, Wr2, W1, b1, W2, b2):
    epad = jnp.pad(
        edge_index, ((0, 0), (0, (N_CHUNKS_PAD - N_CHUNKS) * CHUNK))
    ).reshape(2, N_CHUNKS_PAD, CHUNK)
    zeros = jnp.zeros((RPT, D), jnp.float32)

    a1 = _sc_segsum(x, epad, zeros)
    h1 = _tc_sage(a1, x, Wl1, Wr1, bl1)
    a2 = _sc_segsum(h1, epad, zeros)
    h2 = _tc_sage(a2, h1, Wl2, Wr2, bl2)
    return _tc_pool(h2, batch, W1, b1, W2, b2)

# --- scband reference (transcript-rebuilt; emitter-appended) ---
"""Pipeline reference for scband-graph-model-38173669327174 (READ-ONLY COPY).

The authoritative reference and input builder live on the scoring server;
editing this copy changes nothing except your own understanding.
"""

import jax, jax.numpy as jnp
import numpy as np

N_NODES = 10000
N_EDGES = 320000
D_IN = 128
D_HID = 128
D_LIN = 128
D_OUT = 1
N_GRAPHS = 64


def setup_inputs(seed: int = 0) -> dict:
    key = jax.random.key(seed)
    ks = jax.random.split(key, 16)
    s = 1.0 / np.sqrt(D_HID)
    x = jax.random.normal(ks[0], (N_NODES, D_IN), dtype=jnp.float32)
    edge_index = jax.random.randint(ks[1], (2, N_EDGES), 0, N_NODES, dtype=jnp.int32)
    batch = jnp.sort(jax.random.randint(ks[2], (N_NODES,), 0, N_GRAPHS, dtype=jnp.int32))
    return {
        "x": x,
        "edge_index": edge_index,
        "batch": batch,
        "Wl1": jax.random.normal(ks[3], (D_IN, D_HID), dtype=jnp.float32) * s,
        "bl1": jnp.zeros((D_HID,), dtype=jnp.float32),
        "Wr1": jax.random.normal(ks[4], (D_IN, D_HID), dtype=jnp.float32) * s,
        "Wl2": jax.random.normal(ks[5], (D_HID, D_HID), dtype=jnp.float32) * s,
        "bl2": jnp.zeros((D_HID,), dtype=jnp.float32),
        "Wr2": jax.random.normal(ks[6], (D_HID, D_HID), dtype=jnp.float32) * s,
        "W1": jax.random.normal(ks[7], (D_HID, D_LIN), dtype=jnp.float32) * s,
        "b1": jnp.zeros((D_LIN,), dtype=jnp.float32),
        "W2": jax.random.normal(ks[8], (D_LIN, D_OUT), dtype=jnp.float32) * s,
        "b2": jnp.zeros((D_OUT,), dtype=jnp.float32),
    }


def _sage_conv(x, src, dst, Wl, bl, Wr, n_nodes):
    # PyG SAGEConv with aggr='add': lin_l(sum_{j in N(i)} x_j) + lin_r(x_i)
    msg = jnp.take(x, src, axis=0)
    agg = jax.ops.segment_sum(msg, dst, num_segments=n_nodes)
    return agg @ Wl + bl + x @ Wr


def reference(x, edge_index, batch, Wl1, bl1, Wr1, Wl2, bl2, Wr2, W1, b1, W2, b2):
    src = edge_index[0]
    dst = edge_index[1]
    n = x.shape[0]
    h = jax.nn.relu(_sage_conv(x, src, dst, Wl1, bl1, Wr1, n))
    h = jax.nn.relu(_sage_conv(h, src, dst, Wl2, bl2, Wr2, n))
    # global_mean_pool over graph ids
    sums = jax.ops.segment_sum(h, batch, num_segments=N_GRAPHS)
    counts = jax.ops.segment_sum(jnp.ones((n, 1), dtype=h.dtype), batch, num_segments=N_GRAPHS)
    pooled = sums / jnp.maximum(counts, 1.0)
    z = jax.nn.relu(pooled @ W1 + b1)
    z = z @ W2 + b2
    return jax.nn.sigmoid(z)

if __name__ == "__main__":
    import jax
    _d = setup_inputs()
    print(jax.jit(kernel)(*tuple(_d.values())))

</pallas_src>

<mosaic_0001>
#map = affine_map<(d0, d1) -> (0, 0)>
#map1 = affine_map<(d0, d1) -> (0, 0, 0)>
module attributes {stable_mosaic.version = 14 : i64} {
  func.func @_sc_segsum_body(%arg0: i32, %arg1: i32, %arg2: memref<10000x128xf32, #tpu.memory_space<hbm>>, %arg3: memref<2x2520x128xi32, #tpu.memory_space<hbm>>, %arg4: memref<632x128xf32, #tpu.memory_space<hbm>>, %arg5: memref<2x10112x128xf32, #tpu.memory_space<hbm>>, %arg6: memref<40x128xi32, #tpu.memory_space<vmem>>, %arg7: memref<40x128xi32, #tpu.memory_space<vmem>>, %arg8: memref<2x128x128xf32, #tpu.memory_space<vmem>>, %arg9: memref<10112x128xf32, #tpu.memory_space<vmem_shared>>, %arg10: memref<2x!tpu.dma_semaphore, #tpu.memory_space<semaphore_mem>>) attributes {dimension_semantics = [#tpu.dimension_semantics<core_parallel>, #tpu.dimension_semantics<subcore_parallel>], iteration_bounds = array<i64: 2, 16>, scalar_prefetch = 0 : i64, scratch_operands = 5 : i64, tpu.core_type = #tpu.core_type<sc_vector_subcore>, window_params = [{transform_indices = #map}, {transform_indices = #map1}, {transform_indices = #map}, {transform_indices = #map1}]} {
    %mul3A = arith.constant 2 : i32
    %mul3A_0 = arith.muli %arg1, %mul3A : i32
    %add3A = arith.addi %mul3A_0, %arg0 : i32
    %mul3A_1 = arith.constant 80 : i32
    %mul3A_2 = arith.muli %add3A, %mul3A_1 : i32
    %sub3A = arith.constant 2500 : i32
    %sub3A_3 = arith.subi %sub3A, %mul3A_2 : i32
    %min3A = arith.constant 80 : i32
    %min3A_4 = arith.minsi %min3A, %sub3A_3 : i32
    %mul3A_5 = arith.constant 632 : i32
    %mul3A_6 = arith.muli %arg1, %mul3A_5 : i32
    "tpu.region"() ({
      %run_scoped3A = tpu.sem_alloc : memref<!tpu.dma_semaphore, #tpu.memory_space<semaphore_mem>>
      %dma_start3A = arith.constant 0 : i32
      %dma_start3A_24 = tpu.memref_slice %arg9[%mul3A_6, %dma_start3A] : memref<10112x128xf32, #tpu.memory_space<vmem_shared>> -> memref<632x128xf32, #tpu.memory_space<vmem_shared>>
      tpu.enqueue_dma source(%arg4 : memref<632x128xf32, #tpu.memory_space<hbm>>) target(%dma_start3A_24 : memref<632x128xf32, #tpu.memory_space<vmem_shared>>) target_semaphore(%run_scoped3A : memref<!tpu.dma_semaphore, #tpu.memory_space<semaphore_mem>>)
      %dma_wait3A = arith.constant 0 : i32
      %dma_wait3A_25 = tpu.memref_slice %arg9[%mul3A_6, %dma_wait3A] : memref<10112x128xf32, #tpu.memory_space<vmem_shared>> -> memref<632x128xf32, #tpu.memory_space<vmem_shared>>
      tpu.wait_dma2 semaphore(%run_scoped3A : memref<!tpu.dma_semaphore, #tpu.memory_space<semaphore_mem>>) src(%arg4 : memref<632x128xf32, #tpu.memory_space<hbm>>) dst(%dma_wait3A_25 : memref<632x128xf32, #tpu.memory_space<vmem_shared>>)
      tpu.yield
    }) : () -> ()
    %barrier3A = arith.constant 0 : index
    tpu.barrier barrier_id(%barrier3A)
    %min3A_7 = arith.constant 40 : i32
    %min3A_8 = arith.minsi %min3A_7, %min3A_4 : i32
    %gt3A = arith.constant 0 : i32
    %gt3A_9 = arith.cmpi sgt, %min3A_8, %gt3A : i32
    %convert_element_type3A = arith.extui %gt3A_9 : i1 to i32
    %cond3A = arith.constant 0 : i32
    %cond3A_10 = arith.cmpi ne, %convert_element_type3A, %cond3A : i32
    scf.if %cond3A_10 {
      %mul3A_24 = arith.constant 80 : i32
      %mul3A_25 = arith.muli %add3A, %mul3A_24 : i32
      %add3A_26 = arith.constant 0 : i32
      %add3A_27 = arith.addi %mul3A_25, %add3A_26 : i32
      %run_scoped3A = arith.constant 0 : i32
      "tpu.region"() ({
        %run_scoped3A_88 = tpu.sem_alloc : memref<!tpu.dma_semaphore, #tpu.memory_space<semaphore_mem>>
        %dma_start3A_89 = arith.constant 0 : i32
        %dma_start3A_90 = tpu.memref_slice %arg3[%run_scoped3A, %add3A_27, %dma_start3A_89] : memref<2x2520x128xi32, #tpu.memory_space<hbm>> -> memref<1x40x128xi32, #tpu.memory_space<hbm>>
        %dma_start3A_91 = tpu.memref_squeeze %dma_start3A_90 : memref<1x40x128xi32, #tpu.memory_space<hbm>> -> memref<40x128xi32, #tpu.memory_space<hbm>>
        %dma_start3A_92 = arith.constant 0 : i32
        %dma_start3A_93 = tpu.memref_slice %arg3[%run_scoped3A, %add3A_27, %dma_start3A_92] : memref<2x2520x128xi32, #tpu.memory_space<hbm>> -> memref<1x40x128xi32, #tpu.memory_space<hbm>>
        %dma_start3A_94 = tpu.memref_squeeze %dma_start3A_93 : memref<1x40x128xi32, #tpu.memory_space<hbm>> -> memref<40x128xi32, #tpu.memory_space<hbm>>
        tpu.enqueue_dma source(%dma_start3A_94 : memref<40x128xi32, #tpu.memory_space<hbm>>) target(%arg6 : memref<40x128xi32, #tpu.memory_space<vmem>>) target_semaphore(%run_scoped3A_88 : memref<!tpu.dma_semaphore, #tpu.memory_space<semaphore_mem>>)
        %dma_wait3A = arith.constant 0 : i32
        %dma_wait3A_95 = tpu.memref_slice %arg3[%run_scoped3A, %add3A_27, %dma_wait3A] : memref<2x2520x128xi32, #tpu.memory_space<hbm>> -> memref<1x40x128xi32, #tpu.memory_space<hbm>>
        %dma_wait3A_96 = tpu.memref_squeeze %dma_wait3A_95 : memref<1x40x128xi32, #tpu.memory_space<hbm>> -> memref<40x128xi32, #tpu.memory_space<hbm>>
        %dma_wait3A_97 = arith.constant 0 : i32
        %dma_wait3A_98 = tpu.memref_slice %arg3[%run_scoped3A, %add3A_27, %dma_wait3A_97] : memref<2x2520x128xi32, #tpu.memory_space<hbm>> -> memref<1x40x128xi32, #tpu.memory_space<hbm>>
        %dma_wait3A_99 = tpu.memref_squeeze %dma_wait3A_98 : memref<1x40x128xi32, #tpu.memory_space<hbm>> -> memref<40x128xi32, #tpu.memory_space<hbm>>
        tpu.wait_dma2 semaphore(%run_scoped3A_88 : memref<!tpu.dma_semaphore, #tpu.memory_space<semaphore_mem>>) src(%dma_wait3A_99 : memref<40x128xi32, #tpu.memory_space<hbm>>) dst(%arg6 : memref<40x128xi32, #tpu.memory_space<vmem>>)
        tpu.yield
      }) : () -> ()
      %run_scoped3A_28 = arith.constant 1 : i32
      "tpu.region"() ({
        %run_scoped3A_88 = tpu.sem_alloc : memref<!tpu.dma_semaphore, #tpu.memory_space<semaphore_mem>>
        %dma_start3A_89 = arith.constant 0 : i32
        %dma_start3A_90 = tpu.memref_slice %arg3[%run_scoped3A_28, %add3A_27, %dma_start3A_89] : memref<2x2520x128xi32, #tpu.memory_space<hbm>> -> memref<1x40x128xi32, #tpu.memory_space<hbm>>
        %dma_start3A_91 = tpu.memref_squeeze %dma_start3A_90 : memref<1x40x128xi32, #tpu.memory_space<hbm>> -> memref<40x128xi32, #tpu.memory_space<hbm>>
        %dma_start3A_92 = arith.constant 0 : i32
        %dma_start3A_93 = tpu.memref_slice %arg3[%run_scoped3A_28, %add3A_27, %dma_start3A_92] : memref<2x2520x128xi32, #tpu.memory_space<hbm>> -> memref<1x40x128xi32, #tpu.memory_space<hbm>>
        %dma_start3A_94 = tpu.memref_squeeze %dma_start3A_93 : memref<1x40x128xi32, #tpu.memory_space<hbm>> -> memref<40x128xi32, #tpu.memory_space<hbm>>
        tpu.enqueue_dma source(%dma_start3A_94 : memref<40x128xi32, #tpu.memory_space<hbm>>) target(%arg7 : memref<40x128xi32, #tpu.memory_space<vmem>>) target_semaphore(%run_scoped3A_88 : memref<!tpu.dma_semaphore, #tpu.memory_space<semaphore_mem>>)
        %dma_wait3A = arith.constant 0 : i32
        %dma_wait3A_95 = tpu.memref_slice %arg3[%run_scoped3A_28, %add3A_27, %dma_wait3A] : memref<2x2520x128xi32, #tpu.memory_space<hbm>> -> memref<1x40x128xi32, #tpu.memory_space<hbm>>
        %dma_wait3A_96 = tpu.memref_squeeze %dma_wait3A_95 : memref<1x40x128xi32, #tpu.memory_space<hbm>> -> memref<40x128xi32, #tpu.memory_space<hbm>>
        %dma_wait3A_97 = arith.constant 0 : i32
        %dma_wait3A_98 = tpu.memref_slice %arg3[%run_scoped3A_28, %add3A_27, %dma_wait3A_97] : memref<2x2520x128xi32, #tpu.memory_space<hbm>> -> memref<1x40x128xi32, #tpu.memory_space<hbm>>
        %dma_wait3A_99 = tpu.memref_squeeze %dma_wait3A_98 : memref<1x40x128xi32, #tpu.memory_space<hbm>> -> memref<40x128xi32, #tpu.memory_space<hbm>>
        tpu.wait_dma2 semaphore(%run_scoped3A_88 : memref<!tpu.dma_semaphore, #tpu.memory_space<semaphore_mem>>) src(%dma_wait3A_99 : memref<40x128xi32, #tpu.memory_space<hbm>>) dst(%arg7 : memref<40x128xi32, #tpu.memory_space<vmem>>)
        tpu.yield
      }) : () -> ()
      %dma_start3A = arith.constant 0 : i32
      %dma_start3A_29 = arith.constant 0 : i32
      %dma_start3A_30 = arith.constant 0 : i32
      %dma_start3A_31 = arith.constant 0 : i32
      %dma_start3A_32 = arith.constant 0 : i32
      %dma_start3A_33 = tpu.memref_slice %arg8[%dma_start3A_29, %dma_start3A_31, %dma_start3A_32] : memref<2x128x128xf32, #tpu.memory_space<vmem>> -> memref<1x128x128xf32, #tpu.memory_space<vmem>>
      %dma_start3A_34 = tpu.memref_squeeze %dma_start3A_33 : memref<1x128x128xf32, #tpu.memory_space<vmem>> -> memref<128x128xf32, #tpu.memory_space<vmem>>
      %dma_start3A_35 = arith.constant 0 : i32
      %dma_start3A_36 = tpu.memref_slice %arg6[%dma_start3A, %dma_start3A_35] : memref<40x128xi32, #tpu.memory_space<vmem>> -> memref<1x128xi32, #tpu.memory_space<vmem>>
      %dma_start3A_37 = tpu.memref_squeeze %dma_start3A_36 : memref<1x128xi32, #tpu.memory_space<vmem>> -> memref<128xi32, #tpu.memory_space<vmem>>
      %dma_start3A_38 = arith.constant 0 : i32
      %dma_start3A_39 = arith.constant 0 : i32
      %dma_start3A_40 = tpu.memref_slice %arg2[%dma_start3A_38, %dma_start3A_39] : memref<10000x128xf32, #tpu.memory_space<hbm>> -> memref<10000x128xf32, #tpu.memory_space<hbm>>
      %dma_start3A_41 = tpu.memref_slice %arg10[%dma_start3A_30] : memref<2x!tpu.dma_semaphore, #tpu.memory_space<semaphore_mem>> -> memref<1x!tpu.dma_semaphore, #tpu.memory_space<semaphore_mem>>
      %dma_start3A_42 = tpu.memref_squeeze %dma_start3A_41 : memref<1x!tpu.dma_semaphore, #tpu.memory_space<semaphore_mem>> -> memref<!tpu.dma_semaphore, #tpu.memory_space<semaphore_mem>>
      tpu.enqueue_indirect_dma source(%dma_start3A_40 : memref<10000x128xf32, #tpu.memory_space<hbm>>) target(%dma_start3A_34 : memref<128x128xf32, #tpu.memory_space<vmem>>) offsets(%dma_start3A_37 : memref<128xi32, #tpu.memory_space<vmem>>) semaphore(%dma_start3A_42 : memref<!tpu.dma_semaphore, #tpu.memory_space<semaphore_mem>>)
      %dma_start3A_43 = arith.constant 1 : i32
      %dma_start3A_44 = arith.constant 1 : i32
      %dma_start3A_45 = arith.constant 1 : i32
      %dma_start3A_46 = arith.constant 0 : i32
      %dma_start3A_47 = arith.constant 0 : i32
      %dma_start3A_48 = tpu.memref_slice %arg8[%dma_start3A_44, %dma_start3A_46, %dma_start3A_47] : memref<2x128x128xf32, #tpu.memory_space<vmem>> -> memref<1x128x128xf32, #tpu.memory_space<vmem>>
      %dma_start3A_49 = tpu.memref_squeeze %dma_start3A_48 : memref<1x128x128xf32, #tpu.memory_space<vmem>> -> memref<128x128xf32, #tpu.memory_space<vmem>>
      %dma_start3A_50 = arith.constant 0 : i32
      %dma_start3A_51 = tpu.memref_slice %arg6[%dma_start3A_43, %dma_start3A_50] : memref<40x128xi32, #tpu.memory_space<vmem>> -> memref<1x128xi32, #tpu.memory_space<vmem>>
      %dma_start3A_52 = tpu.memref_squeeze %dma_start3A_51 : memref<1x128xi32, #tpu.memory_space<vmem>> -> memref<128xi32, #tpu.memory_space<vmem>>
      %dma_start3A_53 = arith.constant 0 : i32
      %dma_start3A_54 = arith.constant 0 : i32
      %dma_start3A_55 = tpu.memref_slice %arg2[%dma_start3A_53, %dma_start3A_54] : memref<10000x128xf32, #tpu.memory_space<hbm>> -> memref<10000x128xf32, #tpu.memory_space<hbm>>
      %dma_start3A_56 = tpu.memref_slice %arg10[%dma_start3A_45] : memref<2x!tpu.dma_semaphore, #tpu.memory_space<semaphore_mem>> -> memref<1x!tpu.dma_semaphore, #tpu.memory_space<semaphore_mem>>
      %dma_start3A_57 = tpu.memref_squeeze %dma_start3A_56 : memref<1x!tpu.dma_semaphore, #tpu.memory_space<semaphore_mem>> -> memref<!tpu.dma_semaphore, #tpu.memory_space<semaphore_mem>>
      tpu.enqueue_indirect_dma source(%dma_start3A_55 : memref<10000x128xf32, #tpu.memory_space<hbm>>) target(%dma_start3A_49 : memref<128x128xf32, #tpu.memory_space<vmem>>) offsets(%dma_start3A_52 : memref<128xi32, #tpu.memory_space<vmem>>) semaphore(%dma_start3A_57 : memref<!tpu.dma_semaphore, #tpu.memory_space<semaphore_mem>>)
      %add3A_58 = arith.constant 2 : i32
      %add3A_59 = arith.addi %min3A_8, %add3A_58 : i32
      %sub3A_60 = arith.constant 1 : i32
      %sub3A_61 = arith.subi %add3A_59, %sub3A_60 : i32
      %jit3A = arith.constant 2 : i32
      %div3A = arith.divsi %sub3A_61, %jit3A : i32
      %sign3A = arith.constant 0 : i32
      %sign3A_62 = arith.cmpi sgt, %sub3A_61, %sign3A : i32
      %sign3A_63 = arith.extui %sign3A_62 : i1 to i32
      %sign3A_64 = arith.constant 0 : i32
      %sign3A_65 = arith.cmpi slt, %sub3A_61, %sign3A_64 : i32
      %sign3A_66 = arith.extui %sign3A_65 : i1 to i32
      %sign3A_67 = arith.subi %sign3A_63, %sign3A_66 : i32
      %sign3A_68 = arith.constant 0 : i32
      %sign3A_69 = arith.cmpi sgt, %jit3A, %sign3A_68 : i32
      %sign3A_70 = arith.extui %sign3A_69 : i1 to i32
      %sign3A_71 = arith.constant 0 : i32
      %sign3A_72 = arith.cmpi slt, %jit3A, %sign3A_71 : i32
      %sign3A_73 = arith.extui %sign3A_72 : i1 to i32
      %sign3A_74 = arith.subi %sign3A_70, %sign3A_73 : i32
      %ne3A = arith.cmpi ne, %sign3A_67, %sign3A_74 : i32
      %rem3A = arith.remsi %sub3A_61, %jit3A : i32
      %ne3A_75 = arith.constant 0 : i32
      %ne3A_76 = arith.cmpi ne, %rem3A, %ne3A_75 : i32
      %and3A = arith.andi %ne3A, %ne3A_76 : i1
      %sub3A_77 = arith.constant 1 : i32
      %sub3A_78 = arith.subi %div3A, %sub3A_77 : i32
      %select_n3A = arith.select %and3A, %sub3A_78, %div3A : i32
      %while3A = arith.constant 0 : i32
      %while3A_79 = arith.constant 0 : i32
      %while3A_80 = arith.subi %select_n3A, %while3A_79 : i32
      %while3A_81 = arith.addi %while3A_79, %while3A_80 : i32
      %while3A_82 = arith.constant 1 : i32
      %while3A_83 = arith.divsi %while3A_80, %while3A_82 : i32
      %while3A_84 = arith.muli %while3A_83, %while3A_82 : i32
      %while3A_85 = arith.addi %while3A_79, %while3A_84 : i32
      %while3A_86 = arith.constant 1 : i32
      scf.for %while3A_88 = %while3A_79 to %while3A_85 step %while3A_86  : i32 {
        %mul3A_89 = arith.constant 2 : i32
        %mul3A_90 = arith.muli %while3A_88, %mul3A_89 : i32
        %add3A_91 = arith.constant 0 : i32
        %add3A_92 = arith.addi %mul3A_90, %add3A_91 : i32
        %lt3A = arith.cmpi slt, %add3A_92, %min3A_8 : i32
        %convert_element_type3A_93 = arith.extui %lt3A : i1 to i32
        %cond3A_94 = arith.constant 0 : i32
        %cond3A_95 = arith.cmpi ne, %convert_element_type3A_93, %cond3A_94 : i32
        scf.if %cond3A_95 {
          %dma_wait3A = arith.constant 0 : i32
          %dma_wait3A_102 = arith.constant 0 : i32
          %dma_wait3A_103 = arith.constant 0 : i32
          %dma_wait3A_104 = arith.constant 0 : i32
          %dma_wait3A_105 = tpu.memref_slice %arg8[%dma_wait3A, %dma_wait3A_103, %dma_wait3A_104] : memref<2x128x128xf32, #tpu.memory_space<vmem>> -> memref<1x128x128xf32, #tpu.memory_space<vmem>>
          %dma_wait3A_106 = tpu.memref_squeeze %dma_wait3A_105 : memref<1x128x128xf32, #tpu.memory_space<vmem>> -> memref<128x128xf32, #tpu.memory_space<vmem>>
          %dma_wait3A_107 = arith.constant 0 : i32
          %dma_wait3A_108 = tpu.memref_slice %arg6[%add3A_92, %dma_wait3A_107] : memref<40x128xi32, #tpu.memory_space<vmem>> -> memref<1x128xi32, #tpu.memory_space<vmem>>
          %dma_wait3A_109 = tpu.memref_squeeze %dma_wait3A_108 : memref<1x128xi32, #tpu.memory_space<vmem>> -> memref<128xi32, #tpu.memory_space<vmem>>
          %dma_wait3A_110 = arith.constant 0 : i32
          %dma_wait3A_111 = arith.constant 0 : i32
          %dma_wait3A_112 = tpu.memref_slice %arg2[%dma_wait3A_110, %dma_wait3A_111] : memref<10000x128xf32, #tpu.memory_space<hbm>> -> memref<10000x128xf32, #tpu.memory_space<hbm>>
          %dma_wait3A_113 = tpu.memref_slice %arg10[%dma_wait3A_102] : memref<2x!tpu.dma_semaphore, #tpu.memory_space<semaphore_mem>> -> memref<1x!tpu.dma_semaphore, #tpu.memory_space<semaphore_mem>>
          %dma_wait3A_114 = tpu.memref_squeeze %dma_wait3A_113 : memref<1x!tpu.dma_semaphore, #tpu.memory_space<semaphore_mem>> -> memref<!tpu.dma_semaphore, #tpu.memory_space<semaphore_mem>>
          tpu.wait_indirect_dma semaphore(%dma_wait3A_114 : memref<!tpu.dma_semaphore, #tpu.memory_space<semaphore_mem>>) src(%dma_wait3A_112 : memref<10000x128xf32, #tpu.memory_space<hbm>>) dst(%dma_wait3A_106 : memref<128x128xf32, #tpu.memory_space<vmem>>)
          %run_scoped3A_115 = arith.constant 0 : i32
          "tpu.region"() ({
            %run_scoped3A_122 = tpu.sem_alloc : memref<!tpu.dma_semaphore, #tpu.memory_space<semaphore_mem>>
            %dma_start3A_123 = arith.constant 0 : i32
            %dma_start3A_124 = arith.constant 0 : i32
            %dma_start3A_125 = tpu.memref_slice %arg8[%run_scoped3A_115, %dma_start3A_123, %dma_start3A_124] : memref<2x128x128xf32, #tpu.memory_space<vmem>> -> memref<1x128x128xf32, #tpu.memory_space<vmem>>
            %dma_start3A_126 = tpu.memref_squeeze %dma_start3A_125 : memref<1x128x128xf32, #tpu.memory_space<vmem>> -> memref<128x128xf32, #tpu.memory_space<vmem>>
            %dma_start3A_127 = arith.constant 0 : i32
            %dma_start3A_128 = tpu.memref_slice %arg7[%add3A_92, %dma_start3A_127] : memref<40x128xi32, #tpu.memory_space<vmem>> -> memref<1x128xi32, #tpu.memory_space<vmem>>
            %dma_start3A_129 = tpu.memref_squeeze %dma_start3A_128 : memref<1x128xi32, #tpu.memory_space<vmem>> -> memref<128xi32, #tpu.memory_space<vmem>>
            %dma_start3A_130 = arith.constant 0 : i32
            %dma_start3A_131 = arith.constant 0 : i32
            %dma_start3A_132 = tpu.memref_slice %arg9[%dma_start3A_130, %dma_start3A_131] : memref<10112x128xf32, #tpu.memory_space<vmem_shared>> -> memref<10112x128xf32, #tpu.memory_space<vmem_shared>>
            tpu.enqueue_indirect_dma source(%dma_start3A_126 : memref<128x128xf32, #tpu.memory_space<vmem>>) target(%dma_start3A_132 : memref<10112x128xf32, #tpu.memory_space<vmem_shared>>) offsets(%dma_start3A_129 : memref<128xi32, #tpu.memory_space<vmem>>) semaphore(%run_scoped3A_122 : memref<!tpu.dma_semaphore, #tpu.memory_space<semaphore_mem>>) {add = true}
            %dma_wait3A_133 = arith.constant 0 : i32
            %dma_wait3A_134 = arith.constant 0 : i32
            %dma_wait3A_135 = tpu.memref_slice %arg8[%run_scoped3A_115, %dma_wait3A_133, %dma_wait3A_134] : memref<2x128x128xf32, #tpu.memory_space<vmem>> -> memref<1x128x128xf32, #tpu.memory_space<vmem>>
            %dma_wait3A_136 = tpu.memref_squeeze %dma_wait3A_135 : memref<1x128x128xf32, #tpu.memory_space<vmem>> -> memref<128x128xf32, #tpu.memory_space<vmem>>
            %dma_wait3A_137 = arith.constant 0 : i32
            %dma_wait3A_138 = tpu.memref_slice %arg7[%add3A_92, %dma_wait3A_137] : memref<40x128xi32, #tpu.memory_space<vmem>> -> memref<1x128xi32, #tpu.memory_space<vmem>>
            %dma_wait3A_139 = tpu.memref_squeeze %dma_wait3A_138 : memref<1x128xi32, #tpu.memory_space<vmem>> -> memref<128xi32, #tpu.memory_space<vmem>>
            %dma_wait3A_140 = arith.constant 0 : i32
            %dma_wait3A_141 = arith.constant 0 : i32
            %dma_wait3A_142 = tpu.memref_slice %arg9[%dma_wait3A_140, %dma_wait3A_141] : memref<10112x128xf32, #tpu.memory_space<vmem_shared>> -> memref<10112x128xf32, #tpu.memory_space<vmem_shared>>
            tpu.wait_indirect_dma semaphore(%run_scoped3A_122 : memref<!tpu.dma_semaphore, #tpu.memory_space<semaphore_mem>>) src(%dma_wait3A_136 : memref<128x128xf32, #tpu.memory_space<vmem>>) dst(%dma_wait3A_142 : memref<10112x128xf32, #tpu.memory_space<vmem_shared>>)
            tpu.yield
          }) : () -> ()
          %add3A_116 = arith.constant 2 : i32
          %add3A_117 = arith.addi %add3A_92, %add3A_116 : i32
          %lt3A_118 = arith.cmpi slt, %add3A_117, %min3A_8 : i32
          %convert_element_type3A_119 = arith.extui %lt3A_118 : i1 to i32
          %cond3A_120 = arith.constant 0 : i32
          %cond3A_121 = arith.cmpi ne, %convert_element_type3A_119, %cond3A_120 : i32
          scf.if %cond3A_121 {
            %add3A_122 = arith.constant 2 : i32
            %add3A_123 = arith.addi %add3A_92, %add3A_122 : i32
            %dma_start3A_124 = arith.constant 0 : i32
            %dma_start3A_125 = arith.constant 0 : i32
            %dma_start3A_126 = arith.constant 0 : i32
            %dma_start3A_127 = arith.constant 0 : i32
            %dma_start3A_128 = tpu.memref_slice %arg8[%dma_start3A_124, %dma_start3A_126, %dma_start3A_127] : memref<2x128x128xf32, #tpu.memory_space<vmem>> -> memref<1x128x128xf32, #tpu.memory_space<vmem>>
            %dma_start3A_129 = tpu.memref_squeeze %dma_start3A_128 : memref<1x128x128xf32, #tpu.memory_space<vmem>> -> memref<128x128xf32, #tpu.memory_space<vmem>>
            %dma_start3A_130 = arith.constant 0 : i32
            %dma_start3A_131 = tpu.memref_slice %arg6[%add3A_123, %dma_start3A_130] : memref<40x128xi32, #tpu.memory_space<vmem>> -> memref<1x128xi32, #tpu.memory_space<vmem>>
            %dma_start3A_132 = tpu.memref_squeeze %dma_start3A_131 : memref<1x128xi32, #tpu.memory_space<vmem>> -> memref<128xi32, #tpu.memory_space<vmem>>
            %dma_start3A_133 = arith.constant 0 : i32
            %dma_start3A_134 = arith.constant 0 : i32
            %dma_start3A_135 = tpu.memref_slice %arg2[%dma_start3A_133, %dma_start3A_134] : memref<10000x128xf32, #tpu.memory_space<hbm>> -> memref<10000x128xf32, #tpu.memory_space<hbm>>
            %dma_start3A_136 = tpu.memref_slice %arg10[%dma_start3A_125] : memref<2x!tpu.dma_semaphore, #tpu.memory_space<semaphore_mem>> -> memref<1x!tpu.dma_semaphore, #tpu.memory_space<semaphore_mem>>
            %dma_start3A_137 = tpu.memref_squeeze %dma_start3A_136 : memref<1x!tpu.dma_semaphore, #tpu.memory_space<semaphore_mem>> -> memref<!tpu.dma_semaphore, #tpu.memory_space<semaphore_mem>>
            tpu.enqueue_indirect_dma source(%dma_start3A_135 : memref<10000x128xf32, #tpu.memory_space<hbm>>) target(%dma_start3A_129 : memref<128x128xf32, #tpu.memory_space<vmem>>) offsets(%dma_start3A_132 : memref<128xi32, #tpu.memory_space<vmem>>) semaphore(%dma_start3A_137 : memref<!tpu.dma_semaphore, #tpu.memory_space<semaphore_mem>>)
          } else {
          }
        } else {
        }
        %add3A_96 = arith.constant 1 : i32
        %add3A_97 = arith.addi %mul3A_90, %add3A_96 : i32
        %lt3A_98 = arith.cmpi slt, %add3A_97, %min3A_8 : i32
        %convert_element_type3A_99 = arith.extui %lt3A_98 : i1 to i32
        %cond3A_100 = arith.constant 0 : i32
        %cond3A_101 = arith.cmpi ne, %convert_element_type3A_99, %cond3A_100 : i32
        scf.if %cond3A_101 {
          %dma_wait3A = arith.constant 1 : i32
          %dma_wait3A_102 = arith.constant 1 : i32
          %dma_wait3A_103 = arith.constant 0 : i32
          %dma_wait3A_104 = arith.constant 0 : i32
          %dma_wait3A_105 = tpu.memref_slice %arg8[%dma_wait3A, %dma_wait3A_103, %dma_wait3A_104] : memref<2x128x128xf32, #tpu.memory_space<vmem>> -> memref<1x128x128xf32, #tpu.memory_space<vmem>>
          %dma_wait3A_106 = tpu.memref_squeeze %dma_wait3A_105 : memref<1x128x128xf32, #tpu.memory_space<vmem>> -> memref<128x128xf32, #tpu.memory_space<vmem>>
          %dma_wait3A_107 = arith.constant 0 : i32
          %dma_wait3A_108 = tpu.memref_slice %arg6[%add3A_97, %dma_wait3A_107] : memref<40x128xi32, #tpu.memory_space<vmem>> -> memref<1x128xi32, #tpu.memory_space<vmem>>
          %dma_wait3A_109 = tpu.memref_squeeze %dma_wait3A_108 : memref<1x128xi32, #tpu.memory_space<vmem>> -> memref<128xi32, #tpu.memory_space<vmem>>
          %dma_wait3A_110 = arith.constant 0 : i32
          %dma_wait3A_111 = arith.constant 0 : i32
          %dma_wait3A_112 = tpu.memref_slice %arg2[%dma_wait3A_110, %dma_wait3A_111] : memref<10000x128xf32, #tpu.memory_space<hbm>> -> memref<10000x128xf32, #tpu.memory_space<hbm>>
          %dma_wait3A_113 = tpu.memref_slice %arg10[%dma_wait3A_102] : memref<2x!tpu.dma_semaphore, #tpu.memory_space<semaphore_mem>> -> memref<1x!tpu.dma_semaphore, #tpu.memory_space<semaphore_mem>>
          %dma_wait3A_114 = tpu.memref_squeeze %dma_wait3A_113 : memref<1x!tpu.dma_semaphore, #tpu.memory_space<semaphore_mem>> -> memref<!tpu.dma_semaphore, #tpu.memory_space<semaphore_mem>>
          tpu.wait_indirect_dma semaphore(%dma_wait3A_114 : memref<!tpu.dma_semaphore, #tpu.memory_space<semaphore_mem>>) src(%dma_wait3A_112 : memref<10000x128xf32, #tpu.memory_space<hbm>>) dst(%dma_wait3A_106 : memref<128x128xf32, #tpu.memory_space<vmem>>)
          %run_scoped3A_115 = arith.constant 1 : i32
          "tpu.region"() ({
            %run_scoped3A_122 = tpu.sem_alloc : memref<!tpu.dma_semaphore, #tpu.memory_space<semaphore_mem>>
            %dma_start3A_123 = arith.constant 0 : i32
            %dma_start3A_124 = arith.constant 0 : i32
            %dma_start3A_125 = tpu.memref_slice %arg8[%run_scoped3A_115, %dma_start3A_123, %dma_start3A_124] : memref<2x128x128xf32, #tpu.memory_space<vmem>> -> memref<1x128x128xf32, #tpu.memory_space<vmem>>
            %dma_start3A_126 = tpu.memref_squeeze %dma_start3A_125 : memref<1x128x128xf32, #tpu.memory_space<vmem>> -> memref<128x128xf32, #tpu.memory_space<vmem>>
            %dma_start3A_127 = arith.constant 0 : i32
            %dma_start3A_128 = tpu.memref_slice %arg7[%add3A_97, %dma_start3A_127] : memref<40x128xi32, #tpu.memory_space<vmem>> -> memref<1x128xi32, #tpu.memory_space<vmem>>
            %dma_start3A_129 = tpu.memref_squeeze %dma_start3A_128 : memref<1x128xi32, #tpu.memory_space<vmem>> -> memref<128xi32, #tpu.memory_space<vmem>>
            %dma_start3A_130 = arith.constant 0 : i32
            %dma_start3A_131 = arith.constant 0 : i32
            %dma_start3A_132 = tpu.memref_slice %arg9[%dma_start3A_130, %dma_start3A_131] : memref<10112x128xf32, #tpu.memory_space<vmem_shared>> -> memref<10112x128xf32, #tpu.memory_space<vmem_shared>>
            tpu.enqueue_indirect_dma source(%dma_start3A_126 : memref<128x128xf32, #tpu.memory_space<vmem>>) target(%dma_start3A_132 : memref<10112x128xf32, #tpu.memory_space<vmem_shared>>) offsets(%dma_start3A_129 : memref<128xi32, #tpu.memory_space<vmem>>) semaphore(%run_scoped3A_122 : memref<!tpu.dma_semaphore, #tpu.memory_space<semaphore_mem>>) {add = true}
            %dma_wait3A_133 = arith.constant 0 : i32
            %dma_wait3A_134 = arith.constant 0 : i32
            %dma_wait3A_135 = tpu.memref_slice %arg8[%run_scoped3A_115, %dma_wait3A_133, %dma_wait3A_134] : memref<2x128x128xf32, #tpu.memory_space<vmem>> -> memref<1x128x128xf32, #tpu.memory_space<vmem>>
            %dma_wait3A_136 = tpu.memref_squeeze %dma_wait3A_135 : memref<1x128x128xf32, #tpu.memory_space<vmem>> -> memref<128x128xf32, #tpu.memory_space<vmem>>
            %dma_wait3A_137 = arith.constant 0 : i32
            %dma_wait3A_138 = tpu.memref_slice %arg7[%add3A_97, %dma_wait3A_137] : memref<40x128xi32, #tpu.memory_space<vmem>> -> memref<1x128xi32, #tpu.memory_space<vmem>>
            %dma_wait3A_139 = tpu.memref_squeeze %dma_wait3A_138 : memref<1x128xi32, #tpu.memory_space<vmem>> -> memref<128xi32, #tpu.memory_space<vmem>>
            %dma_wait3A_140 = arith.constant 0 : i32
            %dma_wait3A_141 = arith.constant 0 : i32
            %dma_wait3A_142 = tpu.memref_slice %arg9[%dma_wait3A_140, %dma_wait3A_141] : memref<10112x128xf32, #tpu.memory_space<vmem_shared>> -> memref<10112x128xf32, #tpu.memory_space<vmem_shared>>
            tpu.wait_indirect_dma semaphore(%run_scoped3A_122 : memref<!tpu.dma_semaphore, #tpu.memory_space<semaphore_mem>>) src(%dma_wait3A_136 : memref<128x128xf32, #tpu.memory_space<vmem>>) dst(%dma_wait3A_142 : memref<10112x128xf32, #tpu.memory_space<vmem_shared>>)
            tpu.yield
          }) : () -> ()
          %add3A_116 = arith.constant 2 : i32
          %add3A_117 = arith.addi %add3A_97, %add3A_116 : i32
          %lt3A_118 = arith.cmpi slt, %add3A_117, %min3A_8 : i32
          %convert_element_type3A_119 = arith.extui %lt3A_118 : i1 to i32
          %cond3A_120 = arith.constant 0 : i32
          %cond3A_121 = arith.cmpi ne, %convert_element_type3A_119, %cond3A_120 : i32
          scf.if %cond3A_121 {
            %add3A_122 = arith.constant 2 : i32
            %add3A_123 = arith.addi %add3A_97, %add3A_122 : i32
            %dma_start3A_124 = arith.constant 1 : i32
            %dma_start3A_125 = arith.constant 1 : i32
            %dma_start3A_126 = arith.constant 0 : i32
            %dma_start3A_127 = arith.constant 0 : i32
            %dma_start3A_128 = tpu.memref_slice %arg8[%dma_start3A_124, %dma_start3A_126, %dma_start3A_127] : memref<2x128x128xf32, #tpu.memory_space<vmem>> -> memref<1x128x128xf32, #tpu.memory_space<vmem>>
            %dma_start3A_129 = tpu.memref_squeeze %dma_start3A_128 : memref<1x128x128xf32, #tpu.memory_space<vmem>> -> memref<128x128xf32, #tpu.memory_space<vmem>>
            %dma_start3A_130 = arith.constant 0 : i32
            %dma_start3A_131 = tpu.memref_slice %arg6[%add3A_123, %dma_start3A_130] : memref<40x128xi32, #tpu.memory_space<vmem>> -> memref<1x128xi32, #tpu.memory_space<vmem>>
            %dma_start3A_132 = tpu.memref_squeeze %dma_start3A_131 : memref<1x128xi32, #tpu.memory_space<vmem>> -> memref<128xi32, #tpu.memory_space<vmem>>
            %dma_start3A_133 = arith.constant 0 : i32
            %dma_start3A_134 = arith.constant 0 : i32
            %dma_start3A_135 = tpu.memref_slice %arg2[%dma_start3A_133, %dma_start3A_134] : memref<10000x128xf32, #tpu.memory_space<hbm>> -> memref<10000x128xf32, #tpu.memory_space<hbm>>
            %dma_start3A_136 = tpu.memref_slice %arg10[%dma_start3A_125] : memref<2x!tpu.dma_semaphore, #tpu.memory_space<semaphore_mem>> -> memref<1x!tpu.dma_semaphore, #tpu.memory_space<semaphore_mem>>
            %dma_start3A_137 = tpu.memref_squeeze %dma_start3A_136 : memref<1x!tpu.dma_semaphore, #tpu.memory_space<semaphore_mem>> -> memref<!tpu.dma_semaphore, #tpu.memory_space<semaphore_mem>>
            tpu.enqueue_indirect_dma source(%dma_start3A_135 : memref<10000x128xf32, #tpu.memory_space<hbm>>) target(%dma_start3A_129 : memref<128x128xf32, #tpu.memory_space<vmem>>) offsets(%dma_start3A_132 : memref<128xi32, #tpu.memory_space<vmem>>) semaphore(%dma_start3A_137 : memref<!tpu.dma_semaphore, #tpu.memory_space<semaphore_mem>>)
          } else {
          }
        } else {
        }
      }
      %while3A_87 = arith.constant 1 : i32
      scf.for %while3A_88 = %while3A_85 to %while3A_81 step %while3A_87  : i32 {
        %mul3A_89 = arith.constant 2 : i32
        %mul3A_90 = arith.muli %while3A_88, %mul3A_89 : i32
        %add3A_91 = arith.constant 0 : i32
        %add3A_92 = arith.addi %mul3A_90, %add3A_91 : i32
        %lt3A = arith.cmpi slt, %add3A_92, %min3A_8 : i32
        %convert_element_type3A_93 = arith.extui %lt3A : i1 to i32
        %cond3A_94 = arith.constant 0 : i32
        %cond3A_95 = arith.cmpi ne, %convert_element_type3A_93, %cond3A_94 : i32
        scf.if %cond3A_95 {
          %dma_wait3A = arith.constant 0 : i32
          %dma_wait3A_102 = arith.constant 0 : i32
          %dma_wait3A_103 = arith.constant 0 : i32
          %dma_wait3A_104 = arith.constant 0 : i32
          %dma_wait3A_105 = tpu.memref_slice %arg8[%dma_wait3A, %dma_wait3A_103, %dma_wait3A_104] : memref<2x128x128xf32, #tpu.memory_space<vmem>> -> memref<1x128x128xf32, #tpu.memory_space<vmem>>
          %dma_wait3A_106 = tpu.memref_squeeze %dma_wait3A_105 : memref<1x128x128xf32, #tpu.memory_space<vmem>> -> memref<128x128xf32, #tpu.memory_space<vmem>>
          %dma_wait3A_107 = arith.constant 0 : i32
          %dma_wait3A_108 = tpu.memref_slice %arg6[%add3A_92, %dma_wait3A_107] : memref<40x128xi32, #tpu.memory_space<vmem>> -> memref<1x128xi32, #tpu.memory_space<vmem>>
          %dma_wait3A_109 = tpu.memref_squeeze %dma_wait3A_108 : memref<1x128xi32, #tpu.memory_space<vmem>> -> memref<128xi32, #tpu.memory_space<vmem>>
          %dma_wait3A_110 = arith.constant 0 : i32
          %dma_wait3A_111 = arith.constant 0 : i32
          %dma_wait3A_112 = tpu.memref_slice %arg2[%dma_wait3A_110, %dma_wait3A_111] : memref<10000x128xf32, #tpu.memory_space<hbm>> -> memref<10000x128xf32, #tpu.memory_space<hbm>>
          %dma_wait3A_113 = tpu.memref_slice %arg10[%dma_wait3A_102] : memref<2x!tpu.dma_semaphore, #tpu.memory_space<semaphore_mem>> -> memref<1x!tpu.dma_semaphore, #tpu.memory_space<semaphore_mem>>
          %dma_wait3A_114 = tpu.memref_squeeze %dma_wait3A_113 : memref<1x!tpu.dma_semaphore, #tpu.memory_space<semaphore_mem>> -> memref<!tpu.dma_semaphore, #tpu.memory_space<semaphore_mem>>
          tpu.wait_indirect_dma semaphore(%dma_wait3A_114 : memref<!tpu.dma_semaphore, #tpu.memory_space<semaphore_mem>>) src(%dma_wait3A_112 : memref<10000x128xf32, #tpu.memory_space<hbm>>) dst(%dma_wait3A_106 : memref<128x128xf32, #tpu.memory_space<vmem>>)
          %run_scoped3A_115 = arith.constant 0 : i32
          "tpu.region"() ({
            %run_scoped3A_122 = tpu.sem_alloc : memref<!tpu.dma_semaphore, #tpu.memory_space<semaphore_mem>>
            %dma_start3A_123 = arith.constant 0 : i32
            %dma_start3A_124 = arith.constant 0 : i32
            %dma_start3A_125 = tpu.memref_slice %arg8[%run_scoped3A_115, %dma_start3A_123, %dma_start3A_124] : memref<2x128x128xf32, #tpu.memory_space<vmem>> -> memref<1x128x128xf32, #tpu.memory_space<vmem>>
            %dma_start3A_126 = tpu.memref_squeeze %dma_start3A_125 : memref<1x128x128xf32, #tpu.memory_space<vmem>> -> memref<128x128xf32, #tpu.memory_space<vmem>>
            %dma_start3A_127 = arith.constant 0 : i32
            %dma_start3A_128 = tpu.memref_slice %arg7[%add3A_92, %dma_start3A_127] : memref<40x128xi32, #tpu.memory_space<vmem>> -> memref<1x128xi32, #tpu.memory_space<vmem>>
            %dma_start3A_129 = tpu.memref_squeeze %dma_start3A_128 : memref<1x128xi32, #tpu.memory_space<vmem>> -> memref<128xi32, #tpu.memory_space<vmem>>
            %dma_start3A_130 = arith.constant 0 : i32
            %dma_start3A_131 = arith.constant 0 : i32
            %dma_start3A_132 = tpu.memref_slice %arg9[%dma_start3A_130, %dma_start3A_131] : memref<10112x128xf32, #tpu.memory_space<vmem_shared>> -> memref<10112x128xf32, #tpu.memory_space<vmem_shared>>
            tpu.enqueue_indirect_dma source(%dma_start3A_126 : memref<128x128xf32, #tpu.memory_space<vmem>>) target(%dma_start3A_132 : memref<10112x128xf32, #tpu.memory_space<vmem_shared>>) offsets(%dma_start3A_129 : memref<128xi32, #tpu.memory_space<vmem>>) semaphore(%run_scoped3A_122 : memref<!tpu.dma_semaphore, #tpu.memory_space<semaphore_mem>>) {add = true}
            %dma_wait3A_133 = arith.constant 0 : i32
            %dma_wait3A_134 = arith.constant 0 : i32
            %dma_wait3A_135 = tpu.memref_slice %arg8[%run_scoped3A_115, %dma_wait3A_133, %dma_wait3A_134] : memref<2x128x128xf32, #tpu.memory_space<vmem>> -> memref<1x128x128xf32, #tpu.memory_space<vmem>>
            %dma_wait3A_136 = tpu.memref_squeeze %dma_wait3A_135 : memref<1x128x128xf32, #tpu.memory_space<vmem>> -> memref<128x128xf32, #tpu.memory_space<vmem>>
            %dma_wait3A_137 = arith.constant 0 : i32
            %dma_wait3A_138 = tpu.memref_slice %arg7[%add3A_92, %dma_wait3A_137] : memref<40x128xi32, #tpu.memory_space<vmem>> -> memref<1x128xi32, #tpu.memory_space<vmem>>
            %dma_wait3A_139 = tpu.memref_squeeze %dma_wait3A_138 : memref<1x128xi32, #tpu.memory_space<vmem>> -> memref<128xi32, #tpu.memory_space<vmem>>
            %dma_wait3A_140 = arith.constant 0 : i32
            %dma_wait3A_141 = arith.constant 0 : i32
            %dma_wait3A_142 = tpu.memref_slice %arg9[%dma_wait3A_140, %dma_wait3A_141] : memref<10112x128xf32, #tpu.memory_space<vmem_shared>> -> memref<10112x128xf32, #tpu.memory_space<vmem_shared>>
            tpu.wait_indirect_dma semaphore(%run_scoped3A_122 : memref<!tpu.dma_semaphore, #tpu.memory_space<semaphore_mem>>) src(%dma_wait3A_136 : memref<128x128xf32, #tpu.memory_space<vmem>>) dst(%dma_wait3A_142 : memref<10112x128xf32, #tpu.memory_space<vmem_shared>>)
            tpu.yield
          }) : () -> ()
          %add3A_116 = arith.constant 2 : i32
          %add3A_117 = arith.addi %add3A_92, %add3A_116 : i32
          %lt3A_118 = arith.cmpi slt, %add3A_117, %min3A_8 : i32
          %convert_element_type3A_119 = arith.extui %lt3A_118 : i1 to i32
          %cond3A_120 = arith.constant 0 : i32
          %cond3A_121 = arith.cmpi ne, %convert_element_type3A_119, %cond3A_120 : i32
          scf.if %cond3A_121 {
            %add3A_122 = arith.constant 2 : i32
            %add3A_123 = arith.addi %add3A_92, %add3A_122 : i32
            %dma_start3A_124 = arith.constant 0 : i32
            %dma_start3A_125 = arith.constant 0 : i32
            %dma_start3A_126 = arith.constant 0 : i32
            %dma_start3A_127 = arith.constant 0 : i32
            %dma_start3A_128 = tpu.memref_slice %arg8[%dma_start3A_124, %dma_start3A_126, %dma_start3A_127] : memref<2x128x128xf32, #tpu.memory_space<vmem>> -> memref<1x128x128xf32, #tpu.memory_space<vmem>>
            %dma_start3A_129 = tpu.memref_squeeze %dma_start3A_128 : memref<1x128x128xf32, #tpu.memory_space<vmem>> -> memref<128x128xf32, #tpu.memory_space<vmem>>
            %dma_start3A_130 = arith.constant 0 : i32
            %dma_start3A_131 = tpu.memref_slice %arg6[%add3A_123, %dma_start3A_130] : memref<40x128xi32, #tpu.memory_space<vmem>> -> memref<1x128xi32, #tpu.memory_space<vmem>>
            %dma_start3A_132 = tpu.memref_squeeze %dma_start3A_131 : memref<1x128xi32, #tpu.memory_space<vmem>> -> memref<128xi32, #tpu.memory_space<vmem>>
            %dma_start3A_133 = arith.constant 0 : i32
            %dma_start3A_134 = arith.constant 0 : i32
            %dma_start3A_135 = tpu.memref_slice %arg2[%dma_start3A_133, %dma_start3A_134] : memref<10000x128xf32, #tpu.memory_space<hbm>> -> memref<10000x128xf32, #tpu.memory_space<hbm>>
            %dma_start3A_136 = tpu.memref_slice %arg10[%dma_start3A_125] : memref<2x!tpu.dma_semaphore, #tpu.memory_space<semaphore_mem>> -> memref<1x!tpu.dma_semaphore, #tpu.memory_space<semaphore_mem>>
            %dma_start3A_137 = tpu.memref_squeeze %dma_start3A_136 : memref<1x!tpu.dma_semaphore, #tpu.memory_space<semaphore_mem>> -> memref<!tpu.dma_semaphore, #tpu.memory_space<semaphore_mem>>
            tpu.enqueue_indirect_dma source(%dma_start3A_135 : memref<10000x128xf32, #tpu.memory_space<hbm>>) target(%dma_start3A_129 : memref<128x128xf32, #tpu.memory_space<vmem>>) offsets(%dma_start3A_132 : memref<128xi32, #tpu.memory_space<vmem>>) semaphore(%dma_start3A_137 : memref<!tpu.dma_semaphore, #tpu.memory_space<semaphore_mem>>)
          } else {
          }
        } else {
        }
        %add3A_96 = arith.constant 1 : i32
        %add3A_97 = arith.addi %mul3A_90, %add3A_96 : i32
        %lt3A_98 = arith.cmpi slt, %add3A_97, %min3A_8 : i32
        %convert_element_type3A_99 = arith.extui %lt3A_98 : i1 to i32
        %cond3A_100 = arith.constant 0 : i32
        %cond3A_101 = arith.cmpi ne, %convert_element_type3A_99, %cond3A_100 : i32
        scf.if %cond3A_101 {
          %dma_wait3A = arith.constant 1 : i32
          %dma_wait3A_102 = arith.constant 1 : i32
          %dma_wait3A_103 = arith.constant 0 : i32
          %dma_wait3A_104 = arith.constant 0 : i32
          %dma_wait3A_105 = tpu.memref_slice %arg8[%dma_wait3A, %dma_wait3A_103, %dma_wait3A_104] : memref<2x128x128xf32, #tpu.memory_space<vmem>> -> memref<1x128x128xf32, #tpu.memory_space<vmem>>
          %dma_wait3A_106 = tpu.memref_squeeze %dma_wait3A_105 : memref<1x128x128xf32, #tpu.memory_space<vmem>> -> memref<128x128xf32, #tpu.memory_space<vmem>>
          %dma_wait3A_107 = arith.constant 0 : i32
          %dma_wait3A_108 = tpu.memref_slice %arg6[%add3A_97, %dma_wait3A_107] : memref<40x128xi32, #tpu.memory_space<vmem>> -> memref<1x128xi32, #tpu.memory_space<vmem>>
          %dma_wait3A_109 = tpu.memref_squeeze %dma_wait3A_108 : memref<1x128xi32, #tpu.memory_space<vmem>> -> memref<128xi32, #tpu.memory_space<vmem>>
          %dma_wait3A_110 = arith.constant 0 : i32
          %dma_wait3A_111 = arith.constant 0 : i32
          %dma_wait3A_112 = tpu.memref_slice %arg2[%dma_wait3A_110, %dma_wait3A_111] : memref<10000x128xf32, #tpu.memory_space<hbm>> -> memref<10000x128xf32, #tpu.memory_space<hbm>>
          %dma_wait3A_113 = tpu.memref_slice %arg10[%dma_wait3A_102] : memref<2x!tpu.dma_semaphore, #tpu.memory_space<semaphore_mem>> -> memref<1x!tpu.dma_semaphore, #tpu.memory_space<semaphore_mem>>
          %dma_wait3A_114 = tpu.memref_squeeze %dma_wait3A_113 : memref<1x!tpu.dma_semaphore, #tpu.memory_space<semaphore_mem>> -> memref<!tpu.dma_semaphore, #tpu.memory_space<semaphore_mem>>
          tpu.wait_indirect_dma semaphore(%dma_wait3A_114 : memref<!tpu.dma_semaphore, #tpu.memory_space<semaphore_mem>>) src(%dma_wait3A_112 : memref<10000x128xf32, #tpu.memory_space<hbm>>) dst(%dma_wait3A_106 : memref<128x128xf32, #tpu.memory_space<vmem>>)
          %run_scoped3A_115 = arith.constant 1 : i32
          "tpu.region"() ({
            %run_scoped3A_122 = tpu.sem_alloc : memref<!tpu.dma_semaphore, #tpu.memory_space<semaphore_mem>>
            %dma_start3A_123 = arith.constant 0 : i32
            %dma_start3A_124 = arith.constant 0 : i32
            %dma_start3A_125 = tpu.memref_slice %arg8[%run_scoped3A_115, %dma_start3A_123, %dma_start3A_124] : memref<2x128x128xf32, #tpu.memory_space<vmem>> -> memref<1x128x128xf32, #tpu.memory_space<vmem>>
            %dma_start3A_126 = tpu.memref_squeeze %dma_start3A_125 : memref<1x128x128xf32, #tpu.memory_space<vmem>> -> memref<128x128xf32, #tpu.memory_space<vmem>>
            %dma_start3A_127 = arith.constant 0 : i32
            %dma_start3A_128 = tpu.memref_slice %arg7[%add3A_97, %dma_start3A_127] : memref<40x128xi32, #tpu.memory_space<vmem>> -> memref<1x128xi32, #tpu.memory_space<vmem>>
            %dma_start3A_129 = tpu.memref_squeeze %dma_start3A_128 : memref<1x128xi32, #tpu.memory_space<vmem>> -> memref<128xi32, #tpu.memory_space<vmem>>
            %dma_start3A_130 = arith.constant 0 : i32
            %dma_start3A_131 = arith.constant 0 : i32
            %dma_start3A_132 = tpu.memref_slice %arg9[%dma_start3A_130, %dma_start3A_131] : memref<10112x128xf32, #tpu.memory_space<vmem_shared>> -> memref<10112x128xf32, #tpu.memory_space<vmem_shared>>
            tpu.enqueue_indirect_dma source(%dma_start3A_126 : memref<128x128xf32, #tpu.memory_space<vmem>>) target(%dma_start3A_132 : memref<10112x128xf32, #tpu.memory_space<vmem_shared>>) offsets(%dma_start3A_129 : memref<128xi32, #tpu.memory_space<vmem>>) semaphore(%run_scoped3A_122 : memref<!tpu.dma_semaphore, #tpu.memory_space<semaphore_mem>>) {add = true}
            %dma_wait3A_133 = arith.constant 0 : i32
            %dma_wait3A_134 = arith.constant 0 : i32
            %dma_wait3A_135 = tpu.memref_slice %arg8[%run_scoped3A_115, %dma_wait3A_133, %dma_wait3A_134] : memref<2x128x128xf32, #tpu.memory_space<vmem>> -> memref<1x128x128xf32, #tpu.memory_space<vmem>>
            %dma_wait3A_136 = tpu.memref_squeeze %dma_wait3A_135 : memref<1x128x128xf32, #tpu.memory_space<vmem>> -> memref<128x128xf32, #tpu.memory_space<vmem>>
            %dma_wait3A_137 = arith.constant 0 : i32
            %dma_wait3A_138 = tpu.memref_slice %arg7[%add3A_97, %dma_wait3A_137] : memref<40x128xi32, #tpu.memory_space<vmem>> -> memref<1x128xi32, #tpu.memory_space<vmem>>
            %dma_wait3A_139 = tpu.memref_squeeze %dma_wait3A_138 : memref<1x128xi32, #tpu.memory_space<vmem>> -> memref<128xi32, #tpu.memory_space<vmem>>
            %dma_wait3A_140 = arith.constant 0 : i32
            %dma_wait3A_141 = arith.constant 0 : i32
            %dma_wait3A_142 = tpu.memref_slice %arg9[%dma_wait3A_140, %dma_wait3A_141] : memref<10112x128xf32, #tpu.memory_space<vmem_shared>> -> memref<10112x128xf32, #tpu.memory_space<vmem_shared>>
            tpu.wait_indirect_dma semaphore(%run_scoped3A_122 : memref<!tpu.dma_semaphore, #tpu.memory_space<semaphore_mem>>) src(%dma_wait3A_136 : memref<128x128xf32, #tpu.memory_space<vmem>>) dst(%dma_wait3A_142 : memref<10112x128xf32, #tpu.memory_space<vmem_shared>>)
            tpu.yield
          }) : () -> ()
          %add3A_116 = arith.constant 2 : i32
          %add3A_117 = arith.addi %add3A_97, %add3A_116 : i32
          %lt3A_118 = arith.cmpi slt, %add3A_117, %min3A_8 : i32
          %convert_element_type3A_119 = arith.extui %lt3A_118 : i1 to i32
          %cond3A_120 = arith.constant 0 : i32
          %cond3A_121 = arith.cmpi ne, %convert_element_type3A_119, %cond3A_120 : i32
          scf.if %cond3A_121 {
            %add3A_122 = arith.constant 2 : i32
            %add3A_123 = arith.addi %add3A_97, %add3A_122 : i32
            %dma_start3A_124 = arith.constant 1 : i32
            %dma_start3A_125 = arith.constant 1 : i32
            %dma_start3A_126 = arith.constant 0 : i32
            %dma_start3A_127 = arith.constant 0 : i32
            %dma_start3A_128 = tpu.memref_slice %arg8[%dma_start3A_124, %dma_start3A_126, %dma_start3A_127] : memref<2x128x128xf32, #tpu.memory_space<vmem>> -> memref<1x128x128xf32, #tpu.memory_space<vmem>>
            %dma_start3A_129 = tpu.memref_squeeze %dma_start3A_128 : memref<1x128x128xf32, #tpu.memory_space<vmem>> -> memref<128x128xf32, #tpu.memory_space<vmem>>
            %dma_start3A_130 = arith.constant 0 : i32
            %dma_start3A_131 = tpu.memref_slice %arg6[%add3A_123, %dma_start3A_130] : memref<40x128xi32, #tpu.memory_space<vmem>> -> memref<1x128xi32, #tpu.memory_space<vmem>>
            %dma_start3A_132 = tpu.memref_squeeze %dma_start3A_131 : memref<1x128xi32, #tpu.memory_space<vmem>> -> memref<128xi32, #tpu.memory_space<vmem>>
            %dma_start3A_133 = arith.constant 0 : i32
            %dma_start3A_134 = arith.constant 0 : i32
            %dma_start3A_135 = tpu.memref_slice %arg2[%dma_start3A_133, %dma_start3A_134] : memref<10000x128xf32, #tpu.memory_space<hbm>> -> memref<10000x128xf32, #tpu.memory_space<hbm>>
            %dma_start3A_136 = tpu.memref_slice %arg10[%dma_start3A_125] : memref<2x!tpu.dma_semaphore, #tpu.memory_space<semaphore_mem>> -> memref<1x!tpu.dma_semaphore, #tpu.memory_space<semaphore_mem>>
            %dma_start3A_137 = tpu.memref_squeeze %dma_start3A_136 : memref<1x!tpu.dma_semaphore, #tpu.memory_space<semaphore_mem>> -> memref<!tpu.dma_semaphore, #tpu.memory_space<semaphore_mem>>
            tpu.enqueue_indirect_dma source(%dma_start3A_135 : memref<10000x128xf32, #tpu.memory_space<hbm>>) target(%dma_start3A_129 : memref<128x128xf32, #tpu.memory_space<vmem>>) offsets(%dma_start3A_132 : memref<128xi32, #tpu.memory_space<vmem>>) semaphore(%dma_start3A_137 : memref<!tpu.dma_semaphore, #tpu.memory_space<semaphore_mem>>)
          } else {
          }
        } else {
        }
      }
    } else {
    }
    %min3A_11 = arith.constant 40 : i32
    %min3A_12 = arith.minsi %min3A_11, %min3A_4 : i32
    %sub3A_13 = arith.subi %min3A_4, %min3A_12 : i32
    %gt3A_14 = arith.constant 0 : i32
    %gt3A_15 = arith.cmpi sgt, %sub3A_13, %gt3A_14 : i32
    %convert_element_type3A_16 = arith.extui %gt3A_15 : i1 to i32
    %cond3A_17 = arith.constant 0 : i32
    %cond3A_18 = arith.cmpi ne, %convert_element_type3A_16, %cond3A_17 : i32
    scf.if %cond3A_18 {
      %mul3A_24 = arith.constant 80 : i32
      %mul3A_25 = arith.muli %add3A, %mul3A_24 : i32
      %add3A_26 = arith.constant 40 : i32
      %add3A_27 = arith.addi %mul3A_25, %add3A_26 : i32
      %run_scoped3A = arith.constant 0 : i32
      "tpu.region"() ({
        %run_scoped3A_88 = tpu.sem_alloc : memref<!tpu.dma_semaphore, #tpu.memory_space<semaphore_mem>>
        %dma_start3A_89 = arith.constant 0 : i32
        %dma_start3A_90 = tpu.memref_slice %arg3[%run_scoped3A, %add3A_27, %dma_start3A_89] : memref<2x2520x128xi32, #tpu.memory_space<hbm>> -> memref<1x40x128xi32, #tpu.memory_space<hbm>>
        %dma_start3A_91 = tpu.memref_squeeze %dma_start3A_90 : memref<1x40x128xi32, #tpu.memory_space<hbm>> -> memref<40x128xi32, #tpu.memory_space<hbm>>
        %dma_start3A_92 = arith.constant 0 : i32
        %dma_start3A_93 = tpu.memref_slice %arg3[%run_scoped3A, %add3A_27, %dma_start3A_92] : memref<2x2520x128xi32, #tpu.memory_space<hbm>> -> memref<1x40x128xi32, #tpu.memory_space<hbm>>
        %dma_start3A_94 = tpu.memref_squeeze %dma_start3A_93 : memref<1x40x128xi32, #tpu.memory_space<hbm>> -> memref<40x128xi32, #tpu.memory_space<hbm>>
        tpu.enqueue_dma source(%dma_start3A_94 : memref<40x128xi32, #tpu.memory_space<hbm>>) target(%arg6 : memref<40x128xi32, #tpu.memory_space<vmem>>) target_semaphore(%run_scoped3A_88 : memref<!tpu.dma_semaphore, #tpu.memory_space<semaphore_mem>>)
        %dma_wait3A = arith.constant 0 : i32
        %dma_wait3A_95 = tpu.memref_slice %arg3[%run_scoped3A, %add3A_27, %dma_wait3A] : memref<2x2520x128xi32, #tpu.memory_space<hbm>> -> memref<1x40x128xi32, #tpu.memory_space<hbm>>
        %dma_wait3A_96 = tpu.memref_squeeze %dma_wait3A_95 : memref<1x40x128xi32, #tpu.memory_space<hbm>> -> memref<40x128xi32, #tpu.memory_space<hbm>>
        %dma_wait3A_97 = arith.constant 0 : i32
        %dma_wait3A_98 = tpu.memref_slice %arg3[%run_scoped3A, %add3A_27, %dma_wait3A_97] : memref<2x2520x128xi32, #tpu.memory_space<hbm>> -> memref<1x40x128xi32, #tpu.memory_space<hbm>>
        %dma_wait3A_99 = tpu.memref_squeeze %dma_wait3A_98 : memref<1x40x128xi32, #tpu.memory_space<hbm>> -> memref<40x128xi32, #tpu.memory_space<hbm>>
        tpu.wait_dma2 semaphore(%run_scoped3A_88 : memref<!tpu.dma_semaphore, #tpu.memory_space<semaphore_mem>>) src(%dma_wait3A_99 : memref<40x128xi32, #tpu.memory_space<hbm>>) dst(%arg6 : memref<40x128xi32, #tpu.memory_space<vmem>>)
        tpu.yield
      }) : () -> ()
      %run_scoped3A_28 = arith.constant 1 : i32
      "tpu.region"() ({
        %run_scoped3A_88 = tpu.sem_alloc : memref<!tpu.dma_semaphore, #tpu.memory_space<semaphore_mem>>
        %dma_start3A_89 = arith.constant 0 : i32
        %dma_start3A_90 = tpu.memref_slice %arg3[%run_scoped3A_28, %add3A_27, %dma_start3A_89] : memref<2x2520x128xi32, #tpu.memory_space<hbm>> -> memref<1x40x128xi32, #tpu.memory_space<hbm>>
        %dma_start3A_91 = tpu.memref_squeeze %dma_start3A_90 : memref<1x40x128xi32, #tpu.memory_space<hbm>> -> memref<40x128xi32, #tpu.memory_space<hbm>>
        %dma_start3A_92 = arith.constant 0 : i32
        %dma_start3A_93 = tpu.memref_slice %arg3[%run_scoped3A_28, %add3A_27, %dma_start3A_92] : memref<2x2520x128xi32, #tpu.memory_space<hbm>> -> memref<1x40x128xi32, #tpu.memory_space<hbm>>
        %dma_start3A_94 = tpu.memref_squeeze %dma_start3A_93 : memref<1x40x128xi32, #tpu.memory_space<hbm>> -> memref<40x128xi32, #tpu.memory_space<hbm>>
        tpu.enqueue_dma source(%dma_start3A_94 : memref<40x128xi32, #tpu.memory_space<hbm>>) target(%arg7 : memref<40x128xi32, #tpu.memory_space<vmem>>) target_semaphore(%run_scoped3A_88 : memref<!tpu.dma_semaphore, #tpu.memory_space<semaphore_mem>>)
        %dma_wait3A = arith.constant 0 : i32
        %dma_wait3A_95 = tpu.memref_slice %arg3[%run_scoped3A_28, %add3A_27, %dma_wait3A] : memref<2x2520x128xi32, #tpu.memory_space<hbm>> -> memref<1x40x128xi32, #tpu.memory_space<hbm>>
        %dma_wait3A_96 = tpu.memref_squeeze %dma_wait3A_95 : memref<1x40x128xi32, #tpu.memory_space<hbm>> -> memref<40x128xi32, #tpu.memory_space<hbm>>
        %dma_wait3A_97 = arith.constant 0 : i32
        %dma_wait3A_98 = tpu.memref_slice %arg3[%run_scoped3A_28, %add3A_27, %dma_wait3A_97] : memref<2x2520x128xi32, #tpu.memory_space<hbm>> -> memref<1x40x128xi32, #tpu.memory_space<hbm>>
        %dma_wait3A_99 = tpu.memref_squeeze %dma_wait3A_98 : memref<1x40x128xi32, #tpu.memory_space<hbm>> -> memref<40x128xi32, #tpu.memory_space<hbm>>
        tpu.wait_dma2 semaphore(%run_scoped3A_88 : memref<!tpu.dma_semaphore, #tpu.memory_space<semaphore_mem>>) src(%dma_wait3A_99 : memref<40x128xi32, #tpu.memory_space<hbm>>) dst(%arg7 : memref<40x128xi32, #tpu.memory_space<vmem>>)
        tpu.yield
      }) : () -> ()
      %dma_start3A = arith.constant 0 : i32
      %dma_start3A_29 = arith.constant 0 : i32
      %dma_start3A_30 = arith.constant 0 : i32
      %dma_start3A_31 = arith.constant 0 : i32
      %dma_start3A_32 = arith.constant 0 : i32
      %dma_start3A_33 = tpu.memref_slice %arg8[%dma_start3A_29, %dma_start3A_31, %dma_start3A_32] : memref<2x128x128xf32, #tpu.memory_space<vmem>> -> memref<1x128x128xf32, #tpu.memory_space<vmem>>
      %dma_start3A_34 = tpu.memref_squeeze %dma_start3A_33 : memref<1x128x128xf32, #tpu.memory_space<vmem>> -> memref<128x128xf32, #tpu.memory_space<vmem>>
      %dma_start3A_35 = arith.constant 0 : i32
      %dma_start3A_36 = tpu.memref_slice %arg6[%dma_start3A, %dma_start3A_35] : memref<40x128xi32, #tpu.memory_space<vmem>> -> memref<1x128xi32, #tpu.memory_space<vmem>>
      %dma_start3A_37 = tpu.memref_squeeze %dma_start3A_36 : memref<1x128xi32, #tpu.memory_space<vmem>> -> memref<128xi32, #tpu.memory_space<vmem>>
      %dma_start3A_38 = arith.constant 0 : i32
      %dma_start3A_39 = arith.constant 0 : i32
      %dma_start3A_40 = tpu.memref_slice %arg2[%dma_start3A_38, %dma_start3A_39] : memref<10000x128xf32, #tpu.memory_space<hbm>> -> memref<10000x128xf32, #tpu.memory_space<hbm>>
      %dma_start3A_41 = tpu.memref_slice %arg10[%dma_start3A_30] : memref<2x!tpu.dma_semaphore, #tpu.memory_space<semaphore_mem>> -> memref<1x!tpu.dma_semaphore, #tpu.memory_space<semaphore_mem>>
      %dma_start3A_42 = tpu.memref_squeeze %dma_start3A_41 : memref<1x!tpu.dma_semaphore, #tpu.memory_space<semaphore_mem>> -> memref<!tpu.dma_semaphore, #tpu.memory_space<semaphore_mem>>
      tpu.enqueue_indirect_dma source(%dma_start3A_40 : memref<10000x128xf32, #tpu.memory_space<hbm>>) target(%dma_start3A_34 : memref<128x128xf32, #tpu.memory_space<vmem>>) offsets(%dma_start3A_37 : memref<128xi32, #tpu.memory_space<vmem>>) semaphore(%dma_start3A_42 : memref<!tpu.dma_semaphore, #tpu.memory_space<semaphore_mem>>)
      %dma_start3A_43 = arith.constant 1 : i32
      %dma_start3A_44 = arith.constant 1 : i32
      %dma_start3A_45 = arith.constant 1 : i32
      %dma_start3A_46 = arith.constant 0 : i32
      %dma_start3A_47 = arith.constant 0 : i32
      %dma_start3A_48 = tpu.memref_slice %arg8[%dma_start3A_44, %dma_start3A_46, %dma_start3A_47] : memref<2x128x128xf32, #tpu.memory_space<vmem>> -> memref<1x128x128xf32, #tpu.memory_space<vmem>>
      %dma_start3A_49 = tpu.memref_squeeze %dma_start3A_48 : memref<1x128x128xf32, #tpu.memory_space<vmem>> -> memref<128x128xf32, #tpu.memory_space<vmem>>
      %dma_start3A_50 = arith.constant 0 : i32
      %dma_start3A_51 = tpu.memref_slice %arg6[%dma_start3A_43, %dma_start3A_50] : memref<40x128xi32, #tpu.memory_space<vmem>> -> memref<1x128xi32, #tpu.memory_space<vmem>>
      %dma_start3A_52 = tpu.memref_squeeze %dma_start3A_51 : memref<1x128xi32, #tpu.memory_space<vmem>> -> memref<128xi32, #tpu.memory_space<vmem>>
      %dma_start3A_53 = arith.constant 0 : i32
      %dma_start3A_54 = arith.constant 0 : i32
      %dma_start3A_55 = tpu.memref_slice %arg2[%dma_start3A_53, %dma_start3A_54] : memref<10000x128xf32, #tpu.memory_space<hbm>> -> memref<10000x128xf32, #tpu.memory_space<hbm>>
      %dma_start3A_56 = tpu.memref_slice %arg10[%dma_start3A_45] : memref<2x!tpu.dma_semaphore, #tpu.memory_space<semaphore_mem>> -> memref<1x!tpu.dma_semaphore, #tpu.memory_space<semaphore_mem>>
      %dma_start3A_57 = tpu.memref_squeeze %dma_start3A_56 : memref<1x!tpu.dma_semaphore, #tpu.memory_space<semaphore_mem>> -> memref<!tpu.dma_semaphore, #tpu.memory_space<semaphore_mem>>
      tpu.enqueue_indirect_dma source(%dma_start3A_55 : memref<10000x128xf32, #tpu.memory_space<hbm>>) target(%dma_start3A_49 : memref<128x128xf32, #tpu.memory_space<vmem>>) offsets(%dma_start3A_52 : memref<128xi32, #tpu.memory_space<vmem>>) semaphore(%dma_start3A_57 : memref<!tpu.dma_semaphore, #tpu.memory_space<semaphore_mem>>)
      %add3A_58 = arith.constant 2 : i32
      %add3A_59 = arith.addi %sub3A_13, %add3A_58 : i32
      %sub3A_60 = arith.constant 1 : i32
      %sub3A_61 = arith.subi %add3A_59, %sub3A_60 : i32
      %jit3A = arith.constant 2 : i32
      %div3A = arith.divsi %sub3A_61, %jit3A : i32
      %sign3A = arith.constant 0 : i32
      %sign3A_62 = arith.cmpi sgt, %sub3A_61, %sign3A : i32
      %sign3A_63 = arith.extui %sign3A_62 : i1 to i32
      %sign3A_64 = arith.constant 0 : i32
      %sign3A_65 = arith.cmpi slt, %sub3A_61, %sign3A_64 : i32
      %sign3A_66 = arith.extui %sign3A_65 : i1 to i32
      %sign3A_67 = arith.subi %sign3A_63, %sign3A_66 : i32
      %sign3A_68 = arith.constant 0 : i32
      %sign3A_69 = arith.cmpi sgt, %jit3A, %sign3A_68 : i32
      %sign3A_70 = arith.extui %sign3A_69 : i1 to i32
      %sign3A_71 = arith.constant 0 : i32
      %sign3A_72 = arith.cmpi slt, %jit3A, %sign3A_71 : i32
      %sign3A_73 = arith.extui %sign3A_72 : i1 to i32
      %sign3A_74 = arith.subi %sign3A_70, %sign3A_73 : i32
      %ne3A = arith.cmpi ne, %sign3A_67, %sign3A_74 : i32
      %rem3A = arith.remsi %sub3A_61, %jit3A : i32
      %ne3A_75 = arith.constant 0 : i32
      %ne3A_76 = arith.cmpi ne, %rem3A, %ne3A_75 : i32
      %and3A = arith.andi %ne3A, %ne3A_76 : i1
      %sub3A_77 = arith.constant 1 : i32
      %sub3A_78 = arith.subi %div3A, %sub3A_77 : i32
      %select_n3A = arith.select %and3A, %sub3A_78, %div3A : i32
      %while3A = arith.constant 0 : i32
      %while3A_79 = arith.constant 0 : i32
      %while3A_80 = arith.subi %select_n3A, %while3A_79 : i32
      %while3A_81 = arith.addi %while3A_79, %while3A_80 : i32
      %while3A_82 = arith.constant 1 : i32
      %while3A_83 = arith.divsi %while3A_80, %while3A_82 : i32
      %while3A_84 = arith.muli %while3A_83, %while3A_82 : i32
      %while3A_85 = arith.addi %while3A_79, %while3A_84 : i32
      %while3A_86 = arith.constant 1 : i32
      scf.for %while3A_88 = %while3A_79 to %while3A_85 step %while3A_86  : i32 {
        %mul3A_89 = arith.constant 2 : i32
        %mul3A_90 = arith.muli %while3A_88, %mul3A_89 : i32
        %add3A_91 = arith.constant 0 : i32
        %add3A_92 = arith.addi %mul3A_90, %add3A_91 : i32
        %lt3A = arith.cmpi slt, %add3A_92, %sub3A_13 : i32
        %convert_element_type3A_93 = arith.extui %lt3A : i1 to i32
        %cond3A_94 = arith.constant 0 : i32
        %cond3A_95 = arith.cmpi ne, %convert_element_type3A_93, %cond3A_94 : i32
        scf.if %cond3A_95 {
          %dma_wait3A = arith.constant 0 : i32
          %dma_wait3A_102 = arith.constant 0 : i32
          %dma_wait3A_103 = arith.constant 0 : i32
          %dma_wait3A_104 = arith.constant 0 : i32
          %dma_wait3A_105 = tpu.memref_slice %arg8[%dma_wait3A, %dma_wait3A_103, %dma_wait3A_104] : memref<2x128x128xf32, #tpu.memory_space<vmem>> -> memref<1x128x128xf32, #tpu.memory_space<vmem>>
          %dma_wait3A_106 = tpu.memref_squeeze %dma_wait3A_105 : memref<1x128x128xf32, #tpu.memory_space<vmem>> -> memref<128x128xf32, #tpu.memory_space<vmem>>
          %dma_wait3A_107 = arith.constant 0 : i32
          %dma_wait3A_108 = tpu.memref_slice %arg6[%add3A_92, %dma_wait3A_107] : memref<40x128xi32, #tpu.memory_space<vmem>> -> memref<1x128xi32, #tpu.memory_space<vmem>>
          %dma_wait3A_109 = tpu.memref_squeeze %dma_wait3A_108 : memref<1x128xi32, #tpu.memory_space<vmem>> -> memref<128xi32, #tpu.memory_space<vmem>>
          %dma_wait3A_110 = arith.constant 0 : i32
          %dma_wait3A_111 = arith.constant 0 : i32
          %dma_wait3A_112 = tpu.memref_slice %arg2[%dma_wait3A_110, %dma_wait3A_111] : memref<10000x128xf32, #tpu.memory_space<hbm>> -> memref<10000x128xf32, #tpu.memory_space<hbm>>
          %dma_wait3A_113 = tpu.memref_slice %arg10[%dma_wait3A_102] : memref<2x!tpu.dma_semaphore, #tpu.memory_space<semaphore_mem>> -> memref<1x!tpu.dma_semaphore, #tpu.memory_space<semaphore_mem>>
          %dma_wait3A_114 = tpu.memref_squeeze %dma_wait3A_113 : memref<1x!tpu.dma_semaphore, #tpu.memory_space<semaphore_mem>> -> memref<!tpu.dma_semaphore, #tpu.memory_space<semaphore_mem>>
          tpu.wait_indirect_dma semaphore(%dma_wait3A_114 : memref<!tpu.dma_semaphore, #tpu.memory_space<semaphore_mem>>) src(%dma_wait3A_112 : memref<10000x128xf32, #tpu.memory_space<hbm>>) dst(%dma_wait3A_106 : memref<128x128xf32, #tpu.memory_space<vmem>>)
          %run_scoped3A_115 = arith.constant 0 : i32
          "tpu.region"() ({
            %run_scoped3A_122 = tpu.sem_alloc : memref<!tpu.dma_semaphore, #tpu.memory_space<semaphore_mem>>
            %dma_start3A_123 = arith.constant 0 : i32
            %dma_start3A_124 = arith.constant 0 : i32
            %dma_start3A_125 = tpu.memref_slice %arg8[%run_scoped3A_115, %dma_start3A_123, %dma_start3A_124] : memref<2x128x128xf32, #tpu.memory_space<vmem>> -> memref<1x128x128xf32, #tpu.memory_space<vmem>>
            %dma_start3A_126 = tpu.memref_squeeze %dma_start3A_125 : memref<1x128x128xf32, #tpu.memory_space<vmem>> -> memref<128x128xf32, #tpu.memory_space<vmem>>
            %dma_start3A_127 = arith.constant 0 : i32
            %dma_start3A_128 = tpu.memref_slice %arg7[%add3A_92, %dma_start3A_127] : memref<40x128xi32, #tpu.memory_space<vmem>> -> memref<1x128xi32, #tpu.memory_space<vmem>>
            %dma_start3A_129 = tpu.memref_squeeze %dma_start3A_128 : memref<1x128xi32, #tpu.memory_space<vmem>> -> memref<128xi32, #tpu.memory_space<vmem>>
            %dma_start3A_130 = arith.constant 0 : i32
            %dma_start3A_131 = arith.constant 0 : i32
            %dma_start3A_132 = tpu.memref_slice %arg9[%dma_start3A_130, %dma_start3A_131] : memref<10112x128xf32, #tpu.memory_space<vmem_shared>> -> memref<10112x128xf32, #tpu.memory_space<vmem_shared>>
            tpu.enqueue_indirect_dma source(%dma_start3A_126 : memref<128x128xf32, #tpu.memory_space<vmem>>) target(%dma_start3A_132 : memref<10112x128xf32, #tpu.memory_space<vmem_shared>>) offsets(%dma_start3A_129 : memref<128xi32, #tpu.memory_space<vmem>>) semaphore(%run_scoped3A_122 : memref<!tpu.dma_semaphore, #tpu.memory_space<semaphore_mem>>) {add = true}
            %dma_wait3A_133 = arith.constant 0 : i32
            %dma_wait3A_134 = arith.constant 0 : i32
            %dma_wait3A_135 = tpu.memref_slice %arg8[%run_scoped3A_115, %dma_wait3A_133, %dma_wait3A_134] : memref<2x128x128xf32, #tpu.memory_space<vmem>> -> memref<1x128x128xf32, #tpu.memory_space<vmem>>
            %dma_wait3A_136 = tpu.memref_squeeze %dma_wait3A_135 : memref<1x128x128xf32, #tpu.memory_space<vmem>> -> memref<128x128xf32, #tpu.memory_space<vmem>>
            %dma_wait3A_137 = arith.constant 0 : i32
            %dma_wait3A_138 = tpu.memref_slice %arg7[%add3A_92, %dma_wait3A_137] : memref<40x128xi32, #tpu.memory_space<vmem>> -> memref<1x128xi32, #tpu.memory_space<vmem>>
            %dma_wait3A_139 = tpu.memref_squeeze %dma_wait3A_138 : memref<1x128xi32, #tpu.memory_space<vmem>> -> memref<128xi32, #tpu.memory_space<vmem>>
            %dma_wait3A_140 = arith.constant 0 : i32
            %dma_wait3A_141 = arith.constant 0 : i32
            %dma_wait3A_142 = tpu.memref_slice %arg9[%dma_wait3A_140, %dma_wait3A_141] : memref<10112x128xf32, #tpu.memory_space<vmem_shared>> -> memref<10112x128xf32, #tpu.memory_space<vmem_shared>>
            tpu.wait_indirect_dma semaphore(%run_scoped3A_122 : memref<!tpu.dma_semaphore, #tpu.memory_space<semaphore_mem>>) src(%dma_wait3A_136 : memref<128x128xf32, #tpu.memory_space<vmem>>) dst(%dma_wait3A_142 : memref<10112x128xf32, #tpu.memory_space<vmem_shared>>)
            tpu.yield
          }) : () -> ()
          %add3A_116 = arith.constant 2 : i32
          %add3A_117 = arith.addi %add3A_92, %add3A_116 : i32
          %lt3A_118 = arith.cmpi slt, %add3A_117, %sub3A_13 : i32
          %convert_element_type3A_119 = arith.extui %lt3A_118 : i1 to i32
          %cond3A_120 = arith.constant 0 : i32
          %cond3A_121 = arith.cmpi ne, %convert_element_type3A_119, %cond3A_120 : i32
          scf.if %cond3A_121 {
            %add3A_122 = arith.constant 2 : i32
            %add3A_123 = arith.addi %add3A_92, %add3A_122 : i32
            %dma_start3A_124 = arith.constant 0 : i32
            %dma_start3A_125 = arith.constant 0 : i32
            %dma_start3A_126 = arith.constant 0 : i32
            %dma_start3A_127 = arith.constant 0 : i32
            %dma_start3A_128 = tpu.memref_slice %arg8[%dma_start3A_124, %dma_start3A_126, %dma_start3A_127] : memref<2x128x128xf32, #tpu.memory_space<vmem>> -> memref<1x128x128xf32, #tpu.memory_space<vmem>>
            %dma_start3A_129 = tpu.memref_squeeze %dma_start3A_128 : memref<1x128x128xf32, #tpu.memory_space<vmem>> -> memref<128x128xf32, #tpu.memory_space<vmem>>
            %dma_start3A_130 = arith.constant 0 : i32
            %dma_start3A_131 = tpu.memref_slice %arg6[%add3A_123, %dma_start3A_130] : memref<40x128xi32, #tpu.memory_space<vmem>> -> memref<1x128xi32, #tpu.memory_space<vmem>>
            %dma_start3A_132 = tpu.memref_squeeze %dma_start3A_131 : memref<1x128xi32, #tpu.memory_space<vmem>> -> memref<128xi32, #tpu.memory_space<vmem>>
            %dma_start3A_133 = arith.constant 0 : i32
            %dma_start3A_134 = arith.constant 0 : i32
            %dma_start3A_135 = tpu.memref_slice %arg2[%dma_start3A_133, %dma_start3A_134] : memref<10000x128xf32, #tpu.memory_space<hbm>> -> memref<10000x128xf32, #tpu.memory_space<hbm>>
            %dma_start3A_136 = tpu.memref_slice %arg10[%dma_start3A_125] : memref<2x!tpu.dma_semaphore, #tpu.memory_space<semaphore_mem>> -> memref<1x!tpu.dma_semaphore, #tpu.memory_space<semaphore_mem>>
            %dma_start3A_137 = tpu.memref_squeeze %dma_start3A_136 : memref<1x!tpu.dma_semaphore, #tpu.memory_space<semaphore_mem>> -> memref<!tpu.dma_semaphore, #tpu.memory_space<semaphore_mem>>
            tpu.enqueue_indirect_dma source(%dma_start3A_135 : memref<10000x128xf32, #tpu.memory_space<hbm>>) target(%dma_start3A_129 : memref<128x128xf32, #tpu.memory_space<vmem>>) offsets(%dma_start3A_132 : memref<128xi32, #tpu.memory_space<vmem>>) semaphore(%dma_start3A_137 : memref<!tpu.dma_semaphore, #tpu.memory_space<semaphore_mem>>)
          } else {
          }
        } else {
        }
        %add3A_96 = arith.constant 1 : i32
        %add3A_97 = arith.addi %mul3A_90, %add3A_96 : i32
        %lt3A_98 = arith.cmpi slt, %add3A_97, %sub3A_13 : i32
        %convert_element_type3A_99 = arith.extui %lt3A_98 : i1 to i32
        %cond3A_100 = arith.constant 0 : i32
        %cond3A_101 = arith.cmpi ne, %convert_element_type3A_99, %cond3A_100 : i32
        scf.if %cond3A_101 {
          %dma_wait3A = arith.constant 1 : i32
          %dma_wait3A_102 = arith.constant 1 : i32
          %dma_wait3A_103 = arith.constant 0 : i32
          %dma_wait3A_104 = arith.constant 0 : i32
          %dma_wait3A_105 = tpu.memref_slice %arg8[%dma_wait3A, %dma_wait3A_103, %dma_wait3A_104] : memref<2x128x128xf32, #tpu.memory_space<vmem>> -> memref<1x128x128xf32, #tpu.memory_space<vmem>>
          %dma_wait3A_106 = tpu.memref_squeeze %dma_wait3A_105 : memref<1x128x128xf32, #tpu.memory_space<vmem>> -> memref<128x128xf32, #tpu.memory_space<vmem>>
          %dma_wait3A_107 = arith.constant 0 : i32
          %dma_wait3A_108 = tpu.memref_slice %arg6[%add3A_97, %dma_wait3A_107] : memref<40x128xi32, #tpu.memory_space<vmem>> -> memref<1x128xi32, #tpu.memory_space<vmem>>
          %dma_wait3A_109 = tpu.memref_squeeze %dma_wait3A_108 : memref<1x128xi32, #tpu.memory_space<vmem>> -> memref<128xi32, #tpu.memory_space<vmem>>
          %dma_wait3A_110 = arith.constant 0 : i32
          %dma_wait3A_111 = arith.constant 0 : i32
          %dma_wait3A_112 = tpu.memref_slice %arg2[%dma_wait3A_110, %dma_wait3A_111] : memref<10000x128xf32, #tpu.memory_space<hbm>> -> memref<10000x128xf32, #tpu.memory_space<hbm>>
          %dma_wait3A_113 = tpu.memref_slice %arg10[%dma_wait3A_102] : memref<2x!tpu.dma_semaphore, #tpu.memory_space<semaphore_mem>> -> memref<1x!tpu.dma_semaphore, #tpu.memory_space<semaphore_mem>>
          %dma_wait3A_114 = tpu.memref_squeeze %dma_wait3A_113 : memref<1x!tpu.dma_semaphore, #tpu.memory_space<semaphore_mem>> -> memref<!tpu.dma_semaphore, #tpu.memory_space<semaphore_mem>>
          tpu.wait_indirect_dma semaphore(%dma_wait3A_114 : memref<!tpu.dma_semaphore, #tpu.memory_space<semaphore_mem>>) src(%dma_wait3A_112 : memref<10000x128xf32, #tpu.memory_space<hbm>>) dst(%dma_wait3A_106 : memref<128x128xf32, #tpu.memory_space<vmem>>)
          %run_scoped3A_115 = arith.constant 1 : i32
          "tpu.region"() ({
            %run_scoped3A_122 = tpu.sem_alloc : memref<!tpu.dma_semaphore, #tpu.memory_space<semaphore_mem>>
            %dma_start3A_123 = arith.constant 0 : i32
            %dma_start3A_124 = arith.constant 0 : i32
            %dma_start3A_125 = tpu.memref_slice %arg8[%run_scoped3A_115, %dma_start3A_123, %dma_start3A_124] : memref<2x128x128xf32, #tpu.memory_space<vmem>> -> memref<1x128x128xf32, #tpu.memory_space<vmem>>
            %dma_start3A_126 = tpu.memref_squeeze %dma_start3A_125 : memref<1x128x128xf32, #tpu.memory_space<vmem>> -> memref<128x128xf32, #tpu.memory_space<vmem>>
            %dma_start3A_127 = arith.constant 0 : i32
            %dma_start3A_128 = tpu.memref_slice %arg7[%add3A_97, %dma_start3A_127] : memref<40x128xi32, #tpu.memory_space<vmem>> -> memref<1x128xi32, #tpu.memory_space<vmem>>
            %dma_start3A_129 = tpu.memref_squeeze %dma_start3A_128 : memref<1x128xi32, #tpu.memory_space<vmem>> -> memref<128xi32, #tpu.memory_space<vmem>>
            %dma_start3A_130 = arith.constant 0 : i32
            %dma_start3A_131 = arith.constant 0 : i32
            %dma_start3A_132 = tpu.memref_slice %arg9[%dma_start3A_130, %dma_start3A_131] : memref<10112x128xf32, #tpu.memory_space<vmem_shared>> -> memref<10112x128xf32, #tpu.memory_space<vmem_shared>>
            tpu.enqueue_indirect_dma source(%dma_start3A_126 : memref<128x128xf32, #tpu.memory_space<vmem>>) target(%dma_start3A_132 : memref<10112x128xf32, #tpu.memory_space<vmem_shared>>) offsets(%dma_start3A_129 : memref<128xi32, #tpu.memory_space<vmem>>) semaphore(%run_scoped3A_122 : memref<!tpu.dma_semaphore, #tpu.memory_space<semaphore_mem>>) {add = true}
            %dma_wait3A_133 = arith.constant 0 : i32
            %dma_wait3A_134 = arith.constant 0 : i32
            %dma_wait3A_135 = tpu.memref_slice %arg8[%run_scoped3A_115, %dma_wait3A_133, %dma_wait3A_134] : memref<2x128x128xf32, #tpu.memory_space<vmem>> -> memref<1x128x128xf32, #tpu.memory_space<vmem>>
            %dma_wait3A_136 = tpu.memref_squeeze %dma_wait3A_135 : memref<1x128x128xf32, #tpu.memory_space<vmem>> -> memref<128x128xf32, #tpu.memory_space<vmem>>
            %dma_wait3A_137 = arith.constant 0 : i32
            %dma_wait3A_138 = tpu.memref_slice %arg7[%add3A_97, %dma_wait3A_137] : memref<40x128xi32, #tpu.memory_space<vmem>> -> memref<1x128xi32, #tpu.memory_space<vmem>>
            %dma_wait3A_139 = tpu.memref_squeeze %dma_wait3A_138 : memref<1x128xi32, #tpu.memory_space<vmem>> -> memref<128xi32, #tpu.memory_space<vmem>>
            %dma_wait3A_140 = arith.constant 0 : i32
            %dma_wait3A_141 = arith.constant 0 : i32
            %dma_wait3A_142 = tpu.memref_slice %arg9[%dma_wait3A_140, %dma_wait3A_141] : memref<10112x128xf32, #tpu.memory_space<vmem_shared>> -> memref<10112x128xf32, #tpu.memory_space<vmem_shared>>
            tpu.wait_indirect_dma semaphore(%run_scoped3A_122 : memref<!tpu.dma_semaphore, #tpu.memory_space<semaphore_mem>>) src(%dma_wait3A_136 : memref<128x128xf32, #tpu.memory_space<vmem>>) dst(%dma_wait3A_142 : memref<10112x128xf32, #tpu.memory_space<vmem_shared>>)
            tpu.yield
          }) : () -> ()
          %add3A_116 = arith.constant 2 : i32
          %add3A_117 = arith.addi %add3A_97, %add3A_116 : i32
          %lt3A_118 = arith.cmpi slt, %add3A_117, %sub3A_13 : i32
          %convert_element_type3A_119 = arith.extui %lt3A_118 : i1 to i32
          %cond3A_120 = arith.constant 0 : i32
          %cond3A_121 = arith.cmpi ne, %convert_element_type3A_119, %cond3A_120 : i32
          scf.if %cond3A_121 {
            %add3A_122 = arith.constant 2 : i32
            %add3A_123 = arith.addi %add3A_97, %add3A_122 : i32
            %dma_start3A_124 = arith.constant 1 : i32
            %dma_start3A_125 = arith.constant 1 : i32
            %dma_start3A_126 = arith.constant 0 : i32
            %dma_start3A_127 = arith.constant 0 : i32
            %dma_start3A_128 = tpu.memref_slice %arg8[%dma_start3A_124, %dma_start3A_126, %dma_start3A_127] : memref<2x128x128xf32, #tpu.memory_space<vmem>> -> memref<1x128x128xf32, #tpu.memory_space<vmem>>
            %dma_start3A_129 = tpu.memref_squeeze %dma_start3A_128 : memref<1x128x128xf32, #tpu.memory_space<vmem>> -> memref<128x128xf32, #tpu.memory_space<vmem>>
            %dma_start3A_130 = arith.constant 0 : i32
            %dma_start3A_131 = tpu.memref_slice %arg6[%add3A_123, %dma_start3A_130] : memref<40x128xi32, #tpu.memory_space<vmem>> -> memref<1x128xi32, #tpu.memory_space<vmem>>
            %dma_start3A_132 = tpu.memref_squeeze %dma_start3A_131 : memref<1x128xi32, #tpu.memory_space<vmem>> -> memref<128xi32, #tpu.memory_space<vmem>>
            %dma_start3A_133 = arith.constant 0 : i32
            %dma_start3A_134 = arith.constant 0 : i32
            %dma_start3A_135 = tpu.memref_slice %arg2[%dma_start3A_133, %dma_start3A_134] : memref<10000x128xf32, #tpu.memory_space<hbm>> -> memref<10000x128xf32, #tpu.memory_space<hbm>>
            %dma_start3A_136 = tpu.memref_slice %arg10[%dma_start3A_125] : memref<2x!tpu.dma_semaphore, #tpu.memory_space<semaphore_mem>> -> memref<1x!tpu.dma_semaphore, #tpu.memory_space<semaphore_mem>>
            %dma_start3A_137 = tpu.memref_squeeze %dma_start3A_136 : memref<1x!tpu.dma_semaphore, #tpu.memory_space<semaphore_mem>> -> memref<!tpu.dma_semaphore, #tpu.memory_space<semaphore_mem>>
            tpu.enqueue_indirect_dma source(%dma_start3A_135 : memref<10000x128xf32, #tpu.memory_space<hbm>>) target(%dma_start3A_129 : memref<128x128xf32, #tpu.memory_space<vmem>>) offsets(%dma_start3A_132 : memref<128xi32, #tpu.memory_space<vmem>>) semaphore(%dma_start3A_137 : memref<!tpu.dma_semaphore, #tpu.memory_space<semaphore_mem>>)
          } else {
          }
        } else {
        }
      }
      %while3A_87 = arith.constant 1 : i32
      scf.for %while3A_88 = %while3A_85 to %while3A_81 step %while3A_87  : i32 {
        %mul3A_89 = arith.constant 2 : i32
        %mul3A_90 = arith.muli %while3A_88, %mul3A_89 : i32
        %add3A_91 = arith.constant 0 : i32
        %add3A_92 = arith.addi %mul3A_90, %add3A_91 : i32
        %lt3A = arith.cmpi slt, %add3A_92, %sub3A_13 : i32
        %convert_element_type3A_93 = arith.extui %lt3A : i1 to i32
        %cond3A_94 = arith.constant 0 : i32
        %cond3A_95 = arith.cmpi ne, %convert_element_type3A_93, %cond3A_94 : i32
        scf.if %cond3A_95 {
          %dma_wait3A = arith.constant 0 : i32
          %dma_wait3A_102 = arith.constant 0 : i32
          %dma_wait3A_103 = arith.constant 0 : i32
          %dma_wait3A_104 = arith.constant 0 : i32
          %dma_wait3A_105 = tpu.memref_slice %arg8[%dma_wait3A, %dma_wait3A_103, %dma_wait3A_104] : memref<2x128x128xf32, #tpu.memory_space<vmem>> -> memref<1x128x128xf32, #tpu.memory_space<vmem>>
          %dma_wait3A_106 = tpu.memref_squeeze %dma_wait3A_105 : memref<1x128x128xf32, #tpu.memory_space<vmem>> -> memref<128x128xf32, #tpu.memory_space<vmem>>
          %dma_wait3A_107 = arith.constant 0 : i32
          %dma_wait3A_108 = tpu.memref_slice %arg6[%add3A_92, %dma_wait3A_107] : memref<40x128xi32, #tpu.memory_space<vmem>> -> memref<1x128xi32, #tpu.memory_space<vmem>>
          %dma_wait3A_109 = tpu.memref_squeeze %dma_wait3A_108 : memref<1x128xi32, #tpu.memory_space<vmem>> -> memref<128xi32, #tpu.memory_space<vmem>>
          %dma_wait3A_110 = arith.constant 0 : i32
          %dma_wait3A_111 = arith.constant 0 : i32
          %dma_wait3A_112 = tpu.memref_slice %arg2[%dma_wait3A_110, %dma_wait3A_111] : memref<10000x128xf32, #tpu.memory_space<hbm>> -> memref<10000x128xf32, #tpu.memory_space<hbm>>
          %dma_wait3A_113 = tpu.memref_slice %arg10[%dma_wait3A_102] : memref<2x!tpu.dma_semaphore, #tpu.memory_space<semaphore_mem>> -> memref<1x!tpu.dma_semaphore, #tpu.memory_space<semaphore_mem>>
          %dma_wait3A_114 = tpu.memref_squeeze %dma_wait3A_113 : memref<1x!tpu.dma_semaphore, #tpu.memory_space<semaphore_mem>> -> memref<!tpu.dma_semaphore, #tpu.memory_space<semaphore_mem>>
          tpu.wait_indirect_dma semaphore(%dma_wait3A_114 : memref<!tpu.dma_semaphore, #tpu.memory_space<semaphore_mem>>) src(%dma_wait3A_112 : memref<10000x128xf32, #tpu.memory_space<hbm>>) dst(%dma_wait3A_106 : memref<128x128xf32, #tpu.memory_space<vmem>>)
          %run_scoped3A_115 = arith.constant 0 : i32
          "tpu.region"() ({
            %run_scoped3A_122 = tpu.sem_alloc : memref<!tpu.dma_semaphore, #tpu.memory_space<semaphore_mem>>
            %dma_start3A_123 = arith.constant 0 : i32
            %dma_start3A_124 = arith.constant 0 : i32
            %dma_start3A_125 = tpu.memref_slice %arg8[%run_scoped3A_115, %dma_start3A_123, %dma_start3A_124] : memref<2x128x128xf32, #tpu.memory_space<vmem>> -> memref<1x128x128xf32, #tpu.memory_space<vmem>>
            %dma_start3A_126 = tpu.memref_squeeze %dma_start3A_125 : memref<1x128x128xf32, #tpu.memory_space<vmem>> -> memref<128x128xf32, #tpu.memory_space<vmem>>
            %dma_start3A_127 = arith.constant 0 : i32
            %dma_start3A_128 = tpu.memref_slice %arg7[%add3A_92, %dma_start3A_127] : memref<40x128xi32, #tpu.memory_space<vmem>> -> memref<1x128xi32, #tpu.memory_space<vmem>>
            %dma_start3A_129 = tpu.memref_squeeze %dma_start3A_128 : memref<1x128xi32, #tpu.memory_space<vmem>> -> memref<128xi32, #tpu.memory_space<vmem>>
            %dma_start3A_130 = arith.constant 0 : i32
            %dma_start3A_131 = arith.constant 0 : i32
            %dma_start3A_132 = tpu.memref_slice %arg9[%dma_start3A_130, %dma_start3A_131] : memref<10112x128xf32, #tpu.memory_space<vmem_shared>> -> memref<10112x128xf32, #tpu.memory_space<vmem_shared>>
            tpu.enqueue_indirect_dma source(%dma_start3A_126 : memref<128x128xf32, #tpu.memory_space<vmem>>) target(%dma_start3A_132 : memref<10112x128xf32, #tpu.memory_space<vmem_shared>>) offsets(%dma_start3A_129 : memref<128xi32, #tpu.memory_space<vmem>>) semaphore(%run_scoped3A_122 : memref<!tpu.dma_semaphore, #tpu.memory_space<semaphore_mem>>) {add = true}
            %dma_wait3A_133 = arith.constant 0 : i32
            %dma_wait3A_134 = arith.constant 0 : i32
            %dma_wait3A_135 = tpu.memref_slice %arg8[%run_scoped3A_115, %dma_wait3A_133, %dma_wait3A_134] : memref<2x128x128xf32, #tpu.memory_space<vmem>> -> memref<1x128x128xf32, #tpu.memory_space<vmem>>
            %dma_wait3A_136 = tpu.memref_squeeze %dma_wait3A_135 : memref<1x128x128xf32, #tpu.memory_space<vmem>> -> memref<128x128xf32, #tpu.memory_space<vmem>>
            %dma_wait3A_137 = arith.constant 0 : i32
            %dma_wait3A_138 = tpu.memref_slice %arg7[%add3A_92, %dma_wait3A_137] : memref<40x128xi32, #tpu.memory_space<vmem>> -> memref<1x128xi32, #tpu.memory_space<vmem>>
            %dma_wait3A_139 = tpu.memref_squeeze %dma_wait3A_138 : memref<1x128xi32, #tpu.memory_space<vmem>> -> memref<128xi32, #tpu.memory_space<vmem>>
            %dma_wait3A_140 = arith.constant 0 : i32
            %dma_wait3A_141 = arith.constant 0 : i32
            %dma_wait3A_142 = tpu.memref_slice %arg9[%dma_wait3A_140, %dma_wait3A_141] : memref<10112x128xf32, #tpu.memory_space<vmem_shared>> -> memref<10112x128xf32, #tpu.memory_space<vmem_shared>>
            tpu.wait_indirect_dma semaphore(%run_scoped3A_122 : memref<!tpu.dma_semaphore, #tpu.memory_space<semaphore_mem>>) src(%dma_wait3A_136 : memref<128x128xf32, #tpu.memory_space<vmem>>) dst(%dma_wait3A_142 : memref<10112x128xf32, #tpu.memory_space<vmem_shared>>)
            tpu.yield
          }) : () -> ()
          %add3A_116 = arith.constant 2 : i32
          %add3A_117 = arith.addi %add3A_92, %add3A_116 : i32
          %lt3A_118 = arith.cmpi slt, %add3A_117, %sub3A_13 : i32
          %convert_element_type3A_119 = arith.extui %lt3A_118 : i1 to i32
          %cond3A_120 = arith.constant 0 : i32
          %cond3A_121 = arith.cmpi ne, %convert_element_type3A_119, %cond3A_120 : i32
          scf.if %cond3A_121 {
            %add3A_122 = arith.constant 2 : i32
            %add3A_123 = arith.addi %add3A_92, %add3A_122 : i32
            %dma_start3A_124 = arith.constant 0 : i32
            %dma_start3A_125 = arith.constant 0 : i32
            %dma_start3A_126 = arith.constant 0 : i32
            %dma_start3A_127 = arith.constant 0 : i32
            %dma_start3A_128 = tpu.memref_slice %arg8[%dma_start3A_124, %dma_start3A_126, %dma_start3A_127] : memref<2x128x128xf32, #tpu.memory_space<vmem>> -> memref<1x128x128xf32, #tpu.memory_space<vmem>>
            %dma_start3A_129 = tpu.memref_squeeze %dma_start3A_128 : memref<1x128x128xf32, #tpu.memory_space<vmem>> -> memref<128x128xf32, #tpu.memory_space<vmem>>
            %dma_start3A_130 = arith.constant 0 : i32
            %dma_start3A_131 = tpu.memref_slice %arg6[%add3A_123, %dma_start3A_130] : memref<40x128xi32, #tpu.memory_space<vmem>> -> memref<1x128xi32, #tpu.memory_space<vmem>>
            %dma_start3A_132 = tpu.memref_squeeze %dma_start3A_131 : memref<1x128xi32, #tpu.memory_space<vmem>> -> memref<128xi32, #tpu.memory_space<vmem>>
            %dma_start3A_133 = arith.constant 0 : i32
            %dma_start3A_134 = arith.constant 0 : i32
            %dma_start3A_135 = tpu.memref_slice %arg2[%dma_start3A_133, %dma_start3A_134] : memref<10000x128xf32, #tpu.memory_space<hbm>> -> memref<10000x128xf32, #tpu.memory_space<hbm>>
            %dma_start3A_136 = tpu.memref_slice %arg10[%dma_start3A_125] : memref<2x!tpu.dma_semaphore, #tpu.memory_space<semaphore_mem>> -> memref<1x!tpu.dma_semaphore, #tpu.memory_space<semaphore_mem>>
            %dma_start3A_137 = tpu.memref_squeeze %dma_start3A_136 : memref<1x!tpu.dma_semaphore, #tpu.memory_space<semaphore_mem>> -> memref<!tpu.dma_semaphore, #tpu.memory_space<semaphore_mem>>
            tpu.enqueue_indirect_dma source(%dma_start3A_135 : memref<10000x128xf32, #tpu.memory_space<hbm>>) target(%dma_start3A_129 : memref<128x128xf32, #tpu.memory_space<vmem>>) offsets(%dma_start3A_132 : memref<128xi32, #tpu.memory_space<vmem>>) semaphore(%dma_start3A_137 : memref<!tpu.dma_semaphore, #tpu.memory_space<semaphore_mem>>)
          } else {
          }
        } else {
        }
        %add3A_96 = arith.constant 1 : i32
        %add3A_97 = arith.addi %mul3A_90, %add3A_96 : i32
        %lt3A_98 = arith.cmpi slt, %add3A_97, %sub3A_13 : i32
        %convert_element_type3A_99 = arith.extui %lt3A_98 : i1 to i32
        %cond3A_100 = arith.constant 0 : i32
        %cond3A_101 = arith.cmpi ne, %convert_element_type3A_99, %cond3A_100 : i32
        scf.if %cond3A_101 {
          %dma_wait3A = arith.constant 1 : i32
          %dma_wait3A_102 = arith.constant 1 : i32
          %dma_wait3A_103 = arith.constant 0 : i32
          %dma_wait3A_104 = arith.constant 0 : i32
          %dma_wait3A_105 = tpu.memref_slice %arg8[%dma_wait3A, %dma_wait3A_103, %dma_wait3A_104] : memref<2x128x128xf32, #tpu.memory_space<vmem>> -> memref<1x128x128xf32, #tpu.memory_space<vmem>>
          %dma_wait3A_106 = tpu.memref_squeeze %dma_wait3A_105 : memref<1x128x128xf32, #tpu.memory_space<vmem>> -> memref<128x128xf32, #tpu.memory_space<vmem>>
          %dma_wait3A_107 = arith.constant 0 : i32
          %dma_wait3A_108 = tpu.memref_slice %arg6[%add3A_97, %dma_wait3A_107] : memref<40x128xi32, #tpu.memory_space<vmem>> -> memref<1x128xi32, #tpu.memory_space<vmem>>
          %dma_wait3A_109 = tpu.memref_squeeze %dma_wait3A_108 : memref<1x128xi32, #tpu.memory_space<vmem>> -> memref<128xi32, #tpu.memory_space<vmem>>
          %dma_wait3A_110 = arith.constant 0 : i32
          %dma_wait3A_111 = arith.constant 0 : i32
          %dma_wait3A_112 = tpu.memref_slice %arg2[%dma_wait3A_110, %dma_wait3A_111] : memref<10000x128xf32, #tpu.memory_space<hbm>> -> memref<10000x128xf32, #tpu.memory_space<hbm>>
          %dma_wait3A_113 = tpu.memref_slice %arg10[%dma_wait3A_102] : memref<2x!tpu.dma_semaphore, #tpu.memory_space<semaphore_mem>> -> memref<1x!tpu.dma_semaphore, #tpu.memory_space<semaphore_mem>>
          %dma_wait3A_114 = tpu.memref_squeeze %dma_wait3A_113 : memref<1x!tpu.dma_semaphore, #tpu.memory_space<semaphore_mem>> -> memref<!tpu.dma_semaphore, #tpu.memory_space<semaphore_mem>>
          tpu.wait_indirect_dma semaphore(%dma_wait3A_114 : memref<!tpu.dma_semaphore, #tpu.memory_space<semaphore_mem>>) src(%dma_wait3A_112 : memref<10000x128xf32, #tpu.memory_space<hbm>>) dst(%dma_wait3A_106 : memref<128x128xf32, #tpu.memory_space<vmem>>)
          %run_scoped3A_115 = arith.constant 1 : i32
          "tpu.region"() ({
            %run_scoped3A_122 = tpu.sem_alloc : memref<!tpu.dma_semaphore, #tpu.memory_space<semaphore_mem>>
            %dma_start3A_123 = arith.constant 0 : i32
            %dma_start3A_124 = arith.constant 0 : i32
            %dma_start3A_125 = tpu.memref_slice %arg8[%run_scoped3A_115, %dma_start3A_123, %dma_start3A_124] : memref<2x128x128xf32, #tpu.memory_space<vmem>> -> memref<1x128x128xf32, #tpu.memory_space<vmem>>
            %dma_start3A_126 = tpu.memref_squeeze %dma_start3A_125 : memref<1x128x128xf32, #tpu.memory_space<vmem>> -> memref<128x128xf32, #tpu.memory_space<vmem>>
            %dma_start3A_127 = arith.constant 0 : i32
            %dma_start3A_128 = tpu.memref_slice %arg7[%add3A_97, %dma_start3A_127] : memref<40x128xi32, #tpu.memory_space<vmem>> -> memref<1x128xi32, #tpu.memory_space<vmem>>
            %dma_start3A_129 = tpu.memref_squeeze %dma_start3A_128 : memref<1x128xi32, #tpu.memory_space<vmem>> -> memref<128xi32, #tpu.memory_space<vmem>>
            %dma_start3A_130 = arith.constant 0 : i32
            %dma_start3A_131 = arith.constant 0 : i32
            %dma_start3A_132 = tpu.memref_slice %arg9[%dma_start3A_130, %dma_start3A_131] : memref<10112x128xf32, #tpu.memory_space<vmem_shared>> -> memref<10112x128xf32, #tpu.memory_space<vmem_shared>>
            tpu.enqueue_indirect_dma source(%dma_start3A_126 : memref<128x128xf32, #tpu.memory_space<vmem>>) target(%dma_start3A_132 : memref<10112x128xf32, #tpu.memory_space<vmem_shared>>) offsets(%dma_start3A_129 : memref<128xi32, #tpu.memory_space<vmem>>) semaphore(%run_scoped3A_122 : memref<!tpu.dma_semaphore, #tpu.memory_space<semaphore_mem>>) {add = true}
            %dma_wait3A_133 = arith.constant 0 : i32
            %dma_wait3A_134 = arith.constant 0 : i32
            %dma_wait3A_135 = tpu.memref_slice %arg8[%run_scoped3A_115, %dma_wait3A_133, %dma_wait3A_134] : memref<2x128x128xf32, #tpu.memory_space<vmem>> -> memref<1x128x128xf32, #tpu.memory_space<vmem>>
            %dma_wait3A_136 = tpu.memref_squeeze %dma_wait3A_135 : memref<1x128x128xf32, #tpu.memory_space<vmem>> -> memref<128x128xf32, #tpu.memory_space<vmem>>
            %dma_wait3A_137 = arith.constant 0 : i32
            %dma_wait3A_138 = tpu.memref_slice %arg7[%add3A_97, %dma_wait3A_137] : memref<40x128xi32, #tpu.memory_space<vmem>> -> memref<1x128xi32, #tpu.memory_space<vmem>>
            %dma_wait3A_139 = tpu.memref_squeeze %dma_wait3A_138 : memref<1x128xi32, #tpu.memory_space<vmem>> -> memref<128xi32, #tpu.memory_space<vmem>>
            %dma_wait3A_140 = arith.constant 0 : i32
            %dma_wait3A_141 = arith.constant 0 : i32
            %dma_wait3A_142 = tpu.memref_slice %arg9[%dma_wait3A_140, %dma_wait3A_141] : memref<10112x128xf32, #tpu.memory_space<vmem_shared>> -> memref<10112x128xf32, #tpu.memory_space<vmem_shared>>
            tpu.wait_indirect_dma semaphore(%run_scoped3A_122 : memref<!tpu.dma_semaphore, #tpu.memory_space<semaphore_mem>>) src(%dma_wait3A_136 : memref<128x128xf32, #tpu.memory_space<vmem>>) dst(%dma_wait3A_142 : memref<10112x128xf32, #tpu.memory_space<vmem_shared>>)
            tpu.yield
          }) : () -> ()
          %add3A_116 = arith.constant 2 : i32
          %add3A_117 = arith.addi %add3A_97, %add3A_116 : i32
          %lt3A_118 = arith.cmpi slt, %add3A_117, %sub3A_13 : i32
          %convert_element_type3A_119 = arith.extui %lt3A_118 : i1 to i32
          %cond3A_120 = arith.constant 0 : i32
          %cond3A_121 = arith.cmpi ne, %convert_element_type3A_119, %cond3A_120 : i32
          scf.if %cond3A_121 {
            %add3A_122 = arith.constant 2 : i32
            %add3A_123 = arith.addi %add3A_97, %add3A_122 : i32
            %dma_start3A_124 = arith.constant 1 : i32
            %dma_start3A_125 = arith.constant 1 : i32
            %dma_start3A_126 = arith.constant 0 : i32
            %dma_start3A_127 = arith.constant 0 : i32
            %dma_start3A_128 = tpu.memref_slice %arg8[%dma_start3A_124, %dma_start3A_126, %dma_start3A_127] : memref<2x128x128xf32, #tpu.memory_space<vmem>> -> memref<1x128x128xf32, #tpu.memory_space<vmem>>
            %dma_start3A_129 = tpu.memref_squeeze %dma_start3A_128 : memref<1x128x128xf32, #tpu.memory_space<vmem>> -> memref<128x128xf32, #tpu.memory_space<vmem>>
            %dma_start3A_130 = arith.constant 0 : i32
            %dma_start3A_131 = tpu.memref_slice %arg6[%add3A_123, %dma_start3A_130] : memref<40x128xi32, #tpu.memory_space<vmem>> -> memref<1x128xi32, #tpu.memory_space<vmem>>
            %dma_start3A_132 = tpu.memref_squeeze %dma_start3A_131 : memref<1x128xi32, #tpu.memory_space<vmem>> -> memref<128xi32, #tpu.memory_space<vmem>>
            %dma_start3A_133 = arith.constant 0 : i32
            %dma_start3A_134 = arith.constant 0 : i32
            %dma_start3A_135 = tpu.memref_slice %arg2[%dma_start3A_133, %dma_start3A_134] : memref<10000x128xf32, #tpu.memory_space<hbm>> -> memref<10000x128xf32, #tpu.memory_space<hbm>>
            %dma_start3A_136 = tpu.memref_slice %arg10[%dma_start3A_125] : memref<2x!tpu.dma_semaphore, #tpu.memory_space<semaphore_mem>> -> memref<1x!tpu.dma_semaphore, #tpu.memory_space<semaphore_mem>>
            %dma_start3A_137 = tpu.memref_squeeze %dma_start3A_136 : memref<1x!tpu.dma_semaphore, #tpu.memory_space<semaphore_mem>> -> memref<!tpu.dma_semaphore, #tpu.memory_space<semaphore_mem>>
            tpu.enqueue_indirect_dma source(%dma_start3A_135 : memref<10000x128xf32, #tpu.memory_space<hbm>>) target(%dma_start3A_129 : memref<128x128xf32, #tpu.memory_space<vmem>>) offsets(%dma_start3A_132 : memref<128xi32, #tpu.memory_space<vmem>>) semaphore(%dma_start3A_137 : memref<!tpu.dma_semaphore, #tpu.memory_space<semaphore_mem>>)
          } else {
          }
        } else {
        }
      }
    } else {
    }
    %barrier3A_19 = arith.constant 0 : index
    tpu.barrier barrier_id(%barrier3A_19)
    %mul3A_20 = arith.constant 632 : i32
    %mul3A_21 = arith.muli %arg1, %mul3A_20 : i32
    %mul3A_22 = arith.constant 632 : i32
    %mul3A_23 = arith.muli %arg1, %mul3A_22 : i32
    "tpu.region"() ({
      %run_scoped3A = tpu.sem_alloc : memref<!tpu.dma_semaphore, #tpu.memory_space<semaphore_mem>>
      %dma_start3A = arith.constant 0 : i32
      %dma_start3A_24 = tpu.memref_slice %arg5[%arg0, %mul3A_23, %dma_start3A] : memref<2x10112x128xf32, #tpu.memory_space<hbm>> -> memref<1x632x128xf32, #tpu.memory_space<hbm>>
      %dma_start3A_25 = tpu.memref_squeeze %dma_start3A_24 : memref<1x632x128xf32, #tpu.memory_space<hbm>> -> memref<632x128xf32, #tpu.memory_space<hbm>>
      %dma_start3A_26 = arith.constant 0 : i32
      %dma_start3A_27 = tpu.memref_slice %arg9[%mul3A_21, %dma_start3A_26] : memref<10112x128xf32, #tpu.memory_space<vmem_shared>> -> memref<632x128xf32, #tpu.memory_space<vmem_shared>>
      tpu.enqueue_dma source(%dma_start3A_27 : memref<632x128xf32, #tpu.memory_space<vmem_shared>>) target(%dma_start3A_25 : memref<632x128xf32, #tpu.memory_space<hbm>>) target_semaphore(%run_scoped3A : memref<!tpu.dma_semaphore, #tpu.memory_space<semaphore_mem>>)
      %dma_wait3A = arith.constant 0 : i32
      %dma_wait3A_28 = tpu.memref_slice %arg5[%arg0, %mul3A_23, %dma_wait3A] : memref<2x10112x128xf32, #tpu.memory_space<hbm>> -> memref<1x632x128xf32, #tpu.memory_space<hbm>>
      %dma_wait3A_29 = tpu.memref_squeeze %dma_wait3A_28 : memref<1x632x128xf32, #tpu.memory_space<hbm>> -> memref<632x128xf32, #tpu.memory_space<hbm>>
      %dma_wait3A_30 = arith.constant 0 : i32
      %dma_wait3A_31 = tpu.memref_slice %arg9[%mul3A_21, %dma_wait3A_30] : memref<10112x128xf32, #tpu.memory_space<vmem_shared>> -> memref<632x128xf32, #tpu.memory_space<vmem_shared>>
      tpu.wait_dma2 semaphore(%run_scoped3A : memref<!tpu.dma_semaphore, #tpu.memory_space<semaphore_mem>>) src(%dma_wait3A_31 : memref<632x128xf32, #tpu.memory_space<vmem_shared>>) dst(%dma_wait3A_29 : memref<632x128xf32, #tpu.memory_space<hbm>>)
      tpu.yield
    }) : () -> ()
    return
  }
}

#map = affine_map<(d0, d1) -> (0, 0)>
#map1 = affine_map<(d0, d1) -> (0, 0, 0)>
module attributes {stable_mosaic.version = 14 : i64} {
  func.func @_sc_segsum_body(%arg0: i32, %arg1: i32, %arg2: memref<10000x128xf32, #tpu.memory_space<hbm>>, %arg3: memref<2x2520x128xi32, #tpu.memory_space<hbm>>, %arg4: memref<632x128xf32, #tpu.memory_space<hbm>>, %arg5: memref<2x10112x128xf32, #tpu.memory_space<hbm>>, %arg6: memref<40x128xi32, #tpu.memory_space<vmem>>, %arg7: memref<40x128xi32, #tpu.memory_space<vmem>>, %arg8: memref<2x128x128xf32, #tpu.memory_space<vmem>>, %arg9: memref<10112x128xf32, #tpu.memory_space<vmem_shared>>, %arg10: memref<2x!tpu.dma_semaphore, #tpu.memory_space<semaphore_mem>>) attributes {dimension_semantics = [#tpu.dimension_semantics<core_parallel>, #tpu.dimension_semantics<subcore_parallel>], iteration_bounds = array<i64: 2, 16>, scalar_prefetch = 0 : i64, scratch_operands = 5 : i64, tpu.core_type = #tpu.core_type<sc_vector_subcore>, window_params = [{transform_indices = #map}, {transform_indices = #map1}, {transform_indices = #map}, {transform_indices = #map1}]} {
    %mul3A = arith.constant 2 : i32
    %mul3A_0 = arith.muli %arg1, %mul3A : i32
    %add3A = arith.addi %mul3A_0, %arg0 : i32
    %mul3A_1 = arith.constant 80 : i32
    %mul3A_2 = arith.muli %add3A, %mul3A_1 : i32
    %sub3A = arith.constant 2500 : i32
    %sub3A_3 = arith.subi %sub3A, %mul3A_2 : i32
    %min3A = arith.constant 80 : i32
    %min3A_4 = arith.minsi %min3A, %sub3A_3 : i32
    %mul3A_5 = arith.constant 632 : i32
    %mul3A_6 = arith.muli %arg1, %mul3A_5 : i32
    "tpu.region"() ({
      %run_scoped3A = tpu.sem_alloc : memref<!tpu.dma_semaphore, #tpu.memory_space<semaphore_mem>>
      %dma_start3A = arith.constant 0 : i32
      %dma_start3A_24 = tpu.memref_slice %arg9[%mul3A_6, %dma_start3A] : memref<10112x128xf32, #tpu.memory_space<vmem_shared>> -> memref<632x128xf32, #tpu.memory_space<vmem_shared>>
      tpu.enqueue_dma source(%arg4 : memref<632x128xf32, #tpu.memory_space<hbm>>) target(%dma_start3A_24 : memref<632x128xf32, #tpu.memory_space<vmem_shared>>) target_semaphore(%run_scoped3A : memref<!tpu.dma_semaphore, #tpu.memory_space<semaphore_mem>>)
      %dma_wait3A = arith.constant 0 : i32
      %dma_wait3A_25 = tpu.memref_slice %arg9[%mul3A_6, %dma_wait3A] : memref<10112x128xf32, #tpu.memory_space<vmem_shared>> -> memref<632x128xf32, #tpu.memory_space<vmem_shared>>
      tpu.wait_dma2 semaphore(%run_scoped3A : memref<!tpu.dma_semaphore, #tpu.memory_space<semaphore_mem>>) src(%arg4 : memref<632x128xf32, #tpu.memory_space<hbm>>) dst(%dma_wait3A_25 : memref<632x128xf32, #tpu.memory_space<vmem_shared>>)
      tpu.yield
    }) : () -> ()
    %barrier3A = arith.constant 0 : index
    tpu.barrier barrier_id(%barrier3A)
    %min3A_7 = arith.constant 40 : i32
    %min3A_8 = arith.minsi %min3A_7, %min3A_4 : i32
    %gt3A = arith.constant 0 : i32
    %gt3A_9 = arith.cmpi sgt, %min3A_8, %gt3A : i32
    %convert_element_type3A = arith.extui %gt3A_9 : i1 to i32
    %cond3A = arith.constant 0 : i32
    %cond3A_10 = arith.cmpi ne, %convert_element_type3A, %cond3A : i32
    scf.if %cond3A_10 {
      %mul3A_24 = arith.constant 80 : i32
      %mul3A_25 = arith.muli %add3A, %mul3A_24 : i32
      %add3A_26 = arith.constant 0 : i32
      %add3A_27 = arith.addi %mul3A_25, %add3A_26 : i32
      %run_scoped3A = arith.constant 0 : i32
      "tpu.region"() ({
        %run_scoped3A_88 = tpu.sem_alloc : memref<!tpu.dma_semaphore, #tpu.memory_space<semaphore_mem>>
        %dma_start3A_89 = arith.constant 0 : i32
        %dma_start3A_90 = tpu.memref_slice %arg3[%run_scoped3A, %add3A_27, %dma_start3A_89] : memref<2x2520x128xi32, #tpu.memory_space<hbm>> -> memref<1x40x128xi32, #tpu.memory_space<hbm>>
        %dma_start3A_91 = tpu.memref_squeeze %dma_start3A_90 : memref<1x40x128xi32, #tpu.memory_space<hbm>> -> memref<40x128xi32, #tpu.memory_space<hbm>>
        %dma_start3A_92 = arith.constant 0 : i32
        %dma_start3A_93 = tpu.memref_slice %arg3[%run_scoped3A, %add3A_27, %dma_start3A_92] : memref<2x2520x128xi32, #tpu.memory_space<hbm>> -> memref<1x40x128xi32, #tpu.memory_space<hbm>>
        %dma_start3A_94 = tpu.memref_squeeze %dma_start3A_93 : memref<1x40x128xi32, #tpu.memory_space<hbm>> -> memref<40x128xi32, #tpu.memory_space<hbm>>
        tpu.enqueue_dma source(%dma_start3A_94 : memref<40x128xi32, #tpu.memory_space<hbm>>) target(%arg6 : memref<40x128xi32, #tpu.memory_space<vmem>>) target_semaphore(%run_scoped3A_88 : memref<!tpu.dma_semaphore, #tpu.memory_space<semaphore_mem>>)
        %dma_wait3A = arith.constant 0 : i32
        %dma_wait3A_95 = tpu.memref_slice %arg3[%run_scoped3A, %add3A_27, %dma_wait3A] : memref<2x2520x128xi32, #tpu.memory_space<hbm>> -> memref<1x40x128xi32, #tpu.memory_space<hbm>>
        %dma_wait3A_96 = tpu.memref_squeeze %dma_wait3A_95 : memref<1x40x128xi32, #tpu.memory_space<hbm>> -> memref<40x128xi32, #tpu.memory_space<hbm>>
        %dma_wait3A_97 = arith.constant 0 : i32
        %dma_wait3A_98 = tpu.memref_slice %arg3[%run_scoped3A, %add3A_27, %dma_wait3A_97] : memref<2x2520x128xi32, #tpu.memory_space<hbm>> -> memref<1x40x128xi32, #tpu.memory_space<hbm>>
        %dma_wait3A_99 = tpu.memref_squeeze %dma_wait3A_98 : memref<1x40x128xi32, #tpu.memory_space<hbm>> -> memref<40x128xi32, #tpu.memory_space<hbm>>
        tpu.wait_dma2 semaphore(%run_scoped3A_88 : memref<!tpu.dma_semaphore, #tpu.memory_space<semaphore_mem>>) src(%dma_wait3A_99 : memref<40x128xi32, #tpu.memory_space<hbm>>) dst(%arg6 : memref<40x128xi32, #tpu.memory_space<vmem>>)
        tpu.yield
      }) : () -> ()
      %run_scoped3A_28 = arith.constant 1 : i32
      "tpu.region"() ({
        %run_scoped3A_88 = tpu.sem_alloc : memref<!tpu.dma_semaphore, #tpu.memory_space<semaphore_mem>>
        %dma_start3A_89 = arith.constant 0 : i32
        %dma_start3A_90 = tpu.memref_slice %arg3[%run_scoped3A_28, %add3A_27, %dma_start3A_89] : memref<2x2520x128xi32, #tpu.memory_space<hbm>> -> memref<1x40x128xi32, #tpu.memory_space<hbm>>
        %dma_start3A_91 = tpu.memref_squeeze %dma_start3A_90 : memref<1x40x128xi32, #tpu.memory_space<hbm>> -> memref<40x128xi32, #tpu.memory_space<hbm>>
        %dma_start3A_92 = arith.constant 0 : i32
        %dma_start3A_93 = tpu.memref_slice %arg3[%run_scoped3A_28, %add3A_27, %dma_start3A_92] : memref<2x2520x128xi32, #tpu.memory_space<hbm>> -> memref<1x40x128xi32, #tpu.memory_space<hbm>>
        %dma_start3A_94 = tpu.memref_squeeze %dma_start3A_93 : memref<1x40x128xi32, #tpu.memory_space<hbm>> -> memref<40x128xi32, #tpu.memory_space<hbm>>
        tpu.enqueue_dma source(%dma_start3A_94 : memref<40x128xi32, #tpu.memory_space<hbm>>) target(%arg7 : memref<40x128xi32, #tpu.memory_space<vmem>>) target_semaphore(%run_scoped3A_88 : memref<!tpu.dma_semaphore, #tpu.memory_space<semaphore_mem>>)
        %dma_wait3A = arith.constant 0 : i32
        %dma_wait3A_95 = tpu.memref_slice %arg3[%run_scoped3A_28, %add3A_27, %dma_wait3A] : memref<2x2520x128xi32, #tpu.memory_space<hbm>> -> memref<1x40x128xi32, #tpu.memory_space<hbm>>
        %dma_wait3A_96 = tpu.memref_squeeze %dma_wait3A_95 : memref<1x40x128xi32, #tpu.memory_space<hbm>> -> memref<40x128xi32, #tpu.memory_space<hbm>>
        %dma_wait3A_97 = arith.constant 0 : i32
        %dma_wait3A_98 = tpu.memref_slice %arg3[%run_scoped3A_28, %add3A_27, %dma_wait3A_97] : memref<2x2520x128xi32, #tpu.memory_space<hbm>> -> memref<1x40x128xi32, #tpu.memory_space<hbm>>
        %dma_wait3A_99 = tpu.memref_squeeze %dma_wait3A_98 : memref<1x40x128xi32, #tpu.memory_space<hbm>> -> memref<40x128xi32, #tpu.memory_space<hbm>>
        tpu.wait_dma2 semaphore(%run_scoped3A_88 : memref<!tpu.dma_semaphore, #tpu.memory_space<semaphore_mem>>) src(%dma_wait3A_99 : memref<40x128xi32, #tpu.memory_space<hbm>>) dst(%arg7 : memref<40x128xi32, #tpu.memory_space<vmem>>)
        tpu.yield
      }) : () -> ()
      %dma_start3A = arith.constant 0 : i32
      %dma_start3A_29 = arith.constant 0 : i32
      %dma_start3A_30 = arith.constant 0 : i32
      %dma_start3A_31 = arith.constant 0 : i32
      %dma_start3A_32 = arith.constant 0 : i32
      %dma_start3A_33 = tpu.memref_slice %arg8[%dma_start3A_29, %dma_start3A_31, %dma_start3A_32] : memref<2x128x128xf32, #tpu.memory_space<vmem>> -> memref<1x128x128xf32, #tpu.memory_space<vmem>>
      %dma_start3A_34 = tpu.memref_squeeze %dma_start3A_33 : memref<1x128x128xf32, #tpu.memory_space<vmem>> -> memref<128x128xf32, #tpu.memory_space<vmem>>
      %dma_start3A_35 = arith.constant 0 : i32
      %dma_start3A_36 = tpu.memref_slice %arg6[%dma_start3A, %dma_start3A_35] : memref<40x128xi32, #tpu.memory_space<vmem>> -> memref<1x128xi32, #tpu.memory_space<vmem>>
      %dma_start3A_37 = tpu.memref_squeeze %dma_start3A_36 : memref<1x128xi32, #tpu.memory_space<vmem>> -> memref<128xi32, #tpu.memory_space<vmem>>
      %dma_start3A_38 = arith.constant 0 : i32
      %dma_start3A_39 = arith.constant 0 : i32
      %dma_start3A_40 = tpu.memref_slice %arg2[%dma_start3A_38, %dma_start3A_39] : memref<10000x128xf32, #tpu.memory_space<hbm>> -> memref<10000x128xf32, #tpu.memory_space<hbm>>
      %dma_start3A_41 = tpu.memref_slice %arg10[%dma_start3A_30] : memref<2x!tpu.dma_semaphore, #tpu.memory_space<semaphore_mem>> -> memref<1x!tpu.dma_semaphore, #tpu.memory_space<semaphore_mem>>
      %dma_start3A_42 = tpu.memref_squeeze %dma_start3A_41 : memref<1x!tpu.dma_semaphore, #tpu.memory_space<semaphore_mem>> -> memref<!tpu.dma_semaphore, #tpu.memory_space<semaphore_mem>>
      tpu.enqueue_indirect_dma source(%dma_start3A_40 : memref<10000x128xf32, #tpu.memory_space<hbm>>) target(%dma_start3A_34 : memref<128x128xf32, #tpu.memory_space<vmem>>) offsets(%dma_start3A_37 : memref<128xi32, #tpu.memory_space<vmem>>) semaphore(%dma_start3A_42 : memref<!tpu.dma_semaphore, #tpu.memory_space<semaphore_mem>>)
      %dma_start3A_43 = arith.constant 1 : i32
      %dma_start3A_44 = arith.constant 1 : i32
      %dma_start3A_45 = arith.constant 1 : i32
      %dma_start3A_46 = arith.constant 0 : i32
      %dma_start3A_47 = arith.constant 0 : i32
      %dma_start3A_48 = tpu.memref_slice %arg8[%dma_start3A_44, %dma_start3A_46, %dma_start3A_47] : memref<2x128x128xf32, #tpu.memory_space<vmem>> -> memref<1x128x128xf32, #tpu.memory_space<vmem>>
      %dma_start3A_49 = tpu.memref_squeeze %dma_start3A_48 : memref<1x128x128xf32, #tpu.memory_space<vmem>> -> memref<128x128xf32, #tpu.memory_space<vmem>>
      %dma_start3A_50 = arith.constant 0 : i32
      %dma_start3A_51 = tpu.memref_slice %arg6[%dma_start3A_43, %dma_start3A_50] : memref<40x128xi32, #tpu.memory_space<vmem>> -> memref<1x128xi32, #tpu.memory_space<vmem>>
      %dma_start3A_52 = tpu.memref_squeeze %dma_start3A_51 : memref<1x128xi32, #tpu.memory_space<vmem>> -> memref<128xi32, #tpu.memory_space<vmem>>
      %dma_start3A_53 = arith.constant 0 : i32
      %dma_start3A_54 = arith.constant 0 : i32
      %dma_start3A_55 = tpu.memref_slice %arg2[%dma_start3A_53, %dma_start3A_54] : memref<10000x128xf32, #tpu.memory_space<hbm>> -> memref<10000x128xf32, #tpu.memory_space<hbm>>
      %dma_start3A_56 = tpu.memref_slice %arg10[%dma_start3A_45] : memref<2x!tpu.dma_semaphore, #tpu.memory_space<semaphore_mem>> -> memref<1x!tpu.dma_semaphore, #tpu.memory_space<semaphore_mem>>
      %dma_start3A_57 = tpu.memref_squeeze %dma_start3A_56 : memref<1x!tpu.dma_semaphore, #tpu.memory_space<semaphore_mem>> -> memref<!tpu.dma_semaphore, #tpu.memory_space<semaphore_mem>>
      tpu.enqueue_indirect_dma source(%dma_start3A_55 : memref<10000x128xf32, #tpu.memory_space<hbm>>) target(%dma_start3A_49 : memref<128x128xf32, #tpu.memory_space<vmem>>) offsets(%dma_start3A_52 : memref<128xi32, #tpu.memory_space<vmem>>) semaphore(%dma_start3A_57 : memref<!tpu.dma_semaphore, #tpu.memory_space<semaphore_mem>>)
      %add3A_58 = arith.constant 2 : i32
      %add3A_59 = arith.addi %min3A_8, %add3A_58 : i32
      %sub3A_60 = arith.constant 1 : i32
      %sub3A_61 = arith.subi %add3A_59, %sub3A_60 : i32
      %jit3A = arith.constant 2 : i32
      %div3A = arith.divsi %sub3A_61, %jit3A : i32
      %sign3A = arith.constant 0 : i32
      %sign3A_62 = arith.cmpi sgt, %sub3A_61, %sign3A : i32
      %sign3A_63 = arith.extui %sign3A_62 : i1 to i32
      %sign3A_64 = arith.constant 0 : i32
      %sign3A_65 = arith.cmpi slt, %sub3A_61, %sign3A_64 : i32
      %sign3A_66 = arith.extui %sign3A_65 : i1 to i32
      %sign3A_67 = arith.subi %sign3A_63, %sign3A_66 : i32
      %sign3A_68 = arith.constant 0 : i32
      %sign3A_69 = arith.cmpi sgt, %jit3A, %sign3A_68 : i32
      %sign3A_70 = arith.extui %sign3A_69 : i1 to i32
      %sign3A_71 = arith.constant 0 : i32
      %sign3A_72 = arith.cmpi slt, %jit3A, %sign3A_71 : i32
      %sign3A_73 = arith.extui %sign3A_72 : i1 to i32
      %sign3A_74 = arith.subi %sign3A_70, %sign3A_73 : i32
      %ne3A = arith.cmpi ne, %sign3A_67, %sign3A_74 : i32
      %rem3A = arith.remsi %sub3A_61, %jit3A : i32
      %ne3A_75 = arith.constant 0 : i32
      %ne3A_76 = arith.cmpi ne, %rem3A, %ne3A_75 : i32
      %and3A = arith.andi %ne3A, %ne3A_76 : i1
      %sub3A_77 = arith.constant 1 : i32
      %sub3A_78 = arith.subi %div3A, %sub3A_77 : i32
      %select_n3A = arith.select %and3A, %sub3A_78, %div3A : i32
      %while3A = arith.constant 0 : i32
      %while3A_79 = arith.constant 0 : i32
      %while3A_80 = arith.subi %select_n3A, %while3A_79 : i32
      %while3A_81 = arith.addi %while3A_79, %while3A_80 : i32
      %while3A_82 = arith.constant 1 : i32
      %while3A_83 = arith.divsi %while3A_80, %while3A_82 : i32
      %while3A_84 = arith.muli %while3A_83, %while3A_82 : i32
      %while3A_85 = arith.addi %while3A_79, %while3A_84 : i32
      %while3A_86 = arith.constant 1 : i32
      scf.for %while3A_88 = %while3A_79 to %while3A_85 step %while3A_86  : i32 {
        %mul3A_89 = arith.constant 2 : i32
        %mul3A_90 = arith.muli %while3A_88, %mul3A_89 : i32
        %add3A_91 = arith.constant 0 : i32
        %add3A_92 = arith.addi %mul3A_90, %add3A_91 : i32
        %lt3A = arith.cmpi slt, %add3A_92, %min3A_8 : i32
        %convert_element_type3A_93 = arith.extui %lt3A : i1 to i32
        %cond3A_94 = arith.constant 0 : i32
        %cond3A_95 = arith.cmpi ne, %convert_element_type3A_93, %cond3A_94 : i32
        scf.if %cond3A_95 {
          %dma_wait3A = arith.constant 0 : i32
          %dma_wait3A_102 = arith.constant 0 : i32
          %dma_wait3A_103 = arith.constant 0 : i32
          %dma_wait3A_104 = arith.constant 0 : i32
          %dma_wait3A_105 = tpu.memref_slice %arg8[%dma_wait3A, %dma_wait3A_103, %dma_wait3A_104] : memref<2x128x128xf32, #tpu.memory_space<vmem>> -> memref<1x128x128xf32, #tpu.memory_space<vmem>>
          %dma_wait3A_106 = tpu.memref_squeeze %dma_wait3A_105 : memref<1x128x128xf32, #tpu.memory_space<vmem>> -> memref<128x128xf32, #tpu.memory_space<vmem>>
          %dma_wait3A_107 = arith.constant 0 : i32
          %dma_wait3A_108 = tpu.memref_slice %arg6[%add3A_92, %dma_wait3A_107] : memref<40x128xi32, #tpu.memory_space<vmem>> -> memref<1x128xi32, #tpu.memory_space<vmem>>
          %dma_wait3A_109 = tpu.memref_squeeze %dma_wait3A_108 : memref<1x128xi32, #tpu.memory_space<vmem>> -> memref<128xi32, #tpu.memory_space<vmem>>
          %dma_wait3A_110 = arith.constant 0 : i32
          %dma_wait3A_111 = arith.constant 0 : i32
          %dma_wait3A_112 = tpu.memref_slice %arg2[%dma_wait3A_110, %dma_wait3A_111] : memref<10000x128xf32, #tpu.memory_space<hbm>> -> memref<10000x128xf32, #tpu.memory_space<hbm>>
          %dma_wait3A_113 = tpu.memref_slice %arg10[%dma_wait3A_102] : memref<2x!tpu.dma_semaphore, #tpu.memory_space<semaphore_mem>> -> memref<1x!tpu.dma_semaphore, #tpu.memory_space<semaphore_mem>>
          %dma_wait3A_114 = tpu.memref_squeeze %dma_wait3A_113 : memref<1x!tpu.dma_semaphore, #tpu.memory_space<semaphore_mem>> -> memref<!tpu.dma_semaphore, #tpu.memory_space<semaphore_mem>>
          tpu.wait_indirect_dma semaphore(%dma_wait3A_114 : memref<!tpu.dma_semaphore, #tpu.memory_space<semaphore_mem>>) src(%dma_wait3A_112 : memref<10000x128xf32, #tpu.memory_space<hbm>>) dst(%dma_wait3A_106 : memref<128x128xf32, #tpu.memory_space<vmem>>)
          %run_scoped3A_115 = arith.constant 0 : i32
          "tpu.region"() ({
            %run_scoped3A_122 = tpu.sem_alloc : memref<!tpu.dma_semaphore, #tpu.memory_space<semaphore_mem>>
            %dma_start3A_123 = arith.constant 0 : i32
            %dma_start3A_124 = arith.constant 0 : i32
            %dma_start3A_125 = tpu.memref_slice %arg8[%run_scoped3A_115, %dma_start3A_123, %dma_start3A_124] : memref<2x128x128xf32, #tpu.memory_space<vmem>> -> memref<1x128x128xf32, #tpu.memory_space<vmem>>
            %dma_start3A_126 = tpu.memref_squeeze %dma_start3A_125 : memref<1x128x128xf32, #tpu.memory_space<vmem>> -> memref<128x128xf32, #tpu.memory_space<vmem>>
            %dma_start3A_127 = arith.constant 0 : i32
            %dma_start3A_128 = tpu.memref_slice %arg7[%add3A_92, %dma_start3A_127] : memref<40x128xi32, #tpu.memory_space<vmem>> -> memref<1x128xi32, #tpu.memory_space<vmem>>
            %dma_start3A_129 = tpu.memref_squeeze %dma_start3A_128 : memref<1x128xi32, #tpu.memory_space<vmem>> -> memref<128xi32, #tpu.memory_space<vmem>>
            %dma_start3A_130 = arith.constant 0 : i32
            %dma_start3A_131 = arith.constant 0 : i32
            %dma_start3A_132 = tpu.memref_slice %arg9[%dma_start3A_130, %dma_start3A_131] : memref<10112x128xf32, #tpu.memory_space<vmem_shared>> -> memref<10112x128xf32, #tpu.memory_space<vmem_shared>>
            tpu.enqueue_indirect_dma source(%dma_start3A_126 : memref<128x128xf32, #tpu.memory_space<vmem>>) target(%dma_start3A_132 : memref<10112x128xf32, #tpu.memory_space<vmem_shared>>) offsets(%dma_start3A_129 : memref<128xi32, #tpu.memory_space<vmem>>) semaphore(%run_scoped3A_122 : memref<!tpu.dma_semaphore, #tpu.memory_space<semaphore_mem>>) {add = true}
            %dma_wait3A_133 = arith.constant 0 : i32
            %dma_wait3A_134 = arith.constant 0 : i32
            %dma_wait3A_135 = tpu.memref_slice %arg8[%run_scoped3A_115, %dma_wait3A_133, %dma_wait3A_134] : memref<2x128x128xf32, #tpu.memory_space<vmem>> -> memref<1x128x128xf32, #tpu.memory_space<vmem>>
            %dma_wait3A_136 = tpu.memref_squeeze %dma_wait3A_135 : memref<1x128x128xf32, #tpu.memory_space<vmem>> -> memref<128x128xf32, #tpu.memory_space<vmem>>
            %dma_wait3A_137 = arith.constant 0 : i32
            %dma_wait3A_138 = tpu.memref_slice %arg7[%add3A_92, %dma_wait3A_137] : memref<40x128xi32, #tpu.memory_space<vmem>> -> memref<1x128xi32, #tpu.memory_space<vmem>>
            %dma_wait3A_139 = tpu.memref_squeeze %dma_wait3A_138 : memref<1x128xi32, #tpu.memory_space<vmem>> -> memref<128xi32, #tpu.memory_space<vmem>>
            %dma_wait3A_140 = arith.constant 0 : i32
            %dma_wait3A_141 = arith.constant 0 : i32
            %dma_wait3A_142 = tpu.memref_slice %arg9[%dma_wait3A_140, %dma_wait3A_141] : memref<10112x128xf32, #tpu.memory_space<vmem_shared>> -> memref<10112x128xf32, #tpu.memory_space<vmem_shared>>
            tpu.wait_indirect_dma semaphore(%run_scoped3A_122 : memref<!tpu.dma_semaphore, #tpu.memory_space<semaphore_mem>>) src(%dma_wait3A_136 : memref<128x128xf32, #tpu.memory_space<vmem>>) dst(%dma_wait3A_142 : memref<10112x128xf32, #tpu.memory_space<vmem_shared>>)
            tpu.yield
          }) : () -> ()
          %add3A_116 = arith.constant 2 : i32
          %add3A_117 = arith.addi %add3A_92, %add3A_116 : i32
          %lt3A_118 = arith.cmpi slt, %add3A_117, %min3A_8 : i32
          %convert_element_type3A_119 = arith.extui %lt3A_118 : i1 to i32
          %cond3A_120 = arith.constant 0 : i32
          %cond3A_121 = arith.cmpi ne, %convert_element_type3A_119, %cond3A_120 : i32
          scf.if %cond3A_121 {
            %add3A_122 = arith.constant 2 : i32
            %add3A_123 = arith.addi %add3A_92, %add3A_122 : i32
            %dma_start3A_124 = arith.constant 0 : i32
            %dma_start3A_125 = arith.constant 0 : i32
            %dma_start3A_126 = arith.constant 0 : i32
            %dma_start3A_127 = arith.constant 0 : i32
            %dma_start3A_128 = tpu.memref_slice %arg8[%dma_start3A_124, %dma_start3A_126, %dma_start3A_127] : memref<2x128x128xf32, #tpu.memory_space<vmem>> -> memref<1x128x128xf32, #tpu.memory_space<vmem>>
            %dma_start3A_129 = tpu.memref_squeeze %dma_start3A_128 : memref<1x128x128xf32, #tpu.memory_space<vmem>> -> memref<128x128xf32, #tpu.memory_space<vmem>>
            %dma_start3A_130 = arith.constant 0 : i32
            %dma_start3A_131 = tpu.memref_slice %arg6[%add3A_123, %dma_start3A_130] : memref<40x128xi32, #tpu.memory_space<vmem>> -> memref<1x128xi32, #tpu.memory_space<vmem>>
            %dma_start3A_132 = tpu.memref_squeeze %dma_start3A_131 : memref<1x128xi32, #tpu.memory_space<vmem>> -> memref<128xi32, #tpu.memory_space<vmem>>
            %dma_start3A_133 = arith.constant 0 : i32
            %dma_start3A_134 = arith.constant 0 : i32
            %dma_start3A_135 = tpu.memref_slice %arg2[%dma_start3A_133, %dma_start3A_134] : memref<10000x128xf32, #tpu.memory_space<hbm>> -> memref<10000x128xf32, #tpu.memory_space<hbm>>
            %dma_start3A_136 = tpu.memref_slice %arg10[%dma_start3A_125] : memref<2x!tpu.dma_semaphore, #tpu.memory_space<semaphore_mem>> -> memref<1x!tpu.dma_semaphore, #tpu.memory_space<semaphore_mem>>
            %dma_start3A_137 = tpu.memref_squeeze %dma_start3A_136 : memref<1x!tpu.dma_semaphore, #tpu.memory_space<semaphore_mem>> -> memref<!tpu.dma_semaphore, #tpu.memory_space<semaphore_mem>>
            tpu.enqueue_indirect_dma source(%dma_start3A_135 : memref<10000x128xf32, #tpu.memory_space<hbm>>) target(%dma_start3A_129 : memref<128x128xf32, #tpu.memory_space<vmem>>) offsets(%dma_start3A_132 : memref<128xi32, #tpu.memory_space<vmem>>) semaphore(%dma_start3A_137 : memref<!tpu.dma_semaphore, #tpu.memory_space<semaphore_mem>>)
          } else {
          }
        } else {
        }
        %add3A_96 = arith.constant 1 : i32
        %add3A_97 = arith.addi %mul3A_90, %add3A_96 : i32
        %lt3A_98 = arith.cmpi slt, %add3A_97, %min3A_8 : i32
        %convert_element_type3A_99 = arith.extui %lt3A_98 : i1 to i32
        %cond3A_100 = arith.constant 0 : i32
        %cond3A_101 = arith.cmpi ne, %convert_element_type3A_99, %cond3A_100 : i32
        scf.if %cond3A_101 {
          %dma_wait3A = arith.constant 1 : i32
          %dma_wait3A_102 = arith.constant 1 : i32
          %dma_wait3A_103 = arith.constant 0 : i32
          %dma_wait3A_104 = arith.constant 0 : i32
          %dma_wait3A_105 = tpu.memref_slice %arg8[%dma_wait3A, %dma_wait3A_103, %dma_wait3A_104] : memref<2x128x128xf32, #tpu.memory_space<vmem>> -> memref<1x128x128xf32, #tpu.memory_space<vmem>>
          %dma_wait3A_106 = tpu.memref_squeeze %dma_wait3A_105 : memref<1x128x128xf32, #tpu.memory_space<vmem>> -> memref<128x128xf32, #tpu.memory_space<vmem>>
          %dma_wait3A_107 = arith.constant 0 : i32
          %dma_wait3A_108 = tpu.memref_slice %arg6[%add3A_97, %dma_wait3A_107] : memref<40x128xi32, #tpu.memory_space<vmem>> -> memref<1x128xi32, #tpu.memory_space<vmem>>
          %dma_wait3A_109 = tpu.memref_squeeze %dma_wait3A_108 : memref<1x128xi32, #tpu.memory_space<vmem>> -> memref<128xi32, #tpu.memory_space<vmem>>
          %dma_wait3A_110 = arith.constant 0 : i32
          %dma_wait3A_111 = arith.constant 0 : i32
          %dma_wait3A_112 = tpu.memref_slice %arg2[%dma_wait3A_110, %dma_wait3A_111] : memref<10000x128xf32, #tpu.memory_space<hbm>> -> memref<10000x128xf32, #tpu.memory_space<hbm>>
          %dma_wait3A_113 = tpu.memref_slice %arg10[%dma_wait3A_102] : memref<2x!tpu.dma_semaphore, #tpu.memory_space<semaphore_mem>> -> memref<1x!tpu.dma_semaphore, #tpu.memory_space<semaphore_mem>>
          %dma_wait3A_114 = tpu.memref_squeeze %dma_wait3A_113 : memref<1x!tpu.dma_semaphore, #tpu.memory_space<semaphore_mem>> -> memref<!tpu.dma_semaphore, #tpu.memory_space<semaphore_mem>>
          tpu.wait_indirect_dma semaphore(%dma_wait3A_114 : memref<!tpu.dma_semaphore, #tpu.memory_space<semaphore_mem>>) src(%dma_wait3A_112 : memref<10000x128xf32, #tpu.memory_space<hbm>>) dst(%dma_wait3A_106 : memref<128x128xf32, #tpu.memory_space<vmem>>)
          %run_scoped3A_115 = arith.constant 1 : i32
          "tpu.region"() ({
            %run_scoped3A_122 = tpu.sem_alloc : memref<!tpu.dma_semaphore, #tpu.memory_space<semaphore_mem>>
            %dma_start3A_123 = arith.constant 0 : i32
            %dma_start3A_124 = arith.constant 0 : i32
            %dma_start3A_125 = tpu.memref_slice %arg8[%run_scoped3A_115, %dma_start3A_123, %dma_start3A_124] : memref<2x128x128xf32, #tpu.memory_space<vmem>> -> memref<1x128x128xf32, #tpu.memory_space<vmem>>
            %dma_start3A_126 = tpu.memref_squeeze %dma_start3A_125 : memref<1x128x128xf32, #tpu.memory_space<vmem>> -> memref<128x128xf32, #tpu.memory_space<vmem>>
            %dma_start3A_127 = arith.constant 0 : i32
            %dma_start3A_128 = tpu.memref_slice %arg7[%add3A_97, %dma_start3A_127] : memref<40x128xi32, #tpu.memory_space<vmem>> -> memref<1x128xi32, #tpu.memory_space<vmem>>
            %dma_start3A_129 = tpu.memref_squeeze %dma_start3A_128 : memref<1x128xi32, #tpu.memory_space<vmem>> -> memref<128xi32, #tpu.memory_space<vmem>>
            %dma_start3A_130 = arith.constant 0 : i32
            %dma_start3A_131 = arith.constant 0 : i32
            %dma_start3A_132 = tpu.memref_slice %arg9[%dma_start3A_130, %dma_start3A_131] : memref<10112x128xf32, #tpu.memory_space<vmem_shared>> -> memref<10112x128xf32, #tpu.memory_space<vmem_shared>>
            tpu.enqueue_indirect_dma source(%dma_start3A_126 : memref<128x128xf32, #tpu.memory_space<vmem>>) target(%dma_start3A_132 : memref<10112x128xf32, #tpu.memory_space<vmem_shared>>) offsets(%dma_start3A_129 : memref<128xi32, #tpu.memory_space<vmem>>) semaphore(%run_scoped3A_122 : memref<!tpu.dma_semaphore, #tpu.memory_space<semaphore_mem>>) {add = true}
            %dma_wait3A_133 = arith.constant 0 : i32
            %dma_wait3A_134 = arith.constant 0 : i32
            %dma_wait3A_135 = tpu.memref_slice %arg8[%run_scoped3A_115, %dma_wait3A_133, %dma_wait3A_134] : memref<2x128x128xf32, #tpu.memory_space<vmem>> -> memref<1x128x128xf32, #tpu.memory_space<vmem>>
            %dma_wait3A_136 = tpu.memref_squeeze %dma_wait3A_135 : memref<1x128x128xf32, #tpu.memory_space<vmem>> -> memref<128x128xf32, #tpu.memory_space<vmem>>
            %dma_wait3A_137 = arith.constant 0 : i32
            %dma_wait3A_138 = tpu.memref_slice %arg7[%add3A_97, %dma_wait3A_137] : memref<40x128xi32, #tpu.memory_space<vmem>> -> memref<1x128xi32, #tpu.memory_space<vmem>>
            %dma_wait3A_139 = tpu.memref_squeeze %dma_wait3A_138 : memref<1x128xi32, #tpu.memory_space<vmem>> -> memref<128xi32, #tpu.memory_space<vmem>>
            %dma_wait3A_140 = arith.constant 0 : i32
            %dma_wait3A_141 = arith.constant 0 : i32
            %dma_wait3A_142 = tpu.memref_slice %arg9[%dma_wait3A_140, %dma_wait3A_141] : memref<10112x128xf32, #tpu.memory_space<vmem_shared>> -> memref<10112x128xf32, #tpu.memory_space<vmem_shared>>
            tpu.wait_indirect_dma semaphore(%run_scoped3A_122 : memref<!tpu.dma_semaphore, #tpu.memory_space<semaphore_mem>>) src(%dma_wait3A_136 : memref<128x128xf32, #tpu.memory_space<vmem>>) dst(%dma_wait3A_142 : memref<10112x128xf32, #tpu.memory_space<vmem_shared>>)
            tpu.yield
          }) : () -> ()
          %add3A_116 = arith.constant 2 : i32
          %add3A_117 = arith.addi %add3A_97, %add3A_116 : i32
          %lt3A_118 = arith.cmpi slt, %add3A_117, %min3A_8 : i32
          %convert_element_type3A_119 = arith.extui %lt3A_118 : i1 to i32
          %cond3A_120 = arith.constant 0 : i32
          %cond3A_121 = arith.cmpi ne, %convert_element_type3A_119, %cond3A_120 : i32
          scf.if %cond3A_121 {
            %add3A_122 = arith.constant 2 : i32
            %add3A_123 = arith.addi %add3A_97, %add3A_122 : i32
            %dma_start3A_124 = arith.constant 1 : i32
            %dma_start3A_125 = arith.constant 1 : i32
            %dma_start3A_126 = arith.constant 0 : i32
            %dma_start3A_127 = arith.constant 0 : i32
            %dma_start3A_128 = tpu.memref_slice %arg8[%dma_start3A_124, %dma_start3A_126, %dma_start3A_127] : memref<2x128x128xf32, #tpu.memory_space<vmem>> -> memref<1x128x128xf32, #tpu.memory_space<vmem>>
            %dma_start3A_129 = tpu.memref_squeeze %dma_start3A_128 : memref<1x128x128xf32, #tpu.memory_space<vmem>> -> memref<128x128xf32, #tpu.memory_space<vmem>>
            %dma_start3A_130 = arith.constant 0 : i32
            %dma_start3A_131 = tpu.memref_slice %arg6[%add3A_123, %dma_start3A_130] : memref<40x128xi32, #tpu.memory_space<vmem>> -> memref<1x128xi32, #tpu.memory_space<vmem>>
            %dma_start3A_132 = tpu.memref_squeeze %dma_start3A_131 : memref<1x128xi32, #tpu.memory_space<vmem>> -> memref<128xi32, #tpu.memory_space<vmem>>
            %dma_start3A_133 = arith.constant 0 : i32
            %dma_start3A_134 = arith.constant 0 : i32
            %dma_start3A_135 = tpu.memref_slice %arg2[%dma_start3A_133, %dma_start3A_134] : memref<10000x128xf32, #tpu.memory_space<hbm>> -> memref<10000x128xf32, #tpu.memory_space<hbm>>
            %dma_start3A_136 = tpu.memref_slice %arg10[%dma_start3A_125] : memref<2x!tpu.dma_semaphore, #tpu.memory_space<semaphore_mem>> -> memref<1x!tpu.dma_semaphore, #tpu.memory_space<semaphore_mem>>
            %dma_start3A_137 = tpu.memref_squeeze %dma_start3A_136 : memref<1x!tpu.dma_semaphore, #tpu.memory_space<semaphore_mem>> -> memref<!tpu.dma_semaphore, #tpu.memory_space<semaphore_mem>>
            tpu.enqueue_indirect_dma source(%dma_start3A_135 : memref<10000x128xf32, #tpu.memory_space<hbm>>) target(%dma_start3A_129 : memref<128x128xf32, #tpu.memory_space<vmem>>) offsets(%dma_start3A_132 : memref<128xi32, #tpu.memory_space<vmem>>) semaphore(%dma_start3A_137 : memref<!tpu.dma_semaphore, #tpu.memory_space<semaphore_mem>>)
          } else {
          }
        } else {
        }
      }
      %while3A_87 = arith.constant 1 : i32
      scf.for %while3A_88 = %while3A_85 to %while3A_81 step %while3A_87  : i32 {
        %mul3A_89 = arith.constant 2 : i32
        %mul3A_90 = arith.muli %while3A_88, %mul3A_89 : i32
        %add3A_91 = arith.constant 0 : i32
        %add3A_92 = arith.addi %mul3A_90, %add3A_91 : i32
        %lt3A = arith.cmpi slt, %add3A_92, %min3A_8 : i32
        %convert_element_type3A_93 = arith.extui %lt3A : i1 to i32
        %cond3A_94 = arith.constant 0 : i32
        %cond3A_95 = arith.cmpi ne, %convert_element_type3A_93, %cond3A_94 : i32
        scf.if %cond3A_95 {
          %dma_wait3A = arith.constant 0 : i32
          %dma_wait3A_102 = arith.constant 0 : i32
          %dma_wait3A_103 = arith.constant 0 : i32
          %dma_wait3A_104 = arith.constant 0 : i32
          %dma_wait3A_105 = tpu.memref_slice %arg8[%dma_wait3A, %dma_wait3A_103, %dma_wait3A_104] : memref<2x128x128xf32, #tpu.memory_space<vmem>> -> memref<1x128x128xf32, #tpu.memory_space<vmem>>
          %dma_wait3A_106 = tpu.memref_squeeze %dma_wait3A_105 : memref<1x128x128xf32, #tpu.memory_space<vmem>> -> memref<128x128xf32, #tpu.memory_space<vmem>>
          %dma_wait3A_107 = arith.constant 0 : i32
          %dma_wait3A_108 = tpu.memref_slice %arg6[%add3A_92, %dma_wait3A_107] : memref<40x128xi32, #tpu.memory_space<vmem>> -> memref<1x128xi32, #tpu.memory_space<vmem>>
          %dma_wait3A_109 = tpu.memref_squeeze %dma_wait3A_108 : memref<1x128xi32, #tpu.memory_space<vmem>> -> memref<128xi32, #tpu.memory_space<vmem>>
          %dma_wait3A_110 = arith.constant 0 : i32
          %dma_wait3A_111 = arith.constant 0 : i32
          %dma_wait3A_112 = tpu.memref_slice %arg2[%dma_wait3A_110, %dma_wait3A_111] : memref<10000x128xf32, #tpu.memory_space<hbm>> -> memref<10000x128xf32, #tpu.memory_space<hbm>>
          %dma_wait3A_113 = tpu.memref_slice %arg10[%dma_wait3A_102] : memref<2x!tpu.dma_semaphore, #tpu.memory_space<semaphore_mem>> -> memref<1x!tpu.dma_semaphore, #tpu.memory_space<semaphore_mem>>
          %dma_wait3A_114 = tpu.memref_squeeze %dma_wait3A_113 : memref<1x!tpu.dma_semaphore, #tpu.memory_space<semaphore_mem>> -> memref<!tpu.dma_semaphore, #tpu.memory_space<semaphore_mem>>
          tpu.wait_indirect_dma semaphore(%dma_wait3A_114 : memref<!tpu.dma_semaphore, #tpu.memory_space<semaphore_mem>>) src(%dma_wait3A_112 : memref<10000x128xf32, #tpu.memory_space<hbm>>) dst(%dma_wait3A_106 : memref<128x128xf32, #tpu.memory_space<vmem>>)
          %run_scoped3A_115 = arith.constant 0 : i32
          "tpu.region"() ({
            %run_scoped3A_122 = tpu.sem_alloc : memref<!tpu.dma_semaphore, #tpu.memory_space<semaphore_mem>>
            %dma_start3A_123 = arith.constant 0 : i32
            %dma_start3A_124 = arith.constant 0 : i32
            %dma_start3A_125 = tpu.memref_slice %arg8[%run_scoped3A_115, %dma_start3A_123, %dma_start3A_124] : memref<2x128x128xf32, #tpu.memory_space<vmem>> -> memref<1x128x128xf32, #tpu.memory_space<vmem>>
            %dma_start3A_126 = tpu.memref_squeeze %dma_start3A_125 : memref<1x128x128xf32, #tpu.memory_space<vmem>> -> memref<128x128xf32, #tpu.memory_space<vmem>>
            %dma_start3A_127 = arith.constant 0 : i32
            %dma_start3A_128 = tpu.memref_slice %arg7[%add3A_92, %dma_start3A_127] : memref<40x128xi32, #tpu.memory_space<vmem>> -> memref<1x128xi32, #tpu.memory_space<vmem>>
            %dma_start3A_129 = tpu.memref_squeeze %dma_start3A_128 : memref<1x128xi32, #tpu.memory_space<vmem>> -> memref<128xi32, #tpu.memory_space<vmem>>
            %dma_start3A_130 = arith.constant 0 : i32
            %dma_start3A_131 = arith.constant 0 : i32
            %dma_start3A_132 = tpu.memref_slice %arg9[%dma_start3A_130, %dma_start3A_131] : memref<10112x128xf32, #tpu.memory_space<vmem_shared>> -> memref<10112x128xf32, #tpu.memory_space<vmem_shared>>
            tpu.enqueue_indirect_dma source(%dma_start3A_126 : memref<128x128xf32, #tpu.memory_space<vmem>>) target(%dma_start3A_132 : memref<10112x128xf32, #tpu.memory_space<vmem_shared>>) offsets(%dma_start3A_129 : memref<128xi32, #tpu.memory_space<vmem>>) semaphore(%run_scoped3A_122 : memref<!tpu.dma_semaphore, #tpu.memory_space<semaphore_mem>>) {add = true}
            %dma_wait3A_133 = arith.constant 0 : i32
            %dma_wait3A_134 = arith.constant 0 : i32
            %dma_wait3A_135 = tpu.memref_slice %arg8[%run_scoped3A_115, %dma_wait3A_133, %dma_wait3A_134] : memref<2x128x128xf32, #tpu.memory_space<vmem>> -> memref<1x128x128xf32, #tpu.memory_space<vmem>>
            %dma_wait3A_136 = tpu.memref_squeeze %dma_wait3A_135 : memref<1x128x128xf32, #tpu.memory_space<vmem>> -> memref<128x128xf32, #tpu.memory_space<vmem>>
            %dma_wait3A_137 = arith.constant 0 : i32
            %dma_wait3A_138 = tpu.memref_slice %arg7[%add3A_92, %dma_wait3A_137] : memref<40x128xi32, #tpu.memory_space<vmem>> -> memref<1x128xi32, #tpu.memory_space<vmem>>
            %dma_wait3A_139 = tpu.memref_squeeze %dma_wait3A_138 : memref<1x128xi32, #tpu.memory_space<vmem>> -> memref<128xi32, #tpu.memory_space<vmem>>
            %dma_wait3A_140 = arith.constant 0 : i32
            %dma_wait3A_141 = arith.constant 0 : i32
            %dma_wait3A_142 = tpu.memref_slice %arg9[%dma_wait3A_140, %dma_wait3A_141] : memref<10112x128xf32, #tpu.memory_space<vmem_shared>> -> memref<10112x128xf32, #tpu.memory_space<vmem_shared>>
            tpu.wait_indirect_dma semaphore(%run_scoped3A_122 : memref<!tpu.dma_semaphore, #tpu.memory_space<semaphore_mem>>) src(%dma_wait3A_136 : memref<128x128xf32, #tpu.memory_space<vmem>>) dst(%dma_wait3A_142 : memref<10112x128xf32, #tpu.memory_space<vmem_shared>>)
            tpu.yield
          }) : () -> ()
          %add3A_116 = arith.constant 2 : i32
          %add3A_117 = arith.addi %add3A_92, %add3A_116 : i32
          %lt3A_118 = arith.cmpi slt, %add3A_117, %min3A_8 : i32
          %convert_element_type3A_119 = arith.extui %lt3A_118 : i1 to i32
          %cond3A_120 = arith.constant 0 : i32
          %cond3A_121 = arith.cmpi ne, %convert_element_type3A_119, %cond3A_120 : i32
          scf.if %cond3A_121 {
            %add3A_122 = arith.constant 2 : i32
            %add3A_123 = arith.addi %add3A_92, %add3A_122 : i32
            %dma_start3A_124 = arith.constant 0 : i32
            %dma_start3A_125 = arith.constant 0 : i32
            %dma_start3A_126 = arith.constant 0 : i32
            %dma_start3A_127 = arith.constant 0 : i32
            %dma_start3A_128 = tpu.memref_slice %arg8[%dma_start3A_124, %dma_start3A_126, %dma_start3A_127] : memref<2x128x128xf32, #tpu.memory_space<vmem>> -> memref<1x128x128xf32, #tpu.memory_space<vmem>>
            %dma_start3A_129 = tpu.memref_squeeze %dma_start3A_128 : memref<1x128x128xf32, #tpu.memory_space<vmem>> -> memref<128x128xf32, #tpu.memory_space<vmem>>
            %dma_start3A_130 = arith.constant 0 : i32
            %dma_start3A_131 = tpu.memref_slice %arg6[%add3A_123, %dma_start3A_130] : memref<40x128xi32, #tpu.memory_space<vmem>> -> memref<1x128xi32, #tpu.memory_space<vmem>>
            %dma_start3A_132 = tpu.memref_squeeze %dma_start3A_131 : memref<1x128xi32, #tpu.memory_space<vmem>> -> memref<128xi32, #tpu.memory_space<vmem>>
            %dma_start3A_133 = arith.constant 0 : i32
            %dma_start3A_134 = arith.constant 0 : i32
            %dma_start3A_135 = tpu.memref_slice %arg2[%dma_start3A_133, %dma_start3A_134] : memref<10000x128xf32, #tpu.memory_space<hbm>> -> memref<10000x128xf32, #tpu.memory_space<hbm>>
            %dma_start3A_136 = tpu.memref_slice %arg10[%dma_start3A_125] : memref<2x!tpu.dma_semaphore, #tpu.memory_space<semaphore_mem>> -> memref<1x!tpu.dma_semaphore, #tpu.memory_space<semaphore_mem>>
            %dma_start3A_137 = tpu.memref_squeeze %dma_start3A_136 : memref<1x!tpu.dma_semaphore, #tpu.memory_space<semaphore_mem>> -> memref<!tpu.dma_semaphore, #tpu.memory_space<semaphore_mem>>
            tpu.enqueue_indirect_dma source(%dma_start3A_135 : memref<10000x128xf32, #tpu.memory_space<hbm>>) target(%dma_start3A_129 : memref<128x128xf32, #tpu.memory_space<vmem>>) offsets(%dma_start3A_132 : memref<128xi32, #tpu.memory_space<vmem>>) semaphore(%dma_start3A_137 : memref<!tpu.dma_semaphore, #tpu.memory_space<semaphore_mem>>)
          } else {
          }
        } else {
        }
        %add3A_96 = arith.constant 1 : i32
        %add3A_97 = arith.addi %mul3A_90, %add3A_96 : i32
        %lt3A_98 = arith.cmpi slt, %add3A_97, %min3A_8 : i32
        %convert_element_type3A_99 = arith.extui %lt3A_98 : i1 to i32
        %cond3A_100 = arith.constant 0 : i32
        %cond3A_101 = arith.cmpi ne, %convert_element_type3A_99, %cond3A_100 : i32
        scf.if %cond3A_101 {
          %dma_wait3A = arith.constant 1 : i32
          %dma_wait3A_102 = arith.constant 1 : i32
          %dma_wait3A_103 = arith.constant 0 : i32
          %dma_wait3A_104 = arith.constant 0 : i32
          %dma_wait3A_105 = tpu.memref_slice %arg8[%dma_wait3A, %dma_wait3A_103, %dma_wait3A_104] : memref<2x128x128xf32, #tpu.memory_space<vmem>> -> memref<1x128x128xf32, #tpu.memory_space<vmem>>
          %dma_wait3A_106 = tpu.memref_squeeze %dma_wait3A_105 : memref<1x128x128xf32, #tpu.memory_space<vmem>> -> memref<128x128xf32, #tpu.memory_space<vmem>>
          %dma_wait3A_107 = arith.constant 0 : i32
          %dma_wait3A_108 = tpu.memref_slice %arg6[%add3A_97, %dma_wait3A_107] : memref<40x128xi32, #tpu.memory_space<vmem>> -> memref<1x128xi32, #tpu.memory_space<vmem>>
          %dma_wait3A_109 = tpu.memref_squeeze %dma_wait3A_108 : memref<1x128xi32, #tpu.memory_space<vmem>> -> memref<128xi32, #tpu.memory_space<vmem>>
          %dma_wait3A_110 = arith.constant 0 : i32
          %dma_wait3A_111 = arith.constant 0 : i32
          %dma_wait3A_112 = tpu.memref_slice %arg2[%dma_wait3A_110, %dma_wait3A_111] : memref<10000x128xf32, #tpu.memory_space<hbm>> -> memref<10000x128xf32, #tpu.memory_space<hbm>>
          %dma_wait3A_113 = tpu.memref_slice %arg10[%dma_wait3A_102] : memref<2x!tpu.dma_semaphore, #tpu.memory_space<semaphore_mem>> -> memref<1x!tpu.dma_semaphore, #tpu.memory_space<semaphore_mem>>
          %dma_wait3A_114 = tpu.memref_squeeze %dma_wait3A_113 : memref<1x!tpu.dma_semaphore, #tpu.memory_space<semaphore_mem>> -> memref<!tpu.dma_semaphore, #tpu.memory_space<semaphore_mem>>
          tpu.wait_indirect_dma semaphore(%dma_wait3A_114 : memref<!tpu.dma_semaphore, #tpu.memory_space<semaphore_mem>>) src(%dma_wait3A_112 : memref<10000x128xf32, #tpu.memory_space<hbm>>) dst(%dma_wait3A_106 : memref<128x128xf32, #tpu.memory_space<vmem>>)
          %run_scoped3A_115 = arith.constant 1 : i32
          "tpu.region"() ({
            %run_scoped3A_122 = tpu.sem_alloc : memref<!tpu.dma_semaphore, #tpu.memory_space<semaphore_mem>>
            %dma_start3A_123 = arith.constant 0 : i32
            %dma_start3A_124 = arith.constant 0 : i32
            %dma_start3A_125 = tpu.memref_slice %arg8[%run_scoped3A_115, %dma_start3A_123, %dma_start3A_124] : memref<2x128x128xf32, #tpu.memory_space<vmem>> -> memref<1x128x128xf32, #tpu.memory_space<vmem>>
            %dma_start3A_126 = tpu.memref_squeeze %dma_start3A_125 : memref<1x128x128xf32, #tpu.memory_space<vmem>> -> memref<128x128xf32, #tpu.memory_space<vmem>>
            %dma_start3A_127 = arith.constant 0 : i32
            %dma_start3A_128 = tpu.memref_slice %arg7[%add3A_97, %dma_start3A_127] : memref<40x128xi32, #tpu.memory_space<vmem>> -> memref<1x128xi32, #tpu.memory_space<vmem>>
            %dma_start3A_129 = tpu.memref_squeeze %dma_start3A_128 : memref<1x128xi32, #tpu.memory_space<vmem>> -> memref<128xi32, #tpu.memory_space<vmem>>
            %dma_start3A_130 = arith.constant 0 : i32
            %dma_start3A_131 = arith.constant 0 : i32
            %dma_start3A_132 = tpu.memref_slice %arg9[%dma_start3A_130, %dma_start3A_131] : memref<10112x128xf32, #tpu.memory_space<vmem_shared>> -> memref<10112x128xf32, #tpu.memory_space<vmem_shared>>
            tpu.enqueue_indirect_dma source(%dma_start3A_126 : memref<128x128xf32, #tpu.memory_space<vmem>>) target(%dma_start3A_132 : memref<10112x128xf32, #tpu.memory_space<vmem_shared>>) offsets(%dma_start3A_129 : memref<128xi32, #tpu.memory_space<vmem>>) semaphore(%run_scoped3A_122 : memref<!tpu.dma_semaphore, #tpu.memory_space<semaphore_mem>>) {add = true}
            %dma_wait3A_133 = arith.constant 0 : i32
            %dma_wait3A_134 = arith.constant 0 : i32
            %dma_wait3A_135 = tpu.memref_slice %arg8[%run_scoped3A_115, %dma_wait3A_133, %dma_wait3A_134] : memref<2x128x128xf32, #tpu.memory_space<vmem>> -> memref<1x128x128xf32, #tpu.memory_space<vmem>>
            %dma_wait3A_136 = tpu.memref_squeeze %dma_wait3A_135 : memref<1x128x128xf32, #tpu.memory_space<vmem>> -> memref<128x128xf32, #tpu.memory_space<vmem>>
            %dma_wait3A_137 = arith.constant 0 : i32
            %dma_wait3A_138 = tpu.memref_slice %arg7[%add3A_97, %dma_wait3A_137] : memref<40x128xi32, #tpu.memory_space<vmem>> -> memref<1x128xi32, #tpu.memory_space<vmem>>
            %dma_wait3A_139 = tpu.memref_squeeze %dma_wait3A_138 : memref<1x128xi32, #tpu.memory_space<vmem>> -> memref<128xi32, #tpu.memory_space<vmem>>
            %dma_wait3A_140 = arith.constant 0 : i32
            %dma_wait3A_141 = arith.constant 0 : i32
            %dma_wait3A_142 = tpu.memref_slice %arg9[%dma_wait3A_140, %dma_wait3A_141] : memref<10112x128xf32, #tpu.memory_space<vmem_shared>> -> memref<10112x128xf32, #tpu.memory_space<vmem_shared>>
            tpu.wait_indirect_dma semaphore(%run_scoped3A_122 : memref<!tpu.dma_semaphore, #tpu.memory_space<semaphore_mem>>) src(%dma_wait3A_136 : memref<128x128xf32, #tpu.memory_space<vmem>>) dst(%dma_wait3A_142 : memref<10112x128xf32, #tpu.memory_space<vmem_shared>>)
            tpu.yield
          }) : () -> ()
          %add3A_116 = arith.constant 2 : i32
          %add3A_117 = arith.addi %add3A_97, %add3A_116 : i32
          %lt3A_118 = arith.cmpi slt, %add3A_117, %min3A_8 : i32
          %convert_element_type3A_119 = arith.extui %lt3A_118 : i1 to i32
          %cond3A_120 = arith.constant 0 : i32
          %cond3A_121 = arith.cmpi ne, %convert_element_type3A_119, %cond3A_120 : i32
          scf.if %cond3A_121 {
            %add3A_122 = arith.constant 2 : i32
            %add3A_123 = arith.addi %add3A_97, %add3A_122 : i32
            %dma_start3A_124 = arith.constant 1 : i32
            %dma_start3A_125 = arith.constant 1 : i32
            %dma_start3A_126 = arith.constant 0 : i32
            %dma_start3A_127 = arith.constant 0 : i32
            %dma_start3A_128 = tpu.memref_slice %arg8[%dma_start3A_124, %dma_start3A_126, %dma_start3A_127] : memref<2x128x128xf32, #tpu.memory_space<vmem>> -> memref<1x128x128xf32, #tpu.memory_space<vmem>>
            %dma_start3A_129 = tpu.memref_squeeze %dma_start3A_128 : memref<1x128x128xf32, #tpu.memory_space<vmem>> -> memref<128x128xf32, #tpu.memory_space<vmem>>
            %dma_start3A_130 = arith.constant 0 : i32
            %dma_start3A_131 = tpu.memref_slice %arg6[%add3A_123, %dma_start3A_130] : memref<40x128xi32, #tpu.memory_space<vmem>> -> memref<1x128xi32, #tpu.memory_space<vmem>>
            %dma_start3A_132 = tpu.memref_squeeze %dma_start3A_131 : memref<1x128xi32, #tpu.memory_space<vmem>> -> memref<128xi32, #tpu.memory_space<vmem>>
            %dma_start3A_133 = arith.constant 0 : i32
            %dma_start3A_134 = arith.constant 0 : i32
            %dma_start3A_135 = tpu.memref_slice %arg2[%dma_start3A_133, %dma_start3A_134] : memref<10000x128xf32, #tpu.memory_space<hbm>> -> memref<10000x128xf32, #tpu.memory_space<hbm>>
            %dma_start3A_136 = tpu.memref_slice %arg10[%dma_start3A_125] : memref<2x!tpu.dma_semaphore, #tpu.memory_space<semaphore_mem>> -> memref<1x!tpu.dma_semaphore, #tpu.memory_space<semaphore_mem>>
            %dma_start3A_137 = tpu.memref_squeeze %dma_start3A_136 : memref<1x!tpu.dma_semaphore, #tpu.memory_space<semaphore_mem>> -> memref<!tpu.dma_semaphore, #tpu.memory_space<semaphore_mem>>
            tpu.enqueue_indirect_dma source(%dma_start3A_135 : memref<10000x128xf32, #tpu.memory_space<hbm>>) target(%dma_start3A_129 : memref<128x128xf32, #tpu.memory_space<vmem>>) offsets(%dma_start3A_132 : memref<128xi32, #tpu.memory_space<vmem>>) semaphore(%dma_start3A_137 : memref<!tpu.dma_semaphore, #tpu.memory_space<semaphore_mem>>)
          } else {
          }
        } else {
        }
      }
    } else {
    }
    %min3A_11 = arith.constant 40 : i32
    %min3A_12 = arith.minsi %min3A_11, %min3A_4 : i32
    %sub3A_13 = arith.subi %min3A_4, %min3A_12 : i32
    %gt3A_14 = arith.constant 0 : i32
    %gt3A_15 = arith.cmpi sgt, %sub3A_13, %gt3A_14 : i32
    %convert_element_type3A_16 = arith.extui %gt3A_15 : i1 to i32
    %cond3A_17 = arith.constant 0 : i32
    %cond3A_18 = arith.cmpi ne, %convert_element_type3A_16, %cond3A_17 : i32
    scf.if %cond3A_18 {
      %mul3A_24 = arith.constant 80 : i32
      %mul3A_25 = arith.muli %add3A, %mul3A_24 : i32
      %add3A_26 = arith.constant 40 : i32
      %add3A_27 = arith.addi %mul3A_25, %add3A_26 : i32
      %run_scoped3A = arith.constant 0 : i32
      "tpu.region"() ({
        %run_scoped3A_88 = tpu.sem_alloc : memref<!tpu.dma_semaphore, #tpu.memory_space<semaphore_mem>>
        %dma_start3A_89 = arith.constant 0 : i32
        %dma_start3A_90 = tpu.memref_slice %arg3[%run_scoped3A, %add3A_27, %dma_start3A_89] : memref<2x2520x128xi32, #tpu.memory_space<hbm>> -> memref<1x40x128xi32, #tpu.memory_space<hbm>>
        %dma_start3A_91 = tpu.memref_squeeze %dma_start3A_90 : memref<1x40x128xi32, #tpu.memory_space<hbm>> -> memref<40x128xi32, #tpu.memory_space<hbm>>
        %dma_start3A_92 = arith.constant 0 : i32
        %dma_start3A_93 = tpu.memref_slice %arg3[%run_scoped3A, %add3A_27, %dma_start3A_92] : memref<2x2520x128xi32, #tpu.memory_space<hbm>> -> memref<1x40x128xi32, #tpu.memory_space<hbm>>
        %dma_start3A_94 = tpu.memref_squeeze %dma_start3A_93 : memref<1x40x128xi32, #tpu.memory_space<hbm>> -> memref<40x128xi32, #tpu.memory_space<hbm>>
        tpu.enqueue_dma source(%dma_start3A_94 : memref<40x128xi32, #tpu.memory_space<hbm>>) target(%arg6 : memref<40x128xi32, #tpu.memory_space<vmem>>) target_semaphore(%run_scoped3A_88 : memref<!tpu.dma_semaphore, #tpu.memory_space<semaphore_mem>>)
        %dma_wait3A = arith.constant 0 : i32
        %dma_wait3A_95 = tpu.memref_slice %arg3[%run_scoped3A, %add3A_27, %dma_wait3A] : memref<2x2520x128xi32, #tpu.memory_space<hbm>> -> memref<1x40x128xi32, #tpu.memory_space<hbm>>
        %dma_wait3A_96 = tpu.memref_squeeze %dma_wait3A_95 : memref<1x40x128xi32, #tpu.memory_space<hbm>> -> memref<40x128xi32, #tpu.memory_space<hbm>>
        %dma_wait3A_97 = arith.constant 0 : i32
        %dma_wait3A_98 = tpu.memref_slice %arg3[%run_scoped3A, %add3A_27, %dma_wait3A_97] : memref<2x2520x128xi32, #tpu.memory_space<hbm>> -> memref<1x40x128xi32, #tpu.memory_space<hbm>>
        %dma_wait3A_99 = tpu.memref_squeeze %dma_wait3A_98 : memref<1x40x128xi32, #tpu.memory_space<hbm>> -> memref<40x128xi32, #tpu.memory_space<hbm>>
        tpu.wait_dma2 semaphore(%run_scoped3A_88 : memref<!tpu.dma_semaphore, #tpu.memory_space<semaphore_mem>>) src(%dma_wait3A_99 : memref<40x128xi32, #tpu.memory_space<hbm>>) dst(%arg6 : memref<40x128xi32, #tpu.memory_space<vmem>>)
        tpu.yield
      }) : () -> ()
      %run_scoped3A_28 = arith.constant 1 : i32
      "tpu.region"() ({
        %run_scoped3A_88 = tpu.sem_alloc : memref<!tpu.dma_semaphore, #tpu.memory_space<semaphore_mem>>
        %dma_start3A_89 = arith.constant 0 : i32
        %dma_start3A_90 = tpu.memref_slice %arg3[%run_scoped3A_28, %add3A_27, %dma_start3A_89] : memref<2x2520x128xi32, #tpu.memory_space<hbm>> -> memref<1x40x128xi32, #tpu.memory_space<hbm>>
        %dma_start3A_91 = tpu.memref_squeeze %dma_start3A_90 : memref<1x40x128xi32, #tpu.memory_space<hbm>> -> memref<40x128xi32, #tpu.memory_space<hbm>>
        %dma_start3A_92 = arith.constant 0 : i32
        %dma_start3A_93 = tpu.memref_slice %arg3[%run_scoped3A_28, %add3A_27, %dma_start3A_92] : memref<2x2520x128xi32, #tpu.memory_space<hbm>> -> memref<1x40x128xi32, #tpu.memory_space<hbm>>
        %dma_start3A_94 = tpu.memref_squeeze %dma_start3A_93 : memref<1x40x128xi32, #tpu.memory_space<hbm>> -> memref<40x128xi32, #tpu.memory_space<hbm>>
        tpu.enqueue_dma source(%dma_start3A_94 : memref<40x128xi32, #tpu.memory_space<hbm>>) target(%arg7 : memref<40x128xi32, #tpu.memory_space<vmem>>) target_semaphore(%run_scoped3A_88 : memref<!tpu.dma_semaphore, #tpu.memory_space<semaphore_mem>>)
        %dma_wait3A = arith.constant 0 : i32
        %dma_wait3A_95 = tpu.memref_slice %arg3[%run_scoped3A_28, %add3A_27, %dma_wait3A] : memref<2x2520x128xi32, #tpu.memory_space<hbm>> -> memref<1x40x128xi32, #tpu.memory_space<hbm>>
        %dma_wait3A_96 = tpu.memref_squeeze %dma_wait3A_95 : memref<1x40x128xi32, #tpu.memory_space<hbm>> -> memref<40x128xi32, #tpu.memory_space<hbm>>
        %dma_wait3A_97 = arith.constant 0 : i32
        %dma_wait3A_98 = tpu.memref_slice %arg3[%run_scoped3A_28, %add3A_27, %dma_wait3A_97] : memref<2x2520x128xi32, #tpu.memory_space<hbm>> -> memref<1x40x128xi32, #tpu.memory_space<hbm>>
        %dma_wait3A_99 = tpu.memref_squeeze %dma_wait3A_98 : memref<1x40x128xi32, #tpu.memory_space<hbm>> -> memref<40x128xi32, #tpu.memory_space<hbm>>
        tpu.wait_dma2 semaphore(%run_scoped3A_88 : memref<!tpu.dma_semaphore, #tpu.memory_space<semaphore_mem>>) src(%dma_wait3A_99 : memref<40x128xi32, #tpu.memory_space<hbm>>) dst(%arg7 : memref<40x128xi32, #tpu.memory_space<vmem>>)
        tpu.yield
      }) : () -> ()
      %dma_start3A = arith.constant 0 : i32
      %dma_start3A_29 = arith.constant 0 : i32
      %dma_start3A_30 = arith.constant 0 : i32
      %dma_start3A_31 = arith.constant 0 : i32
      %dma_start3A_32 = arith.constant 0 : i32
      %dma_start3A_33 = tpu.memref_slice %arg8[%dma_start3A_29, %dma_start3A_31, %dma_start3A_32] : memref<2x128x128xf32, #tpu.memory_space<vmem>> -> memref<1x128x128xf32, #tpu.memory_space<vmem>>
      %dma_start3A_34 = tpu.memref_squeeze %dma_start3A_33 : memref<1x128x128xf32, #tpu.memory_space<vmem>> -> memref<128x128xf32, #tpu.memory_space<vmem>>
      %dma_start3A_35 = arith.constant 0 : i32
      %dma_start3A_36 = tpu.memref_slice %arg6[%dma_start3A, %dma_start3A_35] : memref<40x128xi32, #tpu.memory_space<vmem>> -> memref<1x128xi32, #tpu.memory_space<vmem>>
      %dma_start3A_37 = tpu.memref_squeeze %dma_start3A_36 : memref<1x128xi32, #tpu.memory_space<vmem>> -> memref<128xi32, #tpu.memory_space<vmem>>
      %dma_start3A_38 = arith.constant 0 : i32
      %dma_start3A_39 = arith.constant 0 : i32
      %dma_start3A_40 = tpu.memref_slice %arg2[%dma_start3A_38, %dma_start3A_39] : memref<10000x128xf32, #tpu.memory_space<hbm>> -> memref<10000x128xf32, #tpu.memory_space<hbm>>
      %dma_start3A_41 = tpu.memref_slice %arg10[%dma_start3A_30] : memref<2x!tpu.dma_semaphore, #tpu.memory_space<semaphore_mem>> -> memref<1x!tpu.dma_semaphore, #tpu.memory_space<semaphore_mem>>
      %dma_start3A_42 = tpu.memref_squeeze %dma_start3A_41 : memref<1x!tpu.dma_semaphore, #tpu.memory_space<semaphore_mem>> -> memref<!tpu.dma_semaphore, #tpu.memory_space<semaphore_mem>>
      tpu.enqueue_indirect_dma source(%dma_start3A_40 : memref<10000x128xf32, #tpu.memory_space<hbm>>) target(%dma_start3A_34 : memref<128x128xf32, #tpu.memory_space<vmem>>) offsets(%dma_start3A_37 : memref<128xi32, #tpu.memory_space<vmem>>) semaphore(%dma_start3A_42 : memref<!tpu.dma_semaphore, #tpu.memory_space<semaphore_mem>>)
      %dma_start3A_43 = arith.constant 1 : i32
      %dma_start3A_44 = arith.constant 1 : i32
      %dma_start3A_45 = arith.constant 1 : i32
      %dma_start3A_46 = arith.constant 0 : i32
      %dma_start3A_47 = arith.constant 0 : i32
      %dma_start3A_48 = tpu.memref_slice %arg8[%dma_start3A_44, %dma_start3A_46, %dma_start3A_47] : memref<2x128x128xf32, #tpu.memory_space<vmem>> -> memref<1x128x128xf32, #tpu.memory_space<vmem>>
      %dma_start3A_49 = tpu.memref_squeeze %dma_start3A_48 : memref<1x128x128xf32, #tpu.memory_space<vmem>> -> memref<128x128xf32, #tpu.memory_space<vmem>>
      %dma_start3A_50 = arith.constant 0 : i32
      %dma_start3A_51 = tpu.memref_slice %arg6[%dma_start3A_43, %dma_start3A_50] : memref<40x128xi32, #tpu.memory_space<vmem>> -> memref<1x128xi32, #tpu.memory_space<vmem>>
      %dma_start3A_52 = tpu.memref_squeeze %dma_start3A_51 : memref<1x128xi32, #tpu.memory_space<vmem>> -> memref<128xi32, #tpu.memory_space<vmem>>
      %dma_start3A_53 = arith.constant 0 : i32
      %dma_start3A_54 = arith.constant 0 : i32
      %dma_start3A_55 = tpu.memref_slice %arg2[%dma_start3A_53, %dma_start3A_54] : memref<10000x128xf32, #tpu.memory_space<hbm>> -> memref<10000x128xf32, #tpu.memory_space<hbm>>
      %dma_start3A_56 = tpu.memref_slice %arg10[%dma_start3A_45] : memref<2x!tpu.dma_semaphore, #tpu.memory_space<semaphore_mem>> -> memref<1x!tpu.dma_semaphore, #tpu.memory_space<semaphore_mem>>
      %dma_start3A_57 = tpu.memref_squeeze %dma_start3A_56 : memref<1x!tpu.dma_semaphore, #tpu.memory_space<semaphore_mem>> -> memref<!tpu.dma_semaphore, #tpu.memory_space<semaphore_mem>>
      tpu.enqueue_indirect_dma source(%dma_start3A_55 : memref<10000x128xf32, #tpu.memory_space<hbm>>) target(%dma_start3A_49 : memref<128x128xf32, #tpu.memory_space<vmem>>) offsets(%dma_start3A_52 : memref<128xi32, #tpu.memory_space<vmem>>) semaphore(%dma_start3A_57 : memref<!tpu.dma_semaphore, #tpu.memory_space<semaphore_mem>>)
      %add3A_58 = arith.constant 2 : i32
      %add3A_59 = arith.addi %sub3A_13, %add3A_58 : i32
      %sub3A_60 = arith.constant 1 : i32
      %sub3A_61 = arith.subi %add3A_59, %sub3A_60 : i32
      %jit3A = arith.constant 2 : i32
      %div3A = arith.divsi %sub3A_61, %jit3A : i32
      %sign3A = arith.constant 0 : i32
      %sign3A_62 = arith.cmpi sgt, %sub3A_61, %sign3A : i32
      %sign3A_63 = arith.extui %sign3A_62 : i1 to i32
      %sign3A_64 = arith.constant 0 : i32
      %sign3A_65 = arith.cmpi slt, %sub3A_61, %sign3A_64 : i32
      %sign3A_66 = arith.extui %sign3A_65 : i1 to i32
      %sign3A_67 = arith.subi %sign3A_63, %sign3A_66 : i32
      %sign3A_68 = arith.constant 0 : i32
      %sign3A_69 = arith.cmpi sgt, %jit3A, %sign3A_68 : i32
      %sign3A_70 = arith.extui %sign3A_69 : i1 to i32
      %sign3A_71 = arith.constant 0 : i32
      %sign3A_72 = arith.cmpi slt, %jit3A, %sign3A_71 : i32
      %sign3A_73 = arith.extui %sign3A_72 : i1 to i32
      %sign3A_74 = arith.subi %sign3A_70, %sign3A_73 : i32
      %ne3A = arith.cmpi ne, %sign3A_67, %sign3A_74 : i32
      %rem3A = arith.remsi %sub3A_61, %jit3A : i32
      %ne3A_75 = arith.constant 0 : i32
      %ne3A_76 = arith.cmpi ne, %rem3A, %ne3A_75 : i32
      %and3A = arith.andi %ne3A, %ne3A_76 : i1
      %sub3A_77 = arith.constant 1 : i32
      %sub3A_78 = arith.subi %div3A, %sub3A_77 : i32
      %select_n3A = arith.select %and3A, %sub3A_78, %div3A : i32
      %while3A = arith.constant 0 : i32
      %while3A_79 = arith.constant 0 : i32
      %while3A_80 = arith.subi %select_n3A, %while3A_79 : i32
      %while3A_81 = arith.addi %while3A_79, %while3A_80 : i32
      %while3A_82 = arith.constant 1 : i32
      %while3A_83 = arith.divsi %while3A_80, %while3A_82 : i32
      %while3A_84 = arith.muli %while3A_83, %while3A_82 : i32
      %while3A_85 = arith.addi %while3A_79, %while3A_84 : i32
      %while3A_86 = arith.constant 1 : i32
      scf.for %while3A_88 = %while3A_79 to %while3A_85 step %while3A_86  : i32 {
        %mul3A_89 = arith.constant 2 : i32
        %mul3A_90 = arith.muli %while3A_88, %mul3A_89 : i32
        %add3A_91 = arith.constant 0 : i32
        %add3A_92 = arith.addi %mul3A_90, %add3A_91 : i32
        %lt3A = arith.cmpi slt, %add3A_92, %sub3A_13 : i32
        %convert_element_type3A_93 = arith.extui %lt3A : i1 to i32
        %cond3A_94 = arith.constant 0 : i32
        %cond3A_95 = arith.cmpi ne, %convert_element_type3A_93, %cond3A_94 : i32
        scf.if %cond3A_95 {
          %dma_wait3A = arith.constant 0 : i32
          %dma_wait3A_102 = arith.constant 0 : i32
          %dma_wait3A_103 = arith.constant 0 : i32
          %dma_wait3A_104 = arith.constant 0 : i32
          %dma_wait3A_105 = tpu.memref_slice %arg8[%dma_wait3A, %dma_wait3A_103, %dma_wait3A_104] : memref<2x128x128xf32, #tpu.memory_space<vmem>> -> memref<1x128x128xf32, #tpu.memory_space<vmem>>
          %dma_wait3A_106 = tpu.memref_squeeze %dma_wait3A_105 : memref<1x128x128xf32, #tpu.memory_space<vmem>> -> memref<128x128xf32, #tpu.memory_space<vmem>>
          %dma_wait3A_107 = arith.constant 0 : i32
          %dma_wait3A_108 = tpu.memref_slice %arg6[%add3A_92, %dma_wait3A_107] : memref<40x128xi32, #tpu.memory_space<vmem>> -> memref<1x128xi32, #tpu.memory_space<vmem>>
          %dma_wait3A_109 = tpu.memref_squeeze %dma_wait3A_108 : memref<1x128xi32, #tpu.memory_space<vmem>> -> memref<128xi32, #tpu.memory_space<vmem>>
          %dma_wait3A_110 = arith.constant 0 : i32
          %dma_wait3A_111 = arith.constant 0 : i32
          %dma_wait3A_112 = tpu.memref_slice %arg2[%dma_wait3A_110, %dma_wait3A_111] : memref<10000x128xf32, #tpu.memory_space<hbm>> -> memref<10000x128xf32, #tpu.memory_space<hbm>>
          %dma_wait3A_113 = tpu.memref_slice %arg10[%dma_wait3A_102] : memref<2x!tpu.dma_semaphore, #tpu.memory_space<semaphore_mem>> -> memref<1x!tpu.dma_semaphore, #tpu.memory_space<semaphore_mem>>
          %dma_wait3A_114 = tpu.memref_squeeze %dma_wait3A_113 : memref<1x!tpu.dma_semaphore, #tpu.memory_space<semaphore_mem>> -> memref<!tpu.dma_semaphore, #tpu.memory_space<semaphore_mem>>
          tpu.wait_indirect_dma semaphore(%dma_wait3A_114 : memref<!tpu.dma_semaphore, #tpu.memory_space<semaphore_mem>>) src(%dma_wait3A_112 : memref<10000x128xf32, #tpu.memory_space<hbm>>) dst(%dma_wait3A_106 : memref<128x128xf32, #tpu.memory_space<vmem>>)
          %run_scoped3A_115 = arith.constant 0 : i32
          "tpu.region"() ({
            %run_scoped3A_122 = tpu.sem_alloc : memref<!tpu.dma_semaphore, #tpu.memory_space<semaphore_mem>>
            %dma_start3A_123 = arith.constant 0 : i32
            %dma_start3A_124 = arith.constant 0 : i32
            %dma_start3A_125 = tpu.memref_slice %arg8[%run_scoped3A_115, %dma_start3A_123, %dma_start3A_124] : memref<2x128x128xf32, #tpu.memory_space<vmem>> -> memref<1x128x128xf32, #tpu.memory_space<vmem>>
            %dma_start3A_126 = tpu.memref_squeeze %dma_start3A_125 : memref<1x128x128xf32, #tpu.memory_space<vmem>> -> memref<128x128xf32, #tpu.memory_space<vmem>>
            %dma_start3A_127 = arith.constant 0 : i32
            %dma_start3A_128 = tpu.memref_slice %arg7[%add3A_92, %dma_start3A_127] : memref<40x128xi32, #tpu.memory_space<vmem>> -> memref<1x128xi32, #tpu.memory_space<vmem>>
            %dma_start3A_129 = tpu.memref_squeeze %dma_start3A_128 : memref<1x128xi32, #tpu.memory_space<vmem>> -> memref<128xi32, #tpu.memory_space<vmem>>
            %dma_start3A_130 = arith.constant 0 : i32
            %dma_start3A_131 = arith.constant 0 : i32
            %dma_start3A_132 = tpu.memref_slice %arg9[%dma_start3A_130, %dma_start3A_131] : memref<10112x128xf32, #tpu.memory_space<vmem_shared>> -> memref<10112x128xf32, #tpu.memory_space<vmem_shared>>
            tpu.enqueue_indirect_dma source(%dma_start3A_126 : memref<128x128xf32, #tpu.memory_space<vmem>>) target(%dma_start3A_132 : memref<10112x128xf32, #tpu.memory_space<vmem_shared>>) offsets(%dma_start3A_129 : memref<128xi32, #tpu.memory_space<vmem>>) semaphore(%run_scoped3A_122 : memref<!tpu.dma_semaphore, #tpu.memory_space<semaphore_mem>>) {add = true}
            %dma_wait3A_133 = arith.constant 0 : i32
            %dma_wait3A_134 = arith.constant 0 : i32
            %dma_wait3A_135 = tpu.memref_slice %arg8[%run_scoped3A_115, %dma_wait3A_133, %dma_wait3A_134] : memref<2x128x128xf32, #tpu.memory_space<vmem>> -> memref<1x128x128xf32, #tpu.memory_space<vmem>>
            %dma_wait3A_136 = tpu.memref_squeeze %dma_wait3A_135 : memref<1x128x128xf32, #tpu.memory_space<vmem>> -> memref<128x128xf32, #tpu.memory_space<vmem>>
            %dma_wait3A_137 = arith.constant 0 : i32
            %dma_wait3A_138 = tpu.memref_slice %arg7[%add3A_92, %dma_wait3A_137] : memref<40x128xi32, #tpu.memory_space<vmem>> -> memref<1x128xi32, #tpu.memory_space<vmem>>
            %dma_wait3A_139 = tpu.memref_squeeze %dma_wait3A_138 : memref<1x128xi32, #tpu.memory_space<vmem>> -> memref<128xi32, #tpu.memory_space<vmem>>
            %dma_wait3A_140 = arith.constant 0 : i32
            %dma_wait3A_141 = arith.constant 0 : i32
            %dma_wait3A_142 = tpu.memref_slice %arg9[%dma_wait3A_140, %dma_wait3A_141] : memref<10112x128xf32, #tpu.memory_space<vmem_shared>> -> memref<10112x128xf32, #tpu.memory_space<vmem_shared>>
            tpu.wait_indirect_dma semaphore(%run_scoped3A_122 : memref<!tpu.dma_semaphore, #tpu.memory_space<semaphore_mem>>) src(%dma_wait3A_136 : memref<128x128xf32, #tpu.memory_space<vmem>>) dst(%dma_wait3A_142 : memref<10112x128xf32, #tpu.memory_space<vmem_shared>>)
            tpu.yield
          }) : () -> ()
          %add3A_116 = arith.constant 2 : i32
          %add3A_117 = arith.addi %add3A_92, %add3A_116 : i32
          %lt3A_118 = arith.cmpi slt, %add3A_117, %sub3A_13 : i32
          %convert_element_type3A_119 = arith.extui %lt3A_118 : i1 to i32
          %cond3A_120 = arith.constant 0 : i32
          %cond3A_121 = arith.cmpi ne, %convert_element_type3A_119, %cond3A_120 : i32
          scf.if %cond3A_121 {
            %add3A_122 = arith.constant 2 : i32
            %add3A_123 = arith.addi %add3A_92, %add3A_122 : i32
            %dma_start3A_124 = arith.constant 0 : i32
            %dma_start3A_125 = arith.constant 0 : i32
            %dma_start3A_126 = arith.constant 0 : i32
            %dma_start3A_127 = arith.constant 0 : i32
            %dma_start3A_128 = tpu.memref_slice %arg8[%dma_start3A_124, %dma_start3A_126, %dma_start3A_127] : memref<2x128x128xf32, #tpu.memory_space<vmem>> -> memref<1x128x128xf32, #tpu.memory_space<vmem>>
            %dma_start3A_129 = tpu.memref_squeeze %dma_start3A_128 : memref<1x128x128xf32, #tpu.memory_space<vmem>> -> memref<128x128xf32, #tpu.memory_space<vmem>>
            %dma_start3A_130 = arith.constant 0 : i32
            %dma_start3A_131 = tpu.memref_slice %arg6[%add3A_123, %dma_start3A_130] : memref<40x128xi32, #tpu.memory_space<vmem>> -> memref<1x128xi32, #tpu.memory_space<vmem>>
            %dma_start3A_132 = tpu.memref_squeeze %dma_start3A_131 : memref<1x128xi32, #tpu.memory_space<vmem>> -> memref<128xi32, #tpu.memory_space<vmem>>
            %dma_start3A_133 = arith.constant 0 : i32
            %dma_start3A_134 = arith.constant 0 : i32
            %dma_start3A_135 = tpu.memref_slice %arg2[%dma_start3A_133, %dma_start3A_134] : memref<10000x128xf32, #tpu.memory_space<hbm>> -> memref<10000x128xf32, #tpu.memory_space<hbm>>
            %dma_start3A_136 = tpu.memref_slice %arg10[%dma_start3A_125] : memref<2x!tpu.dma_semaphore, #tpu.memory_space<semaphore_mem>> -> memref<1x!tpu.dma_semaphore, #tpu.memory_space<semaphore_mem>>
            %dma_start3A_137 = tpu.memref_squeeze %dma_start3A_136 : memref<1x!tpu.dma_semaphore, #tpu.memory_space<semaphore_mem>> -> memref<!tpu.dma_semaphore, #tpu.memory_space<semaphore_mem>>
            tpu.enqueue_indirect_dma source(%dma_start3A_135 : memref<10000x128xf32, #tpu.memory_space<hbm>>) target(%dma_start3A_129 : memref<128x128xf32, #tpu.memory_space<vmem>>) offsets(%dma_start3A_132 : memref<128xi32, #tpu.memory_space<vmem>>) semaphore(%dma_start3A_137 : memref<!tpu.dma_semaphore, #tpu.memory_space<semaphore_mem>>)
          } else {
          }
        } else {
        }
        %add3A_96 = arith.constant 1 : i32
        %add3A_97 = arith.addi %mul3A_90, %add3A_96 : i32
        %lt3A_98 = arith.cmpi slt, %add3A_97, %sub3A_13 : i32
        %convert_element_type3A_99 = arith.extui %lt3A_98 : i1 to i32
        %cond3A_100 = arith.constant 0 : i32
        %cond3A_101 = arith.cmpi ne, %convert_element_type3A_99, %cond3A_100 : i32
        scf.if %cond3A_101 {
          %dma_wait3A = arith.constant 1 : i32
          %dma_wait3A_102 = arith.constant 1 : i32
          %dma_wait3A_103 = arith.constant 0 : i32
          %dma_wait3A_104 = arith.constant 0 : i32
          %dma_wait3A_105 = tpu.memref_slice %arg8[%dma_wait3A, %dma_wait3A_103, %dma_wait3A_104] : memref<2x128x128xf32, #tpu.memory_space<vmem>> -> memref<1x128x128xf32, #tpu.memory_space<vmem>>
          %dma_wait3A_106 = tpu.memref_squeeze %dma_wait3A_105 : memref<1x128x128xf32, #tpu.memory_space<vmem>> -> memref<128x128xf32, #tpu.memory_space<vmem>>
          %dma_wait3A_107 = arith.constant 0 : i32
          %dma_wait3A_108 = tpu.memref_slice %arg6[%add3A_97, %dma_wait3A_107] : memref<40x128xi32, #tpu.memory_space<vmem>> -> memref<1x128xi32, #tpu.memory_space<vmem>>
          %dma_wait3A_109 = tpu.memref_squeeze %dma_wait3A_108 : memref<1x128xi32, #tpu.memory_space<vmem>> -> memref<128xi32, #tpu.memory_space<vmem>>
          %dma_wait3A_110 = arith.constant 0 : i32
          %dma_wait3A_111 = arith.constant 0 : i32
          %dma_wait3A_112 = tpu.memref_slice %arg2[%dma_wait3A_110, %dma_wait3A_111] : memref<10000x128xf32, #tpu.memory_space<hbm>> -> memref<10000x128xf32, #tpu.memory_space<hbm>>
          %dma_wait3A_113 = tpu.memref_slice %arg10[%dma_wait3A_102] : memref<2x!tpu.dma_semaphore, #tpu.memory_space<semaphore_mem>> -> memref<1x!tpu.dma_semaphore, #tpu.memory_space<semaphore_mem>>
          %dma_wait3A_114 = tpu.memref_squeeze %dma_wait3A_113 : memref<1x!tpu.dma_semaphore, #tpu.memory_space<semaphore_mem>> -> memref<!tpu.dma_semaphore, #tpu.memory_space<semaphore_mem>>
          tpu.wait_indirect_dma semaphore(%dma_wait3A_114 : memref<!tpu.dma_semaphore, #tpu.memory_space<semaphore_mem>>) src(%dma_wait3A_112 : memref<10000x128xf32, #tpu.memory_space<hbm>>) dst(%dma_wait3A_106 : memref<128x128xf32, #tpu.memory_space<vmem>>)
          %run_scoped3A_115 = arith.constant 1 : i32
          "tpu.region"() ({
            %run_scoped3A_122 = tpu.sem_alloc : memref<!tpu.dma_semaphore, #tpu.memory_space<semaphore_mem>>
            %dma_start3A_123 = arith.constant 0 : i32
            %dma_start3A_124 = arith.constant 0 : i32
            %dma_start3A_125 = tpu.memref_slice %arg8[%run_scoped3A_115, %dma_start3A_123, %dma_start3A_124] : memref<2x128x128xf32, #tpu.memory_space<vmem>> -> memref<1x128x128xf32, #tpu.memory_space<vmem>>
            %dma_start3A_126 = tpu.memref_squeeze %dma_start3A_125 : memref<1x128x128xf32, #tpu.memory_space<vmem>> -> memref<128x128xf32, #tpu.memory_space<vmem>>
            %dma_start3A_127 = arith.constant 0 : i32
            %dma_start3A_128 = tpu.memref_slice %arg7[%add3A_97, %dma_start3A_127] : memref<40x128xi32, #tpu.memory_space<vmem>> -> memref<1x128xi32, #tpu.memory_space<vmem>>
            %dma_start3A_129 = tpu.memref_squeeze %dma_start3A_128 : memref<1x128xi32, #tpu.memory_space<vmem>> -> memref<128xi32, #tpu.memory_space<vmem>>
            %dma_start3A_130 = arith.constant 0 : i32
            %dma_start3A_131 = arith.constant 0 : i32
            %dma_start3A_132 = tpu.memref_slice %arg9[%dma_start3A_130, %dma_start3A_131] : memref<10112x128xf32, #tpu.memory_space<vmem_shared>> -> memref<10112x128xf32, #tpu.memory_space<vmem_shared>>
            tpu.enqueue_indirect_dma source(%dma_start3A_126 : memref<128x128xf32, #tpu.memory_space<vmem>>) target(%dma_start3A_132 : memref<10112x128xf32, #tpu.memory_space<vmem_shared>>) offsets(%dma_start3A_129 : memref<128xi32, #tpu.memory_space<vmem>>) semaphore(%run_scoped3A_122 : memref<!tpu.dma_semaphore, #tpu.memory_space<semaphore_mem>>) {add = true}
            %dma_wait3A_133 = arith.constant 0 : i32
            %dma_wait3A_134 = arith.constant 0 : i32
            %dma_wait3A_135 = tpu.memref_slice %arg8[%run_scoped3A_115, %dma_wait3A_133, %dma_wait3A_134] : memref<2x128x128xf32, #tpu.memory_space<vmem>> -> memref<1x128x128xf32, #tpu.memory_space<vmem>>
            %dma_wait3A_136 = tpu.memref_squeeze %dma_wait3A_135 : memref<1x128x128xf32, #tpu.memory_space<vmem>> -> memref<128x128xf32, #tpu.memory_space<vmem>>
            %dma_wait3A_137 = arith.constant 0 : i32
            %dma_wait3A_138 = tpu.memref_slice %arg7[%add3A_97, %dma_wait3A_137] : memref<40x128xi32, #tpu.memory_space<vmem>> -> memref<1x128xi32, #tpu.memory_space<vmem>>
            %dma_wait3A_139 = tpu.memref_squeeze %dma_wait3A_138 : memref<1x128xi32, #tpu.memory_space<vmem>> -> memref<128xi32, #tpu.memory_space<vmem>>
            %dma_wait3A_140 = arith.constant 0 : i32
            %dma_wait3A_141 = arith.constant 0 : i32
            %dma_wait3A_142 = tpu.memref_slice %arg9[%dma_wait3A_140, %dma_wait3A_141] : memref<10112x128xf32, #tpu.memory_space<vmem_shared>> -> memref<10112x128xf32, #tpu.memory_space<vmem_shared>>
            tpu.wait_indirect_dma semaphore(%run_scoped3A_122 : memref<!tpu.dma_semaphore, #tpu.memory_space<semaphore_mem>>) src(%dma_wait3A_136 : memref<128x128xf32, #tpu.memory_space<vmem>>) dst(%dma_wait3A_142 : memref<10112x128xf32, #tpu.memory_space<vmem_shared>>)
            tpu.yield
          }) : () -> ()
          %add3A_116 = arith.constant 2 : i32
          %add3A_117 = arith.addi %add3A_97, %add3A_116 : i32
          %lt3A_118 = arith.cmpi slt, %add3A_117, %sub3A_13 : i32
          %convert_element_type3A_119 = arith.extui %lt3A_118 : i1 to i32
          %cond3A_120 = arith.constant 0 : i32
          %cond3A_121 = arith.cmpi ne, %convert_element_type3A_119, %cond3A_120 : i32
          scf.if %cond3A_121 {
            %add3A_122 = arith.constant 2 : i32
            %add3A_123 = arith.addi %add3A_97, %add3A_122 : i32
            %dma_start3A_124 = arith.constant 1 : i32
            %dma_start3A_125 = arith.constant 1 : i32
            %dma_start3A_126 = arith.constant 0 : i32
            %dma_start3A_127 = arith.constant 0 : i32
            %dma_start3A_128 = tpu.memref_slice %arg8[%dma_start3A_124, %dma_start3A_126, %dma_start3A_127] : memref<2x128x128xf32, #tpu.memory_space<vmem>> -> memref<1x128x128xf32, #tpu.memory_space<vmem>>
            %dma_start3A_129 = tpu.memref_squeeze %dma_start3A_128 : memref<1x128x128xf32, #tpu.memory_space<vmem>> -> memref<128x128xf32, #tpu.memory_space<vmem>>
            %dma_start3A_130 = arith.constant 0 : i32
            %dma_start3A_131 = tpu.memref_slice %arg6[%add3A_123, %dma_start3A_130] : memref<40x128xi32, #tpu.memory_space<vmem>> -> memref<1x128xi32, #tpu.memory_space<vmem>>
            %dma_start3A_132 = tpu.memref_squeeze %dma_start3A_131 : memref<1x128xi32, #tpu.memory_space<vmem>> -> memref<128xi32, #tpu.memory_space<vmem>>
            %dma_start3A_133 = arith.constant 0 : i32
            %dma_start3A_134 = arith.constant 0 : i32
            %dma_start3A_135 = tpu.memref_slice %arg2[%dma_start3A_133, %dma_start3A_134] : memref<10000x128xf32, #tpu.memory_space<hbm>> -> memref<10000x128xf32, #tpu.memory_space<hbm>>
            %dma_start3A_136 = tpu.memref_slice %arg10[%dma_start3A_125] : memref<2x!tpu.dma_semaphore, #tpu.memory_space<semaphore_mem>> -> memref<1x!tpu.dma_semaphore, #tpu.memory_space<semaphore_mem>>
            %dma_start3A_137 = tpu.memref_squeeze %dma_start3A_136 : memref<1x!tpu.dma_semaphore, #tpu.memory_space<semaphore_mem>> -> memref<!tpu.dma_semaphore, #tpu.memory_space<semaphore_mem>>
            tpu.enqueue_indirect_dma source(%dma_start3A_135 : memref<10000x128xf32, #tpu.memory_space<hbm>>) target(%dma_start3A_129 : memref<128x128xf32, #tpu.memory_space<vmem>>) offsets(%dma_start3A_132 : memref<128xi32, #tpu.memory_space<vmem>>) semaphore(%dma_start3A_137 : memref<!tpu.dma_semaphore, #tpu.memory_space<semaphore_mem>>)
          } else {
          }
        } else {
        }
      }
      %while3A_87 = arith.constant 1 : i32
      scf.for %while3A_88 = %while3A_85 to %while3A_81 step %while3A_87  : i32 {
        %mul3A_89 = arith.constant 2 : i32
        %mul3A_90 = arith.muli %while3A_88, %mul3A_89 : i32
        %add3A_91 = arith.constant 0 : i32
        %add3A_92 = arith.addi %mul3A_90, %add3A_91 : i32
        %lt3A = arith.cmpi slt, %add3A_92, %sub3A_13 : i32
        %convert_element_type3A_93 = arith.extui %lt3A : i1 to i32
        %cond3A_94 = arith.constant 0 : i32
        %cond3A_95 = arith.cmpi ne, %convert_element_type3A_93, %cond3A_94 : i32
        scf.if %cond3A_95 {
          %dma_wait3A = arith.constant 0 : i32
          %dma_wait3A_102 = arith.constant 0 : i32
          %dma_wait3A_103 = arith.constant 0 : i32
          %dma_wait3A_104 = arith.constant 0 : i32
          %dma_wait3A_105 = tpu.memref_slice %arg8[%dma_wait3A, %dma_wait3A_103, %dma_wait3A_104] : memref<2x128x128xf32, #tpu.memory_space<vmem>> -> memref<1x128x128xf32, #tpu.memory_space<vmem>>
          %dma_wait3A_106 = tpu.memref_squeeze %dma_wait3A_105 : memref<1x128x128xf32, #tpu.memory_space<vmem>> -> memref<128x128xf32, #tpu.memory_space<vmem>>
          %dma_wait3A_107 = arith.constant 0 : i32
          %dma_wait3A_108 = tpu.memref_slice %arg6[%add3A_92, %dma_wait3A_107] : memref<40x128xi32, #tpu.memory_space<vmem>> -> memref<1x128xi32, #tpu.memory_space<vmem>>
          %dma_wait3A_109 = tpu.memref_squeeze %dma_wait3A_108 : memref<1x128xi32, #tpu.memory_space<vmem>> -> memref<128xi32, #tpu.memory_space<vmem>>
          %dma_wait3A_110 = arith.constant 0 : i32
          %dma_wait3A_111 = arith.constant 0 : i32
          %dma_wait3A_112 = tpu.memref_slice %arg2[%dma_wait3A_110, %dma_wait3A_111] : memref<10000x128xf32, #tpu.memory_space<hbm>> -> memref<10000x128xf32, #tpu.memory_space<hbm>>
          %dma_wait3A_113 = tpu.memref_slice %arg10[%dma_wait3A_102] : memref<2x!tpu.dma_semaphore, #tpu.memory_space<semaphore_mem>> -> memref<1x!tpu.dma_semaphore, #tpu.memory_space<semaphore_mem>>
          %dma_wait3A_114 = tpu.memref_squeeze %dma_wait3A_113 : memref<1x!tpu.dma_semaphore, #tpu.memory_space<semaphore_mem>> -> memref<!tpu.dma_semaphore, #tpu.memory_space<semaphore_mem>>
          tpu.wait_indirect_dma semaphore(%dma_wait3A_114 : memref<!tpu.dma_semaphore, #tpu.memory_space<semaphore_mem>>) src(%dma_wait3A_112 : memref<10000x128xf32, #tpu.memory_space<hbm>>) dst(%dma_wait3A_106 : memref<128x128xf32, #tpu.memory_space<vmem>>)
          %run_scoped3A_115 = arith.constant 0 : i32
          "tpu.region"() ({
            %run_scoped3A_122 = tpu.sem_alloc : memref<!tpu.dma_semaphore, #tpu.memory_space<semaphore_mem>>
            %dma_start3A_123 = arith.constant 0 : i32
            %dma_start3A_124 = arith.constant 0 : i32
            %dma_start3A_125 = tpu.memref_slice %arg8[%run_scoped3A_115, %dma_start3A_123, %dma_start3A_124] : memref<2x128x128xf32, #tpu.memory_space<vmem>> -> memref<1x128x128xf32, #tpu.memory_space<vmem>>
            %dma_start3A_126 = tpu.memref_squeeze %dma_start3A_125 : memref<1x128x128xf32, #tpu.memory_space<vmem>> -> memref<128x128xf32, #tpu.memory_space<vmem>>
            %dma_start3A_127 = arith.constant 0 : i32
            %dma_start3A_128 = tpu.memref_slice %arg7[%add3A_92, %dma_start3A_127] : memref<40x128xi32, #tpu.memory_space<vmem>> -> memref<1x128xi32, #tpu.memory_space<vmem>>
            %dma_start3A_129 = tpu.memref_squeeze %dma_start3A_128 : memref<1x128xi32, #tpu.memory_space<vmem>> -> memref<128xi32, #tpu.memory_space<vmem>>
            %dma_start3A_130 = arith.constant 0 : i32
            %dma_start3A_131 = arith.constant 0 : i32
            %dma_start3A_132 = tpu.memref_slice %arg9[%dma_start3A_130, %dma_start3A_131] : memref<10112x128xf32, #tpu.memory_space<vmem_shared>> -> memref<10112x128xf32, #tpu.memory_space<vmem_shared>>
            tpu.enqueue_indirect_dma source(%dma_start3A_126 : memref<128x128xf32, #tpu.memory_space<vmem>>) target(%dma_start3A_132 : memref<10112x128xf32, #tpu.memory_space<vmem_shared>>) offsets(%dma_start3A_129 : memref<128xi32, #tpu.memory_space<vmem>>) semaphore(%run_scoped3A_122 : memref<!tpu.dma_semaphore, #tpu.memory_space<semaphore_mem>>) {add = true}
            %dma_wait3A_133 = arith.constant 0 : i32
            %dma_wait3A_134 = arith.constant 0 : i32
            %dma_wait3A_135 = tpu.memref_slice %arg8[%run_scoped3A_115, %dma_wait3A_133, %dma_wait3A_134] : memref<2x128x128xf32, #tpu.memory_space<vmem>> -> memref<1x128x128xf32, #tpu.memory_space<vmem>>
            %dma_wait3A_136 = tpu.memref_squeeze %dma_wait3A_135 : memref<1x128x128xf32, #tpu.memory_space<vmem>> -> memref<128x128xf32, #tpu.memory_space<vmem>>
            %dma_wait3A_137 = arith.constant 0 : i32
            %dma_wait3A_138 = tpu.memref_slice %arg7[%add3A_92, %dma_wait3A_137] : memref<40x128xi32, #tpu.memory_space<vmem>> -> memref<1x128xi32, #tpu.memory_space<vmem>>
            %dma_wait3A_139 = tpu.memref_squeeze %dma_wait3A_138 : memref<1x128xi32, #tpu.memory_space<vmem>> -> memref<128xi32, #tpu.memory_space<vmem>>
            %dma_wait3A_140 = arith.constant 0 : i32
            %dma_wait3A_141 = arith.constant 0 : i32
            %dma_wait3A_142 = tpu.memref_slice %arg9[%dma_wait3A_140, %dma_wait3A_141] : memref<10112x128xf32, #tpu.memory_space<vmem_shared>> -> memref<10112x128xf32, #tpu.memory_space<vmem_shared>>
            tpu.wait_indirect_dma semaphore(%run_scoped3A_122 : memref<!tpu.dma_semaphore, #tpu.memory_space<semaphore_mem>>) src(%dma_wait3A_136 : memref<128x128xf32, #tpu.memory_space<vmem>>) dst(%dma_wait3A_142 : memref<10112x128xf32, #tpu.memory_space<vmem_shared>>)
            tpu.yield
          }) : () -> ()
          %add3A_116 = arith.constant 2 : i32
          %add3A_117 = arith.addi %add3A_92, %add3A_116 : i32
          %lt3A_118 = arith.cmpi slt, %add3A_117, %sub3A_13 : i32
          %convert_element_type3A_119 = arith.extui %lt3A_118 : i1 to i32
          %cond3A_120 = arith.constant 0 : i32
          %cond3A_121 = arith.cmpi ne, %convert_element_type3A_119, %cond3A_120 : i32
          scf.if %cond3A_121 {
            %add3A_122 = arith.constant 2 : i32
            %add3A_123 = arith.addi %add3A_92, %add3A_122 : i32
            %dma_start3A_124 = arith.constant 0 : i32
            %dma_start3A_125 = arith.constant 0 : i32
            %dma_start3A_126 = arith.constant 0 : i32
            %dma_start3A_127 = arith.constant 0 : i32
            %dma_start3A_128 = tpu.memref_slice %arg8[%dma_start3A_124, %dma_start3A_126, %dma_start3A_127] : memref<2x128x128xf32, #tpu.memory_space<vmem>> -> memref<1x128x128xf32, #tpu.memory_space<vmem>>
            %dma_start3A_129 = tpu.memref_squeeze %dma_start3A_128 : memref<1x128x128xf32, #tpu.memory_space<vmem>> -> memref<128x128xf32, #tpu.memory_space<vmem>>
            %dma_start3A_130 = arith.constant 0 : i32
            %dma_start3A_131 = tpu.memref_slice %arg6[%add3A_123, %dma_start3A_130] : memref<40x128xi32, #tpu.memory_space<vmem>> -> memref<1x128xi32, #tpu.memory_space<vmem>>
            %dma_start3A_132 = tpu.memref_squeeze %dma_start3A_131 : memref<1x128xi32, #tpu.memory_space<vmem>> -> memref<128xi32, #tpu.memory_space<vmem>>
            %dma_start3A_133 = arith.constant 0 : i32
            %dma_start3A_134 = arith.constant 0 : i32
            %dma_start3A_135 = tpu.memref_slice %arg2[%dma_start3A_133, %dma_start3A_134] : memref<10000x128xf32, #tpu.memory_space<hbm>> -> memref<10000x128xf32, #tpu.memory_space<hbm>>
            %dma_start3A_136 = tpu.memref_slice %arg10[%dma_start3A_125] : memref<2x!tpu.dma_semaphore, #tpu.memory_space<semaphore_mem>> -> memref<1x!tpu.dma_semaphore, #tpu.memory_space<semaphore_mem>>
            %dma_start3A_137 = tpu.memref_squeeze %dma_start3A_136 : memref<1x!tpu.dma_semaphore, #tpu.memory_space<semaphore_mem>> -> memref<!tpu.dma_semaphore, #tpu.memory_space<semaphore_mem>>
            tpu.enqueue_indirect_dma source(%dma_start3A_135 : memref<10000x128xf32, #tpu.memory_space<hbm>>) target(%dma_start3A_129 : memref<128x128xf32, #tpu.memory_space<vmem>>) offsets(%dma_start3A_132 : memref<128xi32, #tpu.memory_space<vmem>>) semaphore(%dma_start3A_137 : memref<!tpu.dma_semaphore, #tpu.memory_space<semaphore_mem>>)
          } else {
          }
        } else {
        }
        %add3A_96 = arith.constant 1 : i32
        %add3A_97 = arith.addi %mul3A_90, %add3A_96 : i32
        %lt3A_98 = arith.cmpi slt, %add3A_97, %sub3A_13 : i32
        %convert_element_type3A_99 = arith.extui %lt3A_98 : i1 to i32
        %cond3A_100 = arith.constant 0 : i32
        %cond3A_101 = arith.cmpi ne, %convert_element_type3A_99, %cond3A_100 : i32
        scf.if %cond3A_101 {
          %dma_wait3A = arith.constant 1 : i32
          %dma_wait3A_102 = arith.constant 1 : i32
          %dma_wait3A_103 = arith.constant 0 : i32
          %dma_wait3A_104 = arith.constant 0 : i32
          %dma_wait3A_105 = tpu.memref_slice %arg8[%dma_wait3A, %dma_wait3A_103, %dma_wait3A_104] : memref<2x128x128xf32, #tpu.memory_space<vmem>> -> memref<1x128x128xf32, #tpu.memory_space<vmem>>
          %dma_wait3A_106 = tpu.memref_squeeze %dma_wait3A_105 : memref<1x128x128xf32, #tpu.memory_space<vmem>> -> memref<128x128xf32, #tpu.memory_space<vmem>>
          %dma_wait3A_107 = arith.constant 0 : i32
          %dma_wait3A_108 = tpu.memref_slice %arg6[%add3A_97, %dma_wait3A_107] : memref<40x128xi32, #tpu.memory_space<vmem>> -> memref<1x128xi32, #tpu.memory_space<vmem>>
          %dma_wait3A_109 = tpu.memref_squeeze %dma_wait3A_108 : memref<1x128xi32, #tpu.memory_space<vmem>> -> memref<128xi32, #tpu.memory_space<vmem>>
          %dma_wait3A_110 = arith.constant 0 : i32
          %dma_wait3A_111 = arith.constant 0 : i32
          %dma_wait3A_112 = tpu.memref_slice %arg2[%dma_wait3A_110, %dma_wait3A_111] : memref<10000x128xf32, #tpu.memory_space<hbm>> -> memref<10000x128xf32, #tpu.memory_space<hbm>>
          %dma_wait3A_113 = tpu.memref_slice %arg10[%dma_wait3A_102] : memref<2x!tpu.dma_semaphore, #tpu.memory_space<semaphore_mem>> -> memref<1x!tpu.dma_semaphore, #tpu.memory_space<semaphore_mem>>
          %dma_wait3A_114 = tpu.memref_squeeze %dma_wait3A_113 : memref<1x!tpu.dma_semaphore, #tpu.memory_space<semaphore_mem>> -> memref<!tpu.dma_semaphore, #tpu.memory_space<semaphore_mem>>
          tpu.wait_indirect_dma semaphore(%dma_wait3A_114 : memref<!tpu.dma_semaphore, #tpu.memory_space<semaphore_mem>>) src(%dma_wait3A_112 : memref<10000x128xf32, #tpu.memory_space<hbm>>) dst(%dma_wait3A_106 : memref<128x128xf32, #tpu.memory_space<vmem>>)
          %run_scoped3A_115 = arith.constant 1 : i32
          "tpu.region"() ({
            %run_scoped3A_122 = tpu.sem_alloc : memref<!tpu.dma_semaphore, #tpu.memory_space<semaphore_mem>>
            %dma_start3A_123 = arith.constant 0 : i32
            %dma_start3A_124 = arith.constant 0 : i32
            %dma_start3A_125 = tpu.memref_slice %arg8[%run_scoped3A_115, %dma_start3A_123, %dma_start3A_124] : memref<2x128x128xf32, #tpu.memory_space<vmem>> -> memref<1x128x128xf32, #tpu.memory_space<vmem>>
            %dma_start3A_126 = tpu.memref_squeeze %dma_start3A_125 : memref<1x128x128xf32, #tpu.memory_space<vmem>> -> memref<128x128xf32, #tpu.memory_space<vmem>>
            %dma_start3A_127 = arith.constant 0 : i32
            %dma_start3A_128 = tpu.memref_slice %arg7[%add3A_97, %dma_start3A_127] : memref<40x128xi32, #tpu.memory_space<vmem>> -> memref<1x128xi32, #tpu.memory_space<vmem>>
            %dma_start3A_129 = tpu.memref_squeeze %dma_start3A_128 : memref<1x128xi32, #tpu.memory_space<vmem>> -> memref<128xi32, #tpu.memory_space<vmem>>
            %dma_start3A_130 = arith.constant 0 : i32
            %dma_start3A_131 = arith.constant 0 : i32
            %dma_start3A_132 = tpu.memref_slice %arg9[%dma_start3A_130, %dma_start3A_131] : memref<10112x128xf32, #tpu.memory_space<vmem_shared>> -> memref<10112x128xf32, #tpu.memory_space<vmem_shared>>
            tpu.enqueue_indirect_dma source(%dma_start3A_126 : memref<128x128xf32, #tpu.memory_space<vmem>>) target(%dma_start3A_132 : memref<10112x128xf32, #tpu.memory_space<vmem_shared>>) offsets(%dma_start3A_129 : memref<128xi32, #tpu.memory_space<vmem>>) semaphore(%run_scoped3A_122 : memref<!tpu.dma_semaphore, #tpu.memory_space<semaphore_mem>>) {add = true}
            %dma_wait3A_133 = arith.constant 0 : i32
            %dma_wait3A_134 = arith.constant 0 : i32
            %dma_wait3A_135 = tpu.memref_slice %arg8[%run_scoped3A_115, %dma_wait3A_133, %dma_wait3A_134] : memref<2x128x128xf32, #tpu.memory_space<vmem>> -> memref<1x128x128xf32, #tpu.memory_space<vmem>>
            %dma_wait3A_136 = tpu.memref_squeeze %dma_wait3A_135 : memref<1x128x128xf32, #tpu.memory_space<vmem>> -> memref<128x128xf32, #tpu.memory_space<vmem>>
            %dma_wait3A_137 = arith.constant 0 : i32
            %dma_wait3A_138 = tpu.memref_slice %arg7[%add3A_97, %dma_wait3A_137] : memref<40x128xi32, #tpu.memory_space<vmem>> -> memref<1x128xi32, #tpu.memory_space<vmem>>
            %dma_wait3A_139 = tpu.memref_squeeze %dma_wait3A_138 : memref<1x128xi32, #tpu.memory_space<vmem>> -> memref<128xi32, #tpu.memory_space<vmem>>
            %dma_wait3A_140 = arith.constant 0 : i32
            %dma_wait3A_141 = arith.constant 0 : i32
            %dma_wait3A_142 = tpu.memref_slice %arg9[%dma_wait3A_140, %dma_wait3A_141] : memref<10112x128xf32, #tpu.memory_space<vmem_shared>> -> memref<10112x128xf32, #tpu.memory_space<vmem_shared>>
            tpu.wait_indirect_dma semaphore(%run_scoped3A_122 : memref<!tpu.dma_semaphore, #tpu.memory_space<semaphore_mem>>) src(%dma_wait3A_136 : memref<128x128xf32, #tpu.memory_space<vmem>>) dst(%dma_wait3A_142 : memref<10112x128xf32, #tpu.memory_space<vmem_shared>>)
            tpu.yield
          }) : () -> ()
          %add3A_116 = arith.constant 2 : i32
          %add3A_117 = arith.addi %add3A_97, %add3A_116 : i32
          %lt3A_118 = arith.cmpi slt, %add3A_117, %sub3A_13 : i32
          %convert_element_type3A_119 = arith.extui %lt3A_118 : i1 to i32
          %cond3A_120 = arith.constant 0 : i32
          %cond3A_121 = arith.cmpi ne, %convert_element_type3A_119, %cond3A_120 : i32
          scf.if %cond3A_121 {
            %add3A_122 = arith.constant 2 : i32
            %add3A_123 = arith.addi %add3A_97, %add3A_122 : i32
            %dma_start3A_124 = arith.constant 1 : i32
            %dma_start3A_125 = arith.constant 1 : i32
            %dma_start3A_126 = arith.constant 0 : i32
            %dma_start3A_127 = arith.constant 0 : i32
            %dma_start3A_128 = tpu.memref_slice %arg8[%dma_start3A_124, %dma_start3A_126, %dma_start3A_127] : memref<2x128x128xf32, #tpu.memory_space<vmem>> -> memref<1x128x128xf32, #tpu.memory_space<vmem>>
            %dma_start3A_129 = tpu.memref_squeeze %dma_start3A_128 : memref<1x128x128xf32, #tpu.memory_space<vmem>> -> memref<128x128xf32, #tpu.memory_space<vmem>>
            %dma_start3A_130 = arith.constant 0 : i32
            %dma_start3A_131 = tpu.memref_slice %arg6[%add3A_123, %dma_start3A_130] : memref<40x128xi32, #tpu.memory_space<vmem>> -> memref<1x128xi32, #tpu.memory_space<vmem>>
            %dma_start3A_132 = tpu.memref_squeeze %dma_start3A_131 : memref<1x128xi32, #tpu.memory_space<vmem>> -> memref<128xi32, #tpu.memory_space<vmem>>
            %dma_start3A_133 = arith.constant 0 : i32
            %dma_start3A_134 = arith.constant 0 : i32
            %dma_start3A_135 = tpu.memref_slice %arg2[%dma_start3A_133, %dma_start3A_134] : memref<10000x128xf32, #tpu.memory_space<hbm>> -> memref<10000x128xf32, #tpu.memory_space<hbm>>
            %dma_start3A_136 = tpu.memref_slice %arg10[%dma_start3A_125] : memref<2x!tpu.dma_semaphore, #tpu.memory_space<semaphore_mem>> -> memref<1x!tpu.dma_semaphore, #tpu.memory_space<semaphore_mem>>
            %dma_start3A_137 = tpu.memref_squeeze %dma_start3A_136 : memref<1x!tpu.dma_semaphore, #tpu.memory_space<semaphore_mem>> -> memref<!tpu.dma_semaphore, #tpu.memory_space<semaphore_mem>>
            tpu.enqueue_indirect_dma source(%dma_start3A_135 : memref<10000x128xf32, #tpu.memory_space<hbm>>) target(%dma_start3A_129 : memref<128x128xf32, #tpu.memory_space<vmem>>) offsets(%dma_start3A_132 : memref<128xi32, #tpu.memory_space<vmem>>) semaphore(%dma_start3A_137 : memref<!tpu.dma_semaphore, #tpu.memory_space<semaphore_mem>>)
          } else {
          }
        } else {
        }
      }
    } else {
    }
    %barrier3A_19 = arith.constant 0 : index
    tpu.barrier barrier_id(%barrier3A_19)
    %mul3A_20 = arith.constant 632 : i32
    %mul3A_21 = arith.muli %arg1, %mul3A_20 : i32
    %mul3A_22 = arith.constant 632 : i32
    %mul3A_23 = arith.muli %arg1, %mul3A_22 : i32
    "tpu.region"() ({
      %run_scoped3A = tpu.sem_alloc : memref<!tpu.dma_semaphore, #tpu.memory_space<semaphore_mem>>
      %dma_start3A = arith.constant 0 : i32
      %dma_start3A_24 = tpu.memref_slice %arg5[%arg0, %mul3A_23, %dma_start3A] : memref<2x10112x128xf32, #tpu.memory_space<hbm>> -> memref<1x632x128xf32, #tpu.memory_space<hbm>>
      %dma_start3A_25 = tpu.memref_squeeze %dma_start3A_24 : memref<1x632x128xf32, #tpu.memory_space<hbm>> -> memref<632x128xf32, #tpu.memory_space<hbm>>
      %dma_start3A_26 = arith.constant 0 : i32
      %dma_start3A_27 = tpu.memref_slice %arg9[%mul3A_21, %dma_start3A_26] : memref<10112x128xf32, #tpu.memory_space<vmem_shared>> -> memref<632x128xf32, #tpu.memory_space<vmem_shared>>
      tpu.enqueue_dma source(%dma_start3A_27 : memref<632x128xf32, #tpu.memory_space<vmem_shared>>) target(%dma_start3A_25 : memref<632x128xf32, #tpu.memory_space<hbm>>) target_semaphore(%run_scoped3A : memref<!tpu.dma_semaphore, #tpu.memory_space<semaphore_mem>>)
      %dma_wait3A = arith.constant 0 : i32
      %dma_wait3A_28 = tpu.memref_slice %arg5[%arg0, %mul3A_23, %dma_wait3A] : memref<2x10112x128xf32, #tpu.memory_space<hbm>> -> memref<1x632x128xf32, #tpu.memory_space<hbm>>
      %dma_wait3A_29 = tpu.memref_squeeze %dma_wait3A_28 : memref<1x632x128xf32, #tpu.memory_space<hbm>> -> memref<632x128xf32, #tpu.memory_space<hbm>>
      %dma_wait3A_30 = arith.constant 0 : i32
      %dma_wait3A_31 = tpu.memref_slice %arg9[%mul3A_21, %dma_wait3A_30] : memref<10112x128xf32, #tpu.memory_space<vmem_shared>> -> memref<632x128xf32, #tpu.memory_space<vmem_shared>>
      tpu.wait_dma2 semaphore(%run_scoped3A : memref<!tpu.dma_semaphore, #tpu.memory_space<semaphore_mem>>) src(%dma_wait3A_31 : memref<632x128xf32, #tpu.memory_space<vmem_shared>>) dst(%dma_wait3A_29 : memref<632x128xf32, #tpu.memory_space<hbm>>)
      tpu.yield
    }) : () -> ()
    return
  }
}

module attributes {stable_mosaic.version = 14 : i64} {
  func.func @_tc_sage_body(%arg0: i32, %arg1: memref<2x2000x128xf32, #tpu.memory_space<vmem>>, %arg2: memref<2000x128xf32, #tpu.memory_space<vmem>>, %arg3: memref<128x128xf32, #tpu.memory_space<vmem>>, %arg4: memref<128x128xf32, #tpu.memory_space<vmem>>, %arg5: memref<1x128xf32, #tpu.memory_space<vmem>>, %arg6: memref<2000x128xf32, #tpu.memory_space<vmem>>) attributes {dimension_semantics = [#tpu.dimension_semantics<arbitrary>], iteration_bounds = array<i64: 5>, scalar_prefetch = 0 : i64, scratch_operands = 0 : i64, tpu.core_type = #tpu.core_type<tc>, window_params = [{transform_indices = @transform_0, window_bounds = array<i64: 2, 2000, 128>}, {transform_indices = @transform_1, window_bounds = array<i64: 2000, 128>}, {pipeline_mode = #tpu.pipeline_mode<synchronous>, transform_indices = @transform_2, window_bounds = array<i64: 128, 128>}, {pipeline_mode = #tpu.pipeline_mode<synchronous>, transform_indices = @transform_3, window_bounds = array<i64: 128, 128>}, {pipeline_mode = #tpu.pipeline_mode<synchronous>, transform_indices = @transform_4, window_bounds = array<i64: 1, 128>}, {transform_indices = @transform_5, window_bounds = array<i64: 2000, 128>}]} {
    %get3A = arith.constant 0 : index
    %get3A_0 = arith.constant 0 : index
    %get3A_1 = arith.constant 0 : index
    %get3A_2 = vector.load %arg1[%get3A, %get3A_0, %get3A_1] : memref<2x2000x128xf32, #tpu.memory_space<vmem>>, vector<1x2000x128xf32>
    %get3A_3 = vector.shape_cast %get3A_2 : vector<1x2000x128xf32> to vector<2000x128xf32>
    %get3A_4 = arith.constant 1 : index
    %get3A_5 = arith.constant 0 : index
    %get3A_6 = arith.constant 0 : index
    %get3A_7 = vector.load %arg1[%get3A_4, %get3A_5, %get3A_6] : memref<2x2000x128xf32, #tpu.memory_space<vmem>>, vector<1x2000x128xf32>
    %get3A_8 = vector.shape_cast %get3A_7 : vector<1x2000x128xf32> to vector<2000x128xf32>
    %add3A = arith.addf %get3A_3, %get3A_8 : vector<2000x128xf32>
    %get3A_9 = arith.constant 0 : index
    %get3A_10 = arith.constant 0 : index
    %get3A_11 = vector.load %arg3[%get3A_9, %get3A_10] : memref<128x128xf32, #tpu.memory_space<vmem>>, vector<128x128xf32>
    %dot_general3A = arith.constant dense<0.000000e+00> : vector<2000x128xf32>
    %dot_general3A_12 = tpu.matmul %add3A, %get3A_11, %dot_general3A {dimension_numbers = #tpu.dot_dimension_numbers<[1], [0], [0], [1], [0, 0, 1, 1], [], []>, transpose_lhs_hint = false} : vector<2000x128xf32>, vector<128x128xf32>, vector<2000x128xf32> -> vector<2000x128xf32>
    %get3A_13 = arith.constant 0 : index
    %get3A_14 = arith.constant 0 : index
    %get3A_15 = vector.load %arg2[%get3A_13, %get3A_14] : memref<2000x128xf32, #tpu.memory_space<vmem>>, vector<2000x128xf32>
    %get3A_16 = arith.constant 0 : index
    %get3A_17 = arith.constant 0 : index
    %get3A_18 = vector.load %arg4[%get3A_16, %get3A_17] : memref<128x128xf32, #tpu.memory_space<vmem>>, vector<128x128xf32>
    %dot_general3A_19 = arith.constant dense<0.000000e+00> : vector<2000x128xf32>
    %dot_general3A_20 = tpu.matmul %get3A_15, %get3A_18, %dot_general3A_19 {dimension_numbers = #tpu.dot_dimension_numbers<[1], [0], [0], [1], [0, 0, 1, 1], [], []>, transpose_lhs_hint = false} : vector<2000x128xf32>, vector<128x128xf32>, vector<2000x128xf32> -> vector<2000x128xf32>
    %add3A_21 = arith.addf %dot_general3A_12, %dot_general3A_20 : vector<2000x128xf32>
    %get3A_22 = arith.constant 0 : index
    %get3A_23 = arith.constant 0 : index
    %get3A_24 = vector.load %arg5[%get3A_22, %get3A_23] : memref<1x128xf32, #tpu.memory_space<vmem>>, vector<1x128xf32>
    %add3A_25 = vector.broadcast %get3A_24 : vector<1x128xf32> to vector<2000x128xf32>
    %add3A_26 = arith.addf %add3A_21, %add3A_25 : vector<2000x128xf32>
    %max3A = arith.constant 0.000000e+00 : f32
    %max3A_27 = vector.broadcast %max3A : f32 to vector<2000x128xf32>
    %max3A_28 = arith.maximumf %add3A_26, %max3A_27 : vector<2000x128xf32>
    %swap3A = arith.constant 0 : index
    %swap3A_29 = arith.constant 0 : index
    %swap3A_30 = vector.load %arg6[%swap3A, %swap3A_29] : memref<2000x128xf32, #tpu.memory_space<vmem>>, vector<2000x128xf32>
    tpu.vector_store %arg6[%swap3A, %swap3A_29], %max3A_28 {strides = array<i32>} : memref<2000x128xf32, #tpu.memory_space<vmem>>, vector<2000x128xf32>,
    return
  }
  func.func @transform_0(%arg0: i32) -> (i32, i32, i32) {
    %c0_i32 = arith.constant 0 : i32
    %c0_i32_0 = arith.constant 0 : i32
    %c0_i32_1 = arith.constant 0 : i32
    return %c0_i32, %arg0, %c0_i32_0 : i32, i32, i32
  }
  func.func @transform_1(%arg0: i32) -> (i32, i32) {
    %c0_i32 = arith.constant 0 : i32
    %c0_i32_0 = arith.constant 0 : i32
    return %arg0, %c0_i32 : i32, i32
  }
  func.func @transform_2(%arg0: i32) -> (i32, i32) {
    %c0_i32 = arith.constant 0 : i32
    %c0_i32_0 = arith.constant 0 : i32
    %c0_i32_1 = arith.constant 0 : i32
    return %c0_i32, %c0_i32_0 : i32, i32
  }
  func.func @transform_3(%arg0: i32) -> (i32, i32) {
    %c0_i32 = arith.constant 0 : i32
    %c0_i32_0 = arith.constant 0 : i32
    %c0_i32_1 = arith.constant 0 : i32
    return %c0_i32, %c0_i32_0 : i32, i32
  }
  func.func @transform_4(%arg0: i32) -> (i32, i32) {
    %c0_i32 = arith.constant 0 : i32
    %c0_i32_0 = arith.constant 0 : i32
    %c0_i32_1 = arith.constant 0 : i32
    return %c0_i32, %c0_i32_0 : i32, i32
  }
  func.func @transform_5(%arg0: i32) -> (i32, i32) {
    %c0_i32 = arith.constant 0 : i32
    %c0_i32_0 = arith.constant 0 : i32
    return %arg0, %c0_i32 : i32, i32
  }
}

module attributes {stable_mosaic.version = 14 : i64} {
  func.func @_tc_pool_body(%arg0: memref<10000x128xf32, #tpu.memory_space<vmem>>, %arg1: memref<1x10000xi32, #tpu.memory_space<vmem>>, %arg2: memref<128x128xf32, #tpu.memory_space<vmem>>, %arg3: memref<1x128xf32, #tpu.memory_space<vmem>>, %arg4: memref<128x1xf32, #tpu.memory_space<vmem>>, %arg5: memref<1x1xf32, #tpu.memory_space<vmem>>, %arg6: memref<64x1xf32, #tpu.memory_space<vmem>>) attributes {dimension_semantics = [], scalar_prefetch = 0 : i64, scratch_operands = 0 : i64, tpu.core_type = #tpu.core_type<tc>} {
    %iota3A = tpu.iota {dimensions = array<i32: 0>} : vector<64x10000xi32>
    %get3A = arith.constant 0 : index
    %get3A_0 = arith.constant 0 : index
    %get3A_1 = vector.load %arg1[%get3A, %get3A_0] : memref<1x10000xi32, #tpu.memory_space<vmem>>, vector<1x10000xi32>
    %eq3A = vector.broadcast %get3A_1 : vector<1x10000xi32> to vector<64x10000xi32>
    %eq3A_2 = arith.cmpi eq, %eq3A, %iota3A : vector<64x10000xi32>
    %convert_element_type3A = arith.extui %eq3A_2 : vector<64x10000xi1> to vector<64x10000xi32>
    %convert_element_type3A_3 = arith.sitofp %convert_element_type3A : vector<64x10000xi32> to vector<64x10000xf32>
    %get3A_4 = arith.constant 0 : index
    %get3A_5 = arith.constant 0 : index
    %get3A_6 = vector.load %arg0[%get3A_4, %get3A_5] : memref<10000x128xf32, #tpu.memory_space<vmem>>, vector<10000x128xf32>
    %dot_general3A = arith.constant dense<0.000000e+00> : vector<64x128xf32>
    %dot_general3A_7 = tpu.matmul %convert_element_type3A_3, %get3A_6, %dot_general3A {dimension_numbers = #tpu.dot_dimension_numbers<[1], [0], [0], [1], [0, 0, 1, 1], [], []>, transpose_lhs_hint = false} : vector<64x10000xf32>, vector<10000x128xf32>, vector<64x128xf32> -> vector<64x128xf32>
    %reduce_sum3A = arith.constant dense<0.000000e+00> : vector<64xf32>
    %reduce_sum3A_8 = vector.multi_reduction <add>, %convert_element_type3A_3, %reduce_sum3A [1] : vector<64x10000xf32> to vector<64xf32>
    %broadcast_in_dim3A = vector.shape_cast %reduce_sum3A_8 : vector<64xf32> to vector<64x1xf32>
    %max3A = arith.constant 1.000000e+00 : f32
    %max3A_9 = vector.broadcast %max3A : f32 to vector<64x1xf32>
    %max3A_10 = arith.maximumf %broadcast_in_dim3A, %max3A_9 : vector<64x1xf32>
    %div3A = vector.broadcast %max3A_10 : vector<64x1xf32> to vector<64x128xf32>
    %div3A_11 = arith.divf %dot_general3A_7, %div3A : vector<64x128xf32>
    %get3A_12 = arith.constant 0 : index
    %get3A_13 = arith.constant 0 : index
    %get3A_14 = vector.load %arg2[%get3A_12, %get3A_13] : memref<128x128xf32, #tpu.memory_space<vmem>>, vector<128x128xf32>
    %dot_general3A_15 = arith.constant dense<0.000000e+00> : vector<64x128xf32>
    %dot_general3A_16 = tpu.matmul %div3A_11, %get3A_14, %dot_general3A_15 {dimension_numbers = #tpu.dot_dimension_numbers<[1], [0], [0], [1], [0, 0, 1, 1], [], []>, transpose_lhs_hint = false} : vector<64x128xf32>, vector<128x128xf32>, vector<64x128xf32> -> vector<64x128xf32>
    %get3A_17 = arith.constant 0 : index
    %get3A_18 = arith.constant 0 : index
    %get3A_19 = vector.load %arg3[%get3A_17, %get3A_18] : memref<1x128xf32, #tpu.memory_space<vmem>>, vector<1x128xf32>
    %add3A = vector.broadcast %get3A_19 : vector<1x128xf32> to vector<64x128xf32>
    %add3A_20 = arith.addf %dot_general3A_16, %add3A : vector<64x128xf32>
    %max3A_21 = arith.constant 0.000000e+00 : f32
    %max3A_22 = vector.broadcast %max3A_21 : f32 to vector<64x128xf32>
    %max3A_23 = arith.maximumf %add3A_20, %max3A_22 : vector<64x128xf32>
    %get3A_24 = arith.constant 0 : index
    %get3A_25 = arith.constant 0 : index
    %get3A_26 = vector.load %arg4[%get3A_24, %get3A_25] : memref<128x1xf32, #tpu.memory_space<vmem>>, vector<128x1xf32>
    %dot_general3A_27 = arith.constant dense<0.000000e+00> : vector<64x1xf32>
    %dot_general3A_28 = tpu.matmul %max3A_23, %get3A_26, %dot_general3A_27 {dimension_numbers = #tpu.dot_dimension_numbers<[1], [0], [0], [1], [0, 0, 1, 1], [], []>, transpose_lhs_hint = false} : vector<64x128xf32>, vector<128x1xf32>, vector<64x1xf32> -> vector<64x1xf32>
    %get3A_29 = arith.constant 0 : index
    %get3A_30 = arith.constant 0 : index
    %get3A_31 = vector.load %arg5[%get3A_29, %get3A_30] : memref<1x1xf32, #tpu.memory_space<vmem>>, vector<1x1xf32>
    %add3A_32 = vector.broadcast %get3A_31 : vector<1x1xf32> to vector<64x1xf32>
    %add3A_33 = arith.addf %dot_general3A_28, %add3A_32 : vector<64x1xf32>
    %neg3A = arith.constant 0.000000e+00 : f32
    %neg3A_34 = vector.broadcast %neg3A : f32 to vector<64x1xf32>
    %neg3A_35 = arith.subf %neg3A_34, %add3A_33 : vector<64x1xf32>
    %exp3A = math.exp %neg3A_35 : vector<64x1xf32>
    %add3A_36 = arith.constant 1.000000e+00 : f32
    %add3A_37 = vector.broadcast %add3A_36 : f32 to vector<64x1xf32>
    %add3A_38 = arith.addf %add3A_37, %exp3A : vector<64x1xf32>
    %div3A_39 = arith.constant 1.000000e+00 : f32
    %div3A_40 = vector.broadcast %div3A_39 : f32 to vector<64x1xf32>
    %div3A_41 = arith.divf %div3A_40, %add3A_38 : vector<64x1xf32>
    %swap3A = arith.constant 0 : index
    %swap3A_42 = arith.constant 0 : index
    %swap3A_43 = vector.load %arg6[%swap3A, %swap3A_42] : memref<64x1xf32, #tpu.memory_space<vmem>>, vector<64x1xf32>
    tpu.vector_store %arg6[%swap3A, %swap3A_42], %div3A_41 {strides = array<i32>} : memref<64x1xf32, #tpu.memory_space<vmem>>, vector<64x1xf32>,
    return
  }
}

</mosaic_0001>

<sc_bundles>
// kernel: kernel.10.cloned.1.call-start
scs
__scs_entry_jumppad:
0x0: {  	(pc) =	sbr.rel $0x88, $3  }
0x1: {  	(tag) =	ssettag $0x0;
	lr =	simm.s32 $0x1  }
0x2: {  	[smem:$0x3F94] =	sst lr;
	_ =	strace $0xD0000000  }
0x3: {  	_ = 	snop  }
0x4: {  	_ = 	snop  }
0x5: {  	_ = 	snop  }
0x6: {  	_ = 	snop  }
0x7: {  	_ = 	snop  }
__scs_overlays_trampoline_lowered:
0x8: {  	[smem:$0x3FA3] =	sst s0  }
0x9: {  	[smem:$0x3FA4] =	sst s1  }
0xa: {  	[smem:$0x3FA5] =	sst s2  }
0xb: {  	[smem:$0x3FA6] =	sst s3  }
0xc: {  	[smem:$0x3FA7] =	sst s4  }
0xd: {  	[smem:$0x3FA8] =	sst s5  }
0xe: {  	[smem:$0x3FA9] =	sst s6  }
0xf: {  	[smem:$0x3FAA] =	sst s7  }
0x10: {  	[smem:$0x3FAB] =	sst s8  }
0x11: {  	[smem:$0x3FAC] =	sst s9;
	s0 =	simm.s32 @!p0 $0x0  }
0x12: {  	s1 =	sld [smem:$0x3F92];
	s0 =	simm.s32 @p0 $0x1  }
0x13: {  	[smem:$0x3FAD] =	sst s0;
	s0 =	simm.s32 @!p1 $0x0  }
0x14: {  	s2 =	sld [smem:$0x3F91];
	s0 =	simm.s32 @p1 $0x1  }
0x15: {  	[smem:$0x3FAE] =	sst s0;
	s0 =	simm.s32 @!p2 $0x0  }
0x16: {  	s3 =	sld [smem:$0x3FDB];
	s0 =	simm.s32 @p2 $0x1  }
0x17: {  	s4 =	simm.s32 $0x1BF5;
	[smem:$0x3FB0] =	sst s0  }
0x18: {  	s0 =	sld [smem:$0x3F93];
	_ =	swait.ge [sflag:s4], $0x0  }
0x19: {  	s7 =	sld [smem:$0x3F94]  }
0x1a: {  	s8 =	sadd.s32 $0xFFFFE003, lr  }
0x1b: {  	s9 =	sadd.s32 $0xFFFFFEF7, lr;
	s5 =	simm.s32 $0xFFFFFFFF;
	p2 =	slt.u32 s8, $0xFFFFF086  }
0x1c: {  	p1 =	slt.u32 s9, $0xF7A;
	s5 =	simm.s32 @!p2 $0x0  }
0x1d: {  	s5 =	simm.s32 @p1 $0x1;
	p0 =	seq.s32 s7, s2  }
0x1e: {  	s7 =	smul.u32 @!p0 $0xF7A, s2;
	p2 =	seq.s32 @!p0 s5, $0x0  }
0x1f: {  	s9 =	smul.u32 $0xF7A, s1;
	s8 =	simm.s32 @!p0 $0x1BF5;
	p2 =	por !p2, p0  }
0x20: {  	[sflag:s8] =	ssyncset.s32 @!p0 $0xFFFFF086;
	s6 =	sadd.s32 @!p0 s3, s7;
	s7 =	simm.s32 @!p0 $0x108  }
0x21: {  	s3 =	sadd.s32 s3, s9;
	s6 =	sadd.s32 @!p0 $0x88, s6;
	s7 =	simm.s32 @p2 $0x1082  }
0x22: {  	[simem:s7], [sflag:s8] =	dma.local @!p0 [hbm:s6], $0xF7A  }
0x23: {  	s9 =	sor.u32 $0xD0000000, s2;
	s6 =	simm.s32 $0x108;
	_ =	swait.ge @!p0 [sflag:s8], $0x0  }
0x24: {  	s3 =	sadd.s32 $0x88, s3;
	s6 =	simm.s32 @!p1 $0x1082;
	[sflag:s4] =	ssyncset.s32 $0xFFFFF086  }
0x25: {  	[simem:s6], [sflag:s4] =	dma.local [hbm:s3], $0xF7A  }
0x26: {  	[smem:$0x3F94] =	sst s1;
	(tag) =	ssettag s2;
	_ =	strace s9  }
0x27: {  	s1 =	sld [smem:$0x3FA4]  }
0x28: {  	s2 =	sld [smem:$0x3FA5]  }
0x29: {  	s4 =	sld [smem:$0x3FA7]  }
0x2a: {  	p0 =	seq.s32 s5, $0x0;
	s5 =	sld [smem:$0x3FA8]  }
0x2b: {  	s6 =	sld [smem:$0x3FA9]  }
0x2c: {  	s7 =	sld [smem:$0x3FAA]  }
0x2d: {  	s3 =	simm.s32 $0x108;
	s8 =	sld [smem:$0x3FAB]  }
0x2e: {  	s3 =	simm.s32 @!p0 $0x1082;
	s9 =	sld [smem:$0x3FAC]  }
0x2f: {  	lr =	sadd.s32 s0, s3;
	s0 =	sld [smem:$0x3FA3]  }
0x30: {  	s3 =	sld [smem:$0x3FA6]  }
0x31: {  	[smem:$0x3FAF] =	sst s10  }
0x32: {  	s10 =	sld [smem:$0x3FAD];
	_ =	sdelay $0x3  }
0x33: {  	p0 =	seq.s32 s10, $0x1;
	s10 =	sld [smem:$0x3FAF];
	_ =	sdelay $0x3  }
0x34: {  	[smem:$0x3FAF] =	sst s10  }
0x35: {  	s10 =	sld [smem:$0x3FAE];
	_ =	sdelay $0x3  }
0x36: {  	p1 =	seq.s32 s10, $0x1;
	s10 =	sld [smem:$0x3FAF];
	_ =	sdelay $0x3  }
0x37: {  	[smem:$0x3FAF] =	sst s10  }
0x38: {  	s10 =	sld [smem:$0x3FB0]  }
0x39: {  	_ = 	snop;
	(pc) =	sbr.ind lr, $3  }
0x3a: {  	_ = 	snop  }
0x3b: {  	_ = 	snop  }
0x3c: {  	p2 =	seq.s32 s10, $0x1;
	s10 =	sld [smem:$0x3FAF]  }
0x3d: {  	_ =	shalt  }
0x3e: {  	_ =	shalt  }
0x3f: {  	_ =	shalt  }
0x40: {  	_ =	shalt  }
0x41: {  	_ =	shalt  }
0x42: {  	_ =	shalt  }
0x43: {  	_ =	shalt  }
0x44: {  	_ =	shalt  }
0x45: {  	_ =	shalt  }
0x46: {  	_ =	shalt  }
0x47: {  	_ =	shalt  }
0x48: {  	_ =	shalt  }
0x49: {  	_ =	shalt  }
0x4a: {  	_ =	shalt  }
0x4b: {  	_ =	shalt  }
0x4c: {  	_ =	shalt  }
0x4d: {  	_ =	shalt  }
0x4e: {  	_ =	shalt  }
0x4f: {  	_ =	shalt  }
0x50: {  	_ =	shalt  }
0x51: {  	_ =	shalt  }
0x52: {  	_ =	shalt  }
0x53: {  	_ =	shalt  }
0x54: {  	_ =	shalt  }
0x55: {  	_ =	shalt  }
0x56: {  	_ =	shalt  }
0x57: {  	_ =	shalt  }
0x58: {  	_ =	shalt  }
0x59: {  	_ =	shalt  }
0x5a: {  	_ =	shalt  }
0x5b: {  	_ =	shalt  }
0x5c: {  	_ =	shalt  }
0x5d: {  	_ =	shalt  }
0x5e: {  	_ =	shalt  }
0x5f: {  	_ =	shalt  }
0x60: {  	_ =	shalt  }
0x61: {  	_ =	shalt  }
0x62: {  	_ =	shalt  }
0x63: {  	_ =	shalt  }
0x64: {  	_ =	shalt  }
0x65: {  	_ =	shalt  }
0x66: {  	_ =	shalt  }
0x67: {  	_ =	shalt  }
0x68: {  	_ =	shalt  }
0x69: {  	_ =	shalt  }
0x6a: {  	_ =	shalt  }
0x6b: {  	_ =	shalt  }
0x6c: {  	_ =	shalt  }
0x6d: {  	_ =	shalt  }
0x6e: {  	_ =	shalt  }
0x6f: {  	_ =	shalt  }
0x70: {  	_ =	shalt  }
0x71: {  	_ =	shalt  }
0x72: {  	_ =	shalt  }
0x73: {  	_ =	shalt  }
0x74: {  	_ =	shalt  }
0x75: {  	_ =	shalt  }
0x76: {  	_ =	shalt  }
0x77: {  	_ =	shalt  }
0x78: {  	_ =	shalt  }
0x79: {  	_ =	shalt  }
0x7a: {  	_ =	shalt  }
0x7b: {  	_ =	shalt  }
0x7c: {  	_ =	shalt  }
0x7d: {  	_ =	shalt  }
0x7e: {  	_ =	shalt  }
0x7f: {  	_ =	shalt  }
0x80: {  	_ =	shalt  }
0x81: {  	_ =	shalt  }
0x82: {  	_ =	shalt  }
0x83: {  	_ =	shalt  }
0x84: {  	_ =	shalt  }
0x85: {  	_ =	shalt  }
0x86: {  	_ =	shalt  }
0x87: {  	_ =	shalt  }
.Lfunc_end0:
.L_simem_size_0:
called_computation.1_lowered:
.L_overlay_start_0:
0x88: {  	s2 =	sld [smem:$0x3FD9]  }
0x89: {  	s3 =	sld [smem:$0x3FFE];
	_ =	sdelay $0x1  }
0x8a: {  	s1 =	srdreg.scid  }
0x8b: {  	s0 =	sand.u32 $0x1, s1  }
0x8c: {  	s16 =	sshll.u32 s0, $0xA;
	s2 =	sadd.s32 s3, s2  }
0x8d: {  	s2 =	sadd.s32 s2, s16  }
0x8e: {  	[smem:$0x3FBB] =	sst s2  }
0x8f: {  	_ = 	snop  }
0x90: {  	(tm) =	ssettm $0x1  }
0x91: {  	s17 =	sld [smem:$0x3FFB];
	_ =	sdelay $0x3  }
0x92: {  	_ =	strace s17  }
0x93: {  	s2 =	sld [smem:$0x3FFC];
	_ =	sdelay $0x3  }
0x94: {  	_ =	strace s2  }
0x95: {  	s2 =	sld [smem:$0x3FFD];
	_ =	sdelay $0x3  }
0x96: {  	_ =	strace s2  }
0x97: {  	_ =	strace $0x8FFFFFFF  }
0x98: {  	s18 =	sld [smem:$0x3FDB];
	_ =	sdelay $0x1  }
0x99: {  	s19 =	simm.s32 $_scs_section_size  }
0x9a: {  	s4 =	simm.s32 $_size__tile_overlayer_lowered;
	s5 =	simm.s32 $_tile_overlayer_lowered  }
0x9b: {  	s22 =	simm.s32 $0x1BFF;
	s21 =	sshll.u32 s5, $0x1;
	s2 =	sadd.s32 s19, s18  }
0x9c: {  	s6 =	simm.s32 $0x0;
	s20 =	sshll.u32 s4, $0x1;
	s4 =	sadd.s32 s21, s2  }
0x9d: {  	[timem:s6], [sflag:s22] =	dma.local [hbm:s4], s20  }
0x9e: {  	_ =	swait.ge [sflag:s22], s20  }
0x9f: {  	s3 =	ssub.s32 $0x0, s20;
	[sflag:s22] =	ssyncset.done $0x0  }
0xa0: {  	[sflag:s22] =	ssyncadd.s32 s3;
	_ =	sdelay $0x1  }
0xa1: {  	s23 =	simm.s32 $0x1B8B  }
0xa2: {  	_ =	swait.ge [sflag:s23], $0x1  }
0xa3: {  	[sflag:s23] =	ssyncset.done $0x0  }
0xa4: {  	s25 =	simm.s32 $0x1B8E;
	s24 =	sld [smem:$0x3FFE];
	[sflag:s23] =	ssyncadd.s32 $0xFFFFFFFF  }
0xa5: {  	s26 =	simm.s32 $execute0_lowered;
	[smem:$0x3FD2] =	sst s25  }
0xa6: {  	s4 =	sshll.u32 s26, $0x1;
	_ =	strace $0x80000049;
	[dreg:$0x1] =	wrdreg $0xFFFFFFFF  }
0xa7: {  	s28 =	simm.s32 $_size_execute0_lowered;
	s2 =	sadd.s32 s2, s4;
	[dreg:$0x0] =	wrdreg $0x0  }
0xa8: {  	s4 =	sshll.u32 s28, $0x1;
	[dreg:$0x2] =	wrdreg s2  }
0xa9: {  	[dreg:$0x3] =	wrdreg s4  }
0xaa: {  	[dreg:$0x4] =	wrdreg $0xC0  }
0xab: {  	_ =	task [dreg:s6], $0x5FFFF  }
0xac: {  	[dreg:$0x1] =	wrdreg $0xFFFFFFFF  }
0xad: {  	[dreg:$0x0] =	wrdreg $0x60  }
0xae: {  	[dreg:$0x2] =	wrdreg s24  }
0xaf: {  	[dreg:$0x3] =	wrdreg $0xA8000  }
0xb0: {  	[dreg:$0x4] =	wrdreg $0x9  }
0xb1: {  	_ =	task.clear_ibuf [dreg:s6], $0x5FFFF;
	_ =	strace $0x90000049  }
0xb2: {  	s29 =	simm.s32 $0x9;
	_ =	strace $0x8000004B  }
0xb3: {  	_ =	swait.ge [sflag:s29], $0x1  }
0xb4: {  	[sflag:s29] =	ssyncadd.s32 $0xFFFFFFFF  }
0xb5: {  	_ =	strace $0x9000004B  }
0xb6: {  	_ =	sfence  }
0xb7: {  	s30 =	sld [smem:$0x0];
	_ =	sdelay $0x2  }
0xb8: {  	s31 =	sshll.u32 s1, $0xD;
	s1 =	sshrl.u32 s1, $0x2  }
0xb9: {  	s3 =	sand.u32 $0x4000, s31;
	s1 =	sadd.s32 s1, s30  }
0xba: {  	s0 =	sor.u32 s3, s0;
	s1 =	sshll.u32 s1, $0x11  }
0xbb: {  	s0 =	sor.u32 s1, s0  }
0xbc: {  	s0 =	sadd.s32 $0x8F2B, s0  }
0xbd: {  	[sflag:s0] =	ssyncadd.remote.s32 $0x1  }
0xbe: {  	_ =	sfence.sel $0xFFFF  }
0xbf: {  	[dreg:$0x0] =	wrdreg $0xFFFFFFFF;
	(pc) =	sbr.abs _section_cstart, $3  }
0xc0: {  	[dreg:$0x1] =	wrdreg $0xFFFFFFFF  }
0xc1: {  	_ =	task.clear_ibuf [dreg:s6], $0x2FFFF;
	_ =	strace $0x9FFFFFFF  }
0xc2: {  	(tm) =	ssettm $0x7FFFFFFF  }
0xc3: {  	_ =	shalt  }
tec
execute0_lowered:
.L_overlay_start_1:
0x0: {  	(tag) =	ssettag $0x1  }
0x1: {  	s0 =	srdreg.scid  }
0x2: {  	s14 =	stileid.u32;
	s1 =	rddreg [dreg:$0x0]  }
0x3: {  	s3 =	rddreg [dreg:$0x1];
	s8 =	smul.u32 $0x13C00, s14  }
0x4: {  	s4 =	simm.s32 $0x0;
	s20 =	simm.s32 $0x80;
	s10 =	smul.u32 $0x4F000, s14  }
0x5: {  	s21 =	simm.s32 $0x2800;
	s0 =	sand.u32 $0x1, s0;
	s25 =	smul.u32 $0xFFFFFF60, s14  }
0x6: {  	s2 =	sshll.u32 s14, $0x1;
	[smem:$0x7FF] =	sst s4;
	s7 =	smul.u32 $0x13C000, s0  }
0x7: {  	s2 =	sor.u32 s0, s2;
	s22 =	ssub.s32 $0x2, s0;
	s0 =	smul.u32 $0xFFFFFFB0, s0  }
0x8: {  	s28 =	sshll.u32 s14, $0x6;
	_ =	strace $0x8000004A;
	s5 =	smul.u32 $0x2800, s2  }
0x9: {  	s2 =	smul.u32 $0xFFFFFFB0, s2;
	s9 =	sshrl.u32 s22, $0x1;
	s23 =	sshrl.u32 s10, $0x2  }
0xa: {  	s7 =	sadd.s32 s8, s7;
	s13 =	ssub.s32 s22, s9;
	s17 =	sadd.s32 s23, s3  }
0xb: {  	s0 =	sadd.s32 s25, s0;
	s22 =	simm.s32 $0x6800;
	s23 =	simm.s32 $0x3  }
0xc: {  	s25 =	simm.s32 $0x0;
	s6 =	sshrl.u32 s5, $0x3;
	s5 =	sadd.s32 $0x19000, s1  }
0xd: {  	s7 =	sshrl.u32 s7, $0x3;
	s2 =	sadd.s32 $0x9C4, s2;
	s0 =	sadd.s32 $0x9C4, s0  }
0xe: {  	s15 =	smax.u32 s13, $0x1;
	s18 =	sshrl.u32 s17, $0x3;
	s12 =	sadd.s32 s6, s1  }
0xf: {  	s6 =	sadd.s32 $0x16800, s1;
	s1 =	sadd.s32 s7, s1;
	s11 =	smin.u32 s2, $0x50  }
0x10: {  	s7 =	sor.u32 $0x1C03, s28;
	s8 =	smin.u32 s2, $0x28;
	s29 =	smin.u32 s0, $0x28  }
0x11: {  	s0 =	smin.u32 s0, $0x50;
	s9 =	sadd.s32 $0x2C00, s12;
	s10 =	sadd.s32 $0xC980, s12  }
.Ltmp0:
0x12: {  	s11 =	ssub.s32 s11, s8;
	s0 =	ssub.s32 s0, s29;
	(pc) =	sbr.rel .LBB2_1-.Ltmp0, $4  }
0x13: {  	s30 =	sadd.s32 $0x2E80, s12;
	s12 =	sadd.s32 $0xCC00, s12;
	s0 =	sshrl.u32 s0, $0x1  }
0x14: {  	s14 =	sadd.s32 $0x40200, s1;
	[dreg:$0x3] =	wrdreg s30;
	s0 =	smax.u32 s0, $0x1  }
0x15: {  	s31 =	sshrl.u32 s29, $0x1;
	[dreg:$0x4] =	wrdreg s12;
	s0 =	ssub.s32 $0x0, s0  }
0x16: {  	s16 =	sadd.s32 $0xFFFFFFFF, s31;
	p0 =	slt.s32 s11, $0x1;
	[dreg:$0x5] =	wrdreg s0  }
.LBB2_9:
0x17: {  	_ = 	snop  }
.LBB2_14:
0x18: {  	p2 =	por p4, !p1  }
0x19: {  	p1 =	sge.s32 s1, s11;
	s0 =	simm.s32 @!p2 $0x6800  }
0x1a: {  	[tilespmem:s0], [sflag:$0x2] =	stream.indirect.gather @!p2 [hbm4b:s5+s12], $0x80, s2, s12, $0xb8;
	[tilespmem:$0x1E400] =	vst v63  }
0x1b: {  	s0 =	simm.s32 @!p1 $0x1  }
0x1c: {  	s1 =	sadd.s32 @!p1 $0x1, s30;
	_ =	swait.ge @!p1 [sflag:s0], $0x4000  }
0x1d: {  	p2 =	sge.s32 @!p1 s1, s11;
	s1 =	simm.s32 @!p1 $0x3;
	[sflag:s0] =	ssyncset.done @!p1 $0x0  }
0x1e: {  	s2 =	simm.s32 @!p1 $0x2800;
	[sflag:s0] =	ssyncadd.s32 @!p1 $0xFFFFC000;
	s0 =	simm.s32 @!p1 $0x80  }
0x1f: {  	[spmem:s3] =	stream.indirect.scatter.add.f32 @!p1 [tilespmem:s2], [sflag:$0x3], $0x80, s29, s0, $0xb8;
	[tilespmem:$0x1E400] =	vst v63  }
0x20: {  	p3 =	por p2, p1;
	_ =	swait.ge @!p1 [sflag:s1], $0x4000  }
0x21: {  	p2 =	sge.s32 s30, s11;
	s0 =	simm.s32 @!p3 $0x2800;
	[sflag:s1] =	ssyncset.done @!p1 $0x0  }
0x22: {  	s2 =	simm.s32 @!p2 $0x2;
	[sflag:s1] =	ssyncadd.s32 @!p1 $0xFFFFC000;
	s1 =	simm.s32 @!p3 $0x80  }
0x23: {  	[tilespmem:s0], [sflag:$0x1] =	stream.indirect.gather @!p3 [hbm4b:s5+s1], $0x80, s28, s1, $0xb8;
	[tilespmem:$0x1E400] =	vst v63  }
0x24: {  	_ =	swait.ge @!p2 [sflag:s2], $0x4000  }
0x25: {  	s12 =	simm.s32 @!p2 $0x6800;
	s0 =	simm.s32 @!p2 $0x3;
	[sflag:s2] =	ssyncset.done @!p2 $0x0  }
0x26: {  	s1 =	simm.s32 @!p2 $0x80;
	[sflag:s2] =	ssyncadd.s32 @!p2 $0xFFFFC000;
	s2 =	sadd.s32 @!p2 $0x80, s29  }
0x27: {  	[spmem:s3] =	stream.indirect.scatter.add.f32 @!p2 [tilespmem:s12], [sflag:$0x3], $0x80, s2, s1, $0xb8;
	[tilespmem:$0x1E400] =	vst v63  }
0x28: {  	s1 =	sadd.s32 @!p2 $0x2, s30;
	_ =	swait.ge @!p2 [sflag:s0], $0x4000  }
0x29: {  	p1 =	sge.s32 @!p2 s1, s11;
	[sflag:s0] =	ssyncset.done @!p2 $0x0  }
0x2a: {  	p1 =	por p1, p2;
	[sflag:s0] =	ssyncadd.s32 @!p2 $0xFFFFC000  }
0x2b: {  	s0 =	sadd.s32 @!p1 $0x80, s28;
	s1 =	simm.s32 @!p1 $0x80;
	s2 =	simm.s32 @!p1 $0x6800  }
0x2c: {  	[tilespmem:s2], [sflag:$0x2] =	stream.indirect.gather @!p1 [hbm4b:s5+s1], $0x80, s0, s1, $0xb8;
	[tilespmem:$0x1E400] =	vst v63  }
.LBB2_15:
0x2d: {  	s25 =	sadd.s32 $0x1, s25  }
0x2e: {  	p1 =	sne.s32 s25, s15  }
.Ltmp1:
0x2f: {  	[bflag:$0x0] =	sbarrier.arrive $0xFFFF;
	(pc) =	sbr.rel @!p1 .LBB2_16-.Ltmp1, $4  }
0x30: {  	[hbm:s14], [sflag:s7] =	dma.local [spmem:s18], $0x2780  }
0x31: {  	_ =	swait.ge [sflag:s23], $0x2780  }
0x32: {  	[sflag:s23] =	ssyncset.done $0x0  }
0x33: {  	[sflag:s23] =	ssyncadd.s32 $0xFFFFD880  }
.LBB2_1:
0x34: {  	[spmem:s18], [sflag:s7] =	dma.local [hbm:s6], $0x2780  }
0x35: {  	_ =	swait.ge [sflag:s23], $0x2780  }
0x36: {  	[sflag:s23] =	ssyncset.done $0x0  }
0x37: {  	[sflag:s23] =	ssyncadd.s32 $0xFFFFD880  }
0x38: {  	[bflag:$0x0] =	sbarrier.arrive $0xFFFF  }
0x39: {  	[tilespmem:s4], [sflag:$0x3] =	stream.linear.gather [hbm4b:s9+s4], $0x1400, $0x38;
	[tilespmem:$0x1E400] =	vst v63  }
0x3a: {  	_ =	swait.ge [sflag:s23], $0x1400  }
0x3b: {  	[sflag:s23] =	ssyncset.done $0x0  }
0x3c: {  	s0 =	simm.s32 $0x1400;
	[sflag:s23] =	ssyncadd.s32 $0xFFFFEC00  }
0x3d: {  	[tilespmem:s0], [sflag:$0x3] =	stream.linear.gather [hbm4b:s10+s4], $0x1400, $0x38;
	[tilespmem:$0x1E400] =	vst v63  }
0x3e: {  	s0 =	sadd.s32 $0xFFFFFFFF, s16  }
0x3f: {  	_ =	swait.ge [sflag:s23], $0x1400;
	p2 =	sne.s32 s0, $0x0  }
.Ltmp2:
0x40: {  	[sflag:s23] =	ssyncset.done $0x0;
	(pc) =	sbr.rel @!p2 .LBB2_2-.Ltmp2, $4  }
0x41: {  	s30 =	simm.s32 $0x180;
	[sflag:s23] =	ssyncadd.s32 $0xFFFFEC00  }
0x42: {  	[tilespmem:s21], [sflag:$0x1] =	stream.indirect.gather [hbm4b:s5+s20], $0x80, s4, s20, $0xb8;
	[tilespmem:$0x1E400] =	vst v63  }
0x43: {  	s28 =	simm.s32 $0x1480;
	s1 =	simm.s32 $0x0;
	p1 =	por $0x0, $0x0  }
0x44: {  	[tilespmem:s22], [sflag:$0x2] =	stream.indirect.gather [hbm4b:s5+s20], $0x80, s20, s20, $0xb8;
	[tilespmem:$0x1E400] =	vst v63  }
0x45: {  	p1 =	sle.u32 s8, $0x0  }
0x46: {  	s0 =	sadd.s32 $0xFFFFFFFF, s0;
	s29 =	simm.s32 $0x280;
	s1 =	simm.s32 @!p1 $0x1  }
0x47: {  	s31 =	simm.s32 $0x5;
	p2 =	sle.u32 @!p1 s8, $0x2;
	_ =	swait.ge @!p1 [sflag:s1], $0x4000  }
0x48: {  	s2 =	simm.s32 @!p1 $0x2800;
	s12 =	simm.s32 @!p1 $0x3;
	[sflag:s1] =	ssyncset.done @!p1 $0x0  }
0x49: {  	s13 =	simm.s32 @!p1 $0x80;
	[sflag:s1] =	ssyncadd.s32 @!p1 $0xFFFFC000;
	s1 =	simm.s32 @!p1 $0x1400  }
0x4a: {  	[spmem:s3] =	stream.indirect.scatter.add.f32 @!p1 [tilespmem:s2], [sflag:$0x3], $0x80, s1, s13, $0xb8;
	[tilespmem:$0x1E400] =	vst v63  }
0x4b: {  	p4 =	sne.s32 s0, $0x0;
	p3 =	por p2, p1;
	_ =	swait.ge @!p1 [sflag:s12], $0x4000  }
0x4c: {  	p2 =	sle.u32 s8, $0x1;
	s1 =	simm.s32 @!p3 $0x80;
	[sflag:s12] =	ssyncset.done @!p1 $0x0  }
0x4d: {  	s2 =	simm.s32 @!p3 $0x2800;
	[sflag:s12] =	ssyncadd.s32 @!p1 $0xFFFFC000;
	s12 =	simm.s32 @!p3 $0x100  }
0x4e: {  	[tilespmem:s2], [sflag:$0x1] =	stream.indirect.gather @!p3 [hbm4b:s5+s1], $0x80, s12, s1, $0xb8;
	[tilespmem:$0x1E400] =	vst v63  }
0x4f: {  	s17 =	simm.s32 @!p2 $0x80;
	s13 =	simm.s32 @!p2 $0x6800;
	s12 =	simm.s32 @!p2 $0x2  }
0x50: {  	p1 =	sle.u32 @!p2 s8, $0x3;
	s2 =	simm.s32 $0x5;
	_ =	swait.ge @!p2 [sflag:s12], $0x4000  }
.Ltmp3:
0x51: {  	s1 =	simm.s32 $0x2;
	[sflag:s12] =	ssyncset.done @!p2 $0x0;
	(pc) =	sbr.rel @!p4 .LBB2_4-.Ltmp3, $4  }
0x52: {  	p3 =	por p1, p2;
	[sflag:s12] =	ssyncadd.s32 @!p2 $0xFFFFC000;
	s12 =	simm.s32 @!p2 $0x3  }
0x53: {  	[spmem:s3] =	stream.indirect.scatter.add.f32 @!p2 [tilespmem:s13], [sflag:$0x3], $0x80, s28, s17, $0xb8;
	[tilespmem:$0x1E400] =	vst v63  }
0x54: {  	p1 =	por $0x1, $0x1;
	s28 =	simm.s32 $0x1580;
	_ =	swait.ge @!p2 [sflag:s12], $0x4000  }
0x55: {  	s13 =	simm.s32 @!p3 $0x80;
	s17 =	simm.s32 @!p3 $0x6800;
	[sflag:s12] =	ssyncset.done @!p2 $0x0  }
.LBB2_5:
0x56: {  	p4 =	sge.u32 s1, s8;
	s19 =	sadd.s32 $0x2, s2  }
0x57: {  	[sflag:s12] =	ssyncadd.s32 @!p2 $0xFFFFC000;
	s1 =	smov.u32 s30;
	s30 =	smov.u32 s29  }
0x58: {  	s0 =	sadd.s32 $0xFFFFFFFF, s0;
	s24 =	sadd.s32 $0x100, s29;
	s26 =	sadd.s32 $0x100, s28  }
0x59: {  	[tilespmem:s17], [sflag:$0x2] =	stream.indirect.gather @!p3 [hbm4b:s5+s13], $0x80, s1, s13, $0xb8;
	[tilespmem:$0x1E400] =	vst v63  }
0x5a: {  	s1 =	sadd.s32 $0xFFFFFFFD, s19;
	s2 =	simm.s32 @!p4 $0x1;
	s12 =	sadd.s32 @!p4 $0xFFFFFFFF, s31  }
0x5b: {  	s13 =	simm.s32 @!p4 $0x3;
	p2 =	sge.u32 @!p4 s12, s8;
	_ =	swait.ge @!p4 [sflag:s2], $0x4000  }
0x5c: {  	s17 =	simm.s32 @!p4 $0x80;
	s12 =	simm.s32 @!p4 $0x2800;
	[sflag:s2] =	ssyncset.done @!p4 $0x0  }
0x5d: {  	p3 =	por p2, p4;
	[sflag:s2] =	ssyncadd.s32 @!p4 $0xFFFFC000;
	s2 =	sadd.s32 @!p4 $0xFFFFFF80, s28  }
0x5e: {  	[spmem:s3] =	stream.indirect.scatter.add.f32 @!p4 [tilespmem:s12], [sflag:$0x3], $0x80, s2, s17, $0xb8;
	[tilespmem:$0x1E400] =	vst v63  }
0x5f: {  	s2 =	sadd.s32 $0xFFFFFFFE, s31;
	s12 =	simm.s32 @!p3 $0x80;
	_ =	swait.ge @!p4 [sflag:s13], $0x4000  }
0x60: {  	s17 =	simm.s32 @!p3 $0x2800;
	p2 =	sge.u32 s2, s8;
	[sflag:s13] =	ssyncset.done @!p4 $0x0  }
0x61: {  	s2 =	simm.s32 @!p2 $0x2;
	[sflag:s13] =	ssyncadd.s32 @!p4 $0xFFFFC000;
	s13 =	sadd.s32 @!p3 $0xFFFFFF80, s29  }
0x62: {  	[tilespmem:s17], [sflag:$0x1] =	stream.indirect.gather @!p3 [hbm4b:s5+s12], $0x80, s13, s12, $0xb8;
	[tilespmem:$0x1E400] =	vst v63  }
0x63: {  	p4 =	sne.s32 s0, $0x0;
	s29 =	smov.u32 s24;
	p3 =	sge.u32 @!p2 s31, s8  }
0x64: {  	s13 =	simm.s32 @!p2 $0x6800;
	p3 =	por p3, p2;
	_ =	swait.ge @!p2 [sflag:s2], $0x4000  }
.Ltmp4:
0x65: {  	s17 =	simm.s32 @!p2 $0x80;
	[sflag:s2] =	ssyncset.done @!p2 $0x0;
	(pc) =	sbr.rel @p4 .LBB2_5-.Ltmp4, $4  }
0x66: {  	s12 =	simm.s32 @!p2 $0x3;
	s31 =	smov.u32 s19;
	[sflag:s2] =	ssyncadd.s32 @!p2 $0xFFFFC000  }
0x67: {  	[spmem:s3] =	stream.indirect.scatter.add.f32 @!p2 [tilespmem:s13], [sflag:$0x3], $0x80, s28, s17, $0xb8;
	[tilespmem:$0x1E400] =	vst v63  }
0x68: {  	s2 =	smov.u32 s19;
	s13 =	simm.s32 @!p3 $0x80;
	_ =	swait.ge @!p2 [sflag:s12], $0x4000  }
0x69: {  	s17 =	simm.s32 @!p3 $0x6800;
	s28 =	smov.u32 s26;
	[sflag:s12] =	ssyncset.done @!p2 $0x0  }
0x6a: {  	s2 =	smov.u32 s19;
	s29 =	smov.u32 s24;
	s28 =	smov.u32 s26  }
.LBB2_7:
0x6b: {  	p4 =	sge.u32 s1, s8;
	p2 =	por p2, !p1  }
0x6c: {  	s0 =	smov.u32 @p1 s30;
	p1 =	por p3, !p1;
	[sflag:s12] =	ssyncadd.s32 @!p2 $0xFFFFC000  }
0x6d: {  	[tilespmem:s17], [sflag:$0x2] =	stream.indirect.gather @!p1 [hbm4b:s5+s13], $0x80, s0, s13, $0xb8;
	[tilespmem:$0x1E400] =	vst v63  }
0x6e: {  	s30 =	sadd.s32 $0xFFFFFFFE, s31;
	s0 =	simm.s32 @!p4 $0x1  }
0x6f: {  	s1 =	sadd.s32 @!p4 $0xFFFFFFFF, s31;
	s12 =	simm.s32 @!p4 $0x3;
	_ =	swait.ge @!p4 [sflag:s0], $0x4000  }
0x70: {  	p1 =	sge.u32 @!p4 s1, s8;
	s1 =	simm.s32 @!p4 $0x2800;
	[sflag:s0] =	ssyncset.done @!p4 $0x0  }
0x71: {  	s13 =	simm.s32 @!p4 $0x80;
	[sflag:s0] =	ssyncadd.s32 @!p4 $0xFFFFC000;
	s0 =	sadd.s32 @!p4 $0xFFFFFF80, s28  }
0x72: {  	[spmem:s3] =	stream.indirect.scatter.add.f32 @!p4 [tilespmem:s1], [sflag:$0x3], $0x80, s0, s13, $0xb8;
	[tilespmem:$0x1E400] =	vst v63  }
0x73: {  	p2 =	por p1, p4;
	p1 =	sge.u32 s30, s8;
	_ =	swait.ge @!p4 [sflag:s12], $0x4000  }
0x74: {  	s1 =	simm.s32 @!p2 $0x80;
	s13 =	simm.s32 @!p2 $0x2800;
	[sflag:s12] =	ssyncset.done @!p4 $0x0  }
0x75: {  	s0 =	simm.s32 @!p1 $0x2;
	[sflag:s12] =	ssyncadd.s32 @!p4 $0xFFFFC000;
	s12 =	sadd.s32 @!p2 $0xFFFFFF80, s29  }
0x76: {  	[tilespmem:s13], [sflag:$0x1] =	stream.indirect.gather @!p2 [hbm4b:s5+s1], $0x80, s12, s1, $0xb8;
	[tilespmem:$0x1E400] =	vst v63  }
0x77: {  	_ =	swait.ge @!p1 [sflag:s0], $0x4000  }
0x78: {  	s1 =	simm.s32 @!p1 $0x6800;
	s12 =	simm.s32 @!p1 $0x80;
	[sflag:s0] =	ssyncset.done @!p1 $0x0  }
0x79: {  	p2 =	sge.u32 @!p1 s31, s8;
	[sflag:s0] =	ssyncadd.s32 @!p1 $0xFFFFC000;
	s0 =	simm.s32 @!p1 $0x3  }
0x7a: {  	[spmem:s3] =	stream.indirect.scatter.add.f32 @!p1 [tilespmem:s1], [sflag:$0x3], $0x80, s28, s12, $0xb8;
	[tilespmem:$0x1E400] =	vst v63  }
0x7b: {  	p2 =	por p2, p1;
	s1 =	sadd.s32 $0x2, s2;
	_ =	swait.ge @!p1 [sflag:s0], $0x4000  }
0x7c: {  	s2 =	simm.s32 @!p2 $0x80;
	s31 =	sadd.s32 $0xFFFFFFFD, s1;
	[sflag:s0] =	ssyncset.done @!p1 $0x0  }
0x7d: {  	s12 =	simm.s32 @!p2 $0x6800;
	[sflag:s0] =	ssyncadd.s32 @!p1 $0xFFFFC000;
	p1 =	sge.s32 s31, s8  }
0x7e: {  	[tilespmem:s12], [sflag:$0x2] =	stream.indirect.gather @!p2 [hbm4b:s5+s2], $0x80, s29, s2, $0xb8;
	[tilespmem:$0x1E400] =	vst v63  }
0x7f: {  	s0 =	simm.s32 @!p1 $0x1  }
0x80: {  	_ =	swait.ge @!p1 [sflag:s0], $0x4000  }
0x81: {  	s2 =	simm.s32 @!p1 $0x80;
	[sflag:s0] =	ssyncset.done @!p1 $0x0  }
0x82: {  	s12 =	simm.s32 @!p1 $0x2800;
	[sflag:s0] =	ssyncadd.s32 @!p1 $0xFFFFC000;
	s0 =	sadd.s32 @!p1 $0x80, s26  }
0x83: {  	[spmem:s3] =	stream.indirect.scatter.add.f32 @!p1 [tilespmem:s12], [sflag:$0x3], $0x80, s0, s2, $0xb8;
	[tilespmem:$0x1E400] =	vst v63  }
0x84: {  	s0 =	simm.s32 @!p1 $0x3  }
0x85: {  	s2 =	sadd.s32 @!p1 $0xFFFFFFFF, s1;
	_ =	swait.ge @!p1 [sflag:s0], $0x4000  }
0x86: {  	p2 =	sge.s32 @!p1 s2, s8;
	[sflag:s0] =	ssyncset.done @!p1 $0x0  }
0x87: {  	[sflag:s0] =	ssyncadd.s32 @!p1 $0xFFFFC000;
	p1 =	por p2, p1  }
0x88: {  	s0 =	sadd.s32 @!p1 $0x80, s24;
	s2 =	simm.s32 @!p1 $0x80;
	s12 =	simm.s32 @!p1 $0x2800  }
0x89: {  	[tilespmem:s12], [sflag:$0x1] =	stream.indirect.gather @!p1 [hbm4b:s5+s2], $0x80, s0, s2, $0xb8;
	[tilespmem:$0x1E400] =	vst v63  }
0x8a: {  	p1 =	sge.s32 s19, s8  }
0x8b: {  	s0 =	simm.s32 @!p1 $0x2  }
0x8c: {  	_ =	swait.ge @!p1 [sflag:s0], $0x4000  }
0x8d: {  	s2 =	sadd.s32 $0x100, s28;
	[sflag:s0] =	ssyncset.done @!p1 $0x0  }
0x8e: {  	s12 =	simm.s32 @!p1 $0x6800;
	[sflag:s0] =	ssyncadd.s32 @!p1 $0xFFFFC000;
	s0 =	simm.s32 @!p1 $0x80  }
0x8f: {  	[spmem:s3] =	stream.indirect.scatter.add.f32 @!p1 [tilespmem:s12], [sflag:$0x3], $0x80, s2, s0, $0xb8;
	[tilespmem:$0x1E400] =	vst v63  }
.Ltmp5:
0x90: {  	s0 =	simm.s32 @!p1 $0x3;
	(pc) =	sbr.rel @p0 .LBB2_15-.Ltmp5, $4  }
0x91: {  	p2 =	sge.s32 @!p1 s1, s8;
	_ =	swait.ge @!p1 [sflag:s0], $0x4000  }
0x92: {  	s1 =	sadd.s32 $0x100, s29;
	p2 =	por p2, p1;
	[sflag:s0] =	ssyncset.done @!p1 $0x0  }
0x93: {  	s2 =	simm.s32 @!p2 $0x6800;
	[sflag:s0] =	ssyncadd.s32 @!p1 $0xFFFFC000;
	s0 =	simm.s32 @!p2 $0x80  }
0x94: {  	[tilespmem:s2], [sflag:$0x2] =	stream.indirect.gather @!p2 [hbm4b:s5+s0], $0x80, s1, s0, $0xb8;
	[tilespmem:$0x1E400] =	vst v63  }
0x95: {  	s0 =	rddreg [dreg:$0x3]  }
0x96: {  	[tilespmem:s4], [sflag:$0x3] =	stream.linear.gather [hbm4b:s0+s4], $0x1400, $0x38;
	[tilespmem:$0x1E400] =	vst v63  }
0x97: {  	_ =	swait.ge [sflag:s23], $0x1400  }
0x98: {  	[sflag:s23] =	ssyncset.done $0x0  }
0x99: {  	s29 =	simm.s32 $0x1400;
	s17 =	rddreg [dreg:$0x4];
	[sflag:s23] =	ssyncadd.s32 $0xFFFFEC00  }
0x9a: {  	[tilespmem:s29], [sflag:$0x3] =	stream.linear.gather [hbm4b:s17+s4], $0x1400, $0x38;
	[tilespmem:$0x1E400] =	vst v63  }
0x9b: {  	_ =	swait.ge [sflag:s23], $0x1400  }
0x9c: {  	s31 =	rddreg [dreg:$0x5]  }
0x9d: {  	s0 =	sadd.s32 $0x1, s31  }
0x9e: {  	p2 =	seq.s32 s0, $0x0  }
.Ltmp6:
0x9f: {  	[sflag:s23] =	ssyncset.done $0x0;
	(pc) =	sbr.rel @p2 .LBB2_9-.Ltmp6, $4  }
0xa0: {  	s28 =	simm.s32 $0x100;
	[sflag:s23] =	ssyncadd.s32 $0xFFFFEC00  }
0xa1: {  	[tilespmem:s21], [sflag:$0x1] =	stream.indirect.gather [hbm4b:s5+s20], $0x80, s4, s20, $0xb8;
	[tilespmem:$0x1E400] =	vst v63  }
0xa2: {  	s30 =	simm.s32 $0x1;
	s1 =	simm.s32 $0x0;
	p1 =	por $0x0, $0x0  }
0xa3: {  	[tilespmem:s22], [sflag:$0x2] =	stream.indirect.gather [hbm4b:s5+s20], $0x80, s20, s20, $0xb8;
	[tilespmem:$0x1E400] =	vst v63  }
0xa4: {  	p2 =	sle.s32 s11, $0x0  }
0xa5: {  	s30 =	simm.s32 $0x3;
	s1 =	simm.s32 @!p2 $0x1  }
0xa6: {  	p1 =	sle.s32 @!p2 s11, $0x2;
	s2 =	simm.s32 @!p2 $0x3;
	_ =	swait.ge @!p2 [sflag:s1], $0x4000  }
0xa7: {  	s12 =	simm.s32 @!p2 $0x2800;
	p3 =	por p1, p2;
	[sflag:s1] =	ssyncset.done @!p2 $0x0  }
0xa8: {  	p1 =	sle.s32 s11, $0x1;
	[sflag:s1] =	ssyncadd.s32 @!p2 $0xFFFFC000;
	s1 =	simm.s32 @!p2 $0x80  }
0xa9: {  	[spmem:s3] =	stream.indirect.scatter.add.f32 @!p2 [tilespmem:s12], [sflag:$0x3], $0x80, s29, s1, $0xb8;
	[tilespmem:$0x1E400] =	vst v63  }
0xaa: {  	s0 =	sadd.s32 $0x1, s0;
	s13 =	simm.s32 @!p1 $0x6800;
	_ =	swait.ge @!p2 [sflag:s2], $0x4000  }
0xab: {  	s1 =	simm.s32 @!p3 $0x2800;
	s12 =	simm.s32 @!p1 $0x2;
	[sflag:s2] =	ssyncset.done @!p2 $0x0  }
0xac: {  	s29 =	simm.s32 $0x1500;
	[sflag:s2] =	ssyncadd.s32 @!p2 $0xFFFFC000;
	s2 =	simm.s32 @!p3 $0x80  }
0xad: {  	[tilespmem:s1], [sflag:$0x1] =	stream.indirect.gather @!p3 [hbm4b:s5+s2], $0x80, s28, s2, $0xb8;
	[tilespmem:$0x1E400] =	vst v63  }
0xae: {  	p2 =	seq.s32 s0, $0x0;
	s2 =	simm.s32 @!p1 $0x3;
	_ =	swait.ge @!p1 [sflag:s12], $0x4000  }
0xaf: {  	s1 =	simm.s32 @!p1 $0x80;
	p3 =	sle.s32 @!p1 s11, $0x3;
	[sflag:s12] =	ssyncset.done @!p1 $0x0  }
.Ltmp7:
0xb0: {  	[sflag:s12] =	ssyncadd.s32 @!p1 $0xFFFFC000;
	s12 =	simm.s32 @!p1 $0x1480;
	(pc) =	sbr.rel @p2 .LBB2_11-.Ltmp7, $4  }
0xb1: {  	[spmem:s3] =	stream.indirect.scatter.add.f32 @!p1 [tilespmem:s13], [sflag:$0x3], $0x80, s12, s1, $0xb8;
	[tilespmem:$0x1E400] =	vst v63  }
0xb2: {  	s28 =	simm.s32 $0x200;
	p4 =	por p3, p1;
	_ =	swait.ge @!p1 [sflag:s2], $0x4000  }
0xb3: {  	s1 =	simm.s32 $0x2;
	s12 =	simm.s32 @!p4 $0x80;
	[sflag:s2] =	ssyncset.done @!p1 $0x0  }
0xb4: {  	[sflag:s2] =	ssyncadd.s32 @!p1 $0xFFFFC000;
	s2 =	simm.s32 @!p4 $0x180;
	p1 =	por $0x1, $0x1  }
.LBB2_12:
0xb5: {  	p3 =	sge.s32 s1, s11;
	s1 =	simm.s32 @!p4 $0x6800  }
0xb6: {  	s13 =	smov.u32 s30;
	s30 =	sadd.s32 $0x2, s30;
	s17 =	smov.u32 s28  }
0xb7: {  	[tilespmem:s1], [sflag:$0x2] =	stream.indirect.gather @!p4 [hbm4b:s5+s12], $0x80, s2, s12, $0xb8;
	[tilespmem:$0x1E400] =	vst v63  }
0xb8: {  	s1 =	sadd.s32 $0xFFFFFFFF, s30;
	s2 =	simm.s32 @!p3 $0x1;
	s12 =	sadd.s32 @!p3 $0x1, s13  }
0xb9: {  	s0 =	sadd.s32 $0x1, s0;
	p2 =	sge.s32 @!p3 s12, s11;
	_ =	swait.ge @!p3 [sflag:s2], $0x4000  }
0xba: {  	s12 =	simm.s32 @!p3 $0x3;
	p4 =	por p2, p3;
	[sflag:s2] =	ssyncset.done @!p3 $0x0  }
0xbb: {  	s31 =	simm.s32 @!p3 $0x2800;
	[sflag:s2] =	ssyncadd.s32 @!p3 $0xFFFFC000;
	s2 =	simm.s32 @!p3 $0x80  }
0xbc: {  	[spmem:s3] =	stream.indirect.scatter.add.f32 @!p3 [tilespmem:s31], [sflag:$0x3], $0x80, s29, s2, $0xb8;
	[tilespmem:$0x1E400] =	vst v63  }
0xbd: {  	p2 =	seq.s32 s0, $0x0;
	_ =	swait.ge @!p3 [sflag:s12], $0x4000  }
0xbe: {  	p5 =	sge.s32 s13, s11;
	s2 =	simm.s32 @!p4 $0x2800;
	[sflag:s12] =	ssyncset.done @!p3 $0x0  }
0xbf: {  	s31 =	simm.s32 @!p5 $0x2;
	[sflag:s12] =	ssyncadd.s32 @!p3 $0xFFFFC000;
	s12 =	simm.s32 @!p4 $0x80  }
0xc0: {  	[tilespmem:s2], [sflag:$0x1] =	stream.indirect.gather @!p4 [hbm4b:s5+s12], $0x80, s28, s12, $0xb8;
	[tilespmem:$0x1E400] =	vst v63  }
0xc1: {  	s2 =	simm.s32 @!p5 $0x3;
	s12 =	sadd.s32 @!p5 $0x2, s13;
	_ =	swait.ge @!p5 [sflag:s31], $0x4000  }
0xc2: {  	s21 =	simm.s32 @!p5 $0x6800;
	s13 =	simm.s32 @!p5 $0x80;
	[sflag:s31] =	ssyncset.done @!p5 $0x0  }
.Ltmp8:
0xc3: {  	[sflag:s31] =	ssyncadd.s32 @!p5 $0xFFFFC000;
	s31 =	sadd.s32 @!p5 $0x80, s29;
	(pc) =	sbr.rel @!p2 .LBB2_12-.Ltmp8, $4  }
0xc4: {  	[spmem:s3] =	stream.indirect.scatter.add.f32 @!p5 [tilespmem:s21], [sflag:$0x3], $0x80, s31, s13, $0xb8;
	[tilespmem:$0x1E400] =	vst v63  }
0xc5: {  	s28 =	sadd.s32 $0x100, s28;
	p3 =	sge.s32 @!p5 s12, s11;
	_ =	swait.ge @!p5 [sflag:s2], $0x4000  }
0xc6: {  	p4 =	por p3, p5;
	s29 =	sadd.s32 $0x100, s29;
	[sflag:s2] =	ssyncset.done @!p5 $0x0  }
0xc7: {  	s12 =	simm.s32 @!p4 $0x80;
	[sflag:s2] =	ssyncadd.s32 @!p5 $0xFFFFC000;
	s2 =	sadd.s32 @!p4 $0x80, s17  }
.Ltmp9:
0xc8: {  	(pc) =	sbr.rel .LBB2_14-.Ltmp9, $2  }
0xc9: {  	_ =	sdelay $0x2  }
0xca: {  	s21 =	simm.s32 $0x2800  }
.LBB2_2:
.Ltmp10:
0xcb: {  	(pc) =	sbr.rel .LBB2_7-.Ltmp10, $2  }
0xcc: {  	_ =	sdelay $0x2  }
0xcd: {  	s2 =	simm.s32 $0x3;
	s29 =	simm.s32 $0x180;
	s31 =	simm.s32 $0x3  }
.LBB2_4:
.Ltmp11:
0xce: {  	(pc) =	sbr.rel .LBB2_7-.Ltmp11, $2  }
0xcf: {  	_ =	sdelay $0x2  }
0xd0: {  	s31 =	simm.s32 $0x5  }
.LBB2_11:
.Ltmp12:
0xd1: {  	(pc) =	sbr.rel .LBB2_14-.Ltmp12, $2  }
0xd2: {  	_ =	sdelay $0x2  }
0xd3: {  	s21 =	simm.s32 $0x2800  }
.LBB2_16:
0xd4: {  	_ =	sfence.sel $0x180000  }
0xd5: {  	[bflag:$0x0] =	sbarrier.arrive $0xFFFF  }
0xd6: {  	_ =	strace $0x9000004A  }
0xd7: {  	s0 =	stileid.u32;
	[bflag:$0x2] =	sbarrier.arrive $0xFFFF  }
0xd8: {  	p0 =	sne.s32 s0, $0x0;
	s0 =	rddreg [dreg:$0x2]  }
0xd9: {  	s0 =	sadd.s32 @!p0 $0x100000, s0  }
0xda: {  	[sflag:s0] =	ssyncadd.tile.s32 @!p0 $0x1;
	_ =	shalt  }
.Lfunc_end2:
_tile_overlayer_lowered:
.L_overlay_start_2:
0xdb: {  	(tag) =	ssettag $0x2  }
0xdc: {  	s0 =	rddreg [dreg:$0x0];
	s2 =	stileid.u32  }
0xdd: {  	s1 =	rddreg [dreg:$0x1];
	p0 =	sne.s32 s2, $0x0  }
0xde: {  	s3 =	rddreg [dreg:$0x2];
	[bflag:$0x3] =	sbarrier.arrive $0xFFFF;
	s2 =	simm.s32 @!p0 $0x1C03  }
0xdf: {  	[timem:s3], [sflag:s2] =	dma.local @!p0 [hbm:s0], s1  }
0xe0: {  	s0 =	simm.s32 @!p0 $0x3  }
0xe1: {  	_ =	swait.ge @!p0 [sflag:s0], s1  }
0xe2: {  	s1 =	ssub.s32 @!p0 $0x0, s1;
	[sflag:s0] =	ssyncset.done @!p0 $0x0  }
0xe3: {  	[sflag:s0] =	ssyncadd.s32 @!p0 s1  }
0xe4: {  	[bflag:$0x3] =	sbarrier.arrive $0xFFFF  }
0xe5: {  	_ =	shalt  }

// kernel: kernel.7.cloned.1.call-start
scs
__scs_entry_jumppad:
0x0: {  	(pc) =	sbr.rel $0x88, $3  }
0x1: {  	(tag) =	ssettag $0x0;
	lr =	simm.s32 $0x1  }
0x2: {  	[smem:$0x3F94] =	sst lr;
	_ =	strace $0xD0000000  }
0x3: {  	_ = 	snop  }
0x4: {  	_ = 	snop  }
0x5: {  	_ = 	snop  }
0x6: {  	_ = 	snop  }
0x7: {  	_ = 	snop  }
__scs_overlays_trampoline_lowered:
0x8: {  	[smem:$0x3FA3] =	sst s0  }
0x9: {  	[smem:$0x3FA4] =	sst s1  }
0xa: {  	[smem:$0x3FA5] =	sst s2  }
0xb: {  	[smem:$0x3FA6] =	sst s3  }
0xc: {  	[smem:$0x3FA7] =	sst s4  }
0xd: {  	[smem:$0x3FA8] =	sst s5  }
0xe: {  	[smem:$0x3FA9] =	sst s6  }
0xf: {  	[smem:$0x3FAA] =	sst s7  }
0x10: {  	[smem:$0x3FAB] =	sst s8  }
0x11: {  	[smem:$0x3FAC] =	sst s9;
	s0 =	simm.s32 @!p0 $0x0  }
0x12: {  	s1 =	sld [smem:$0x3F92];
	s0 =	simm.s32 @p0 $0x1  }
0x13: {  	[smem:$0x3FAD] =	sst s0;
	s0 =	simm.s32 @!p1 $0x0  }
0x14: {  	s2 =	sld [smem:$0x3F91];
	s0 =	simm.s32 @p1 $0x1  }
0x15: {  	[smem:$0x3FAE] =	sst s0;
	s0 =	simm.s32 @!p2 $0x0  }
0x16: {  	s3 =	sld [smem:$0x3FDB];
	s0 =	simm.s32 @p2 $0x1  }
0x17: {  	s4 =	simm.s32 $0x1BF5;
	[smem:$0x3FB0] =	sst s0  }
0x18: {  	s0 =	sld [smem:$0x3F93];
	_ =	swait.ge [sflag:s4], $0x0  }
0x19: {  	s7 =	sld [smem:$0x3F94]  }
0x1a: {  	s8 =	sadd.s32 $0xFFFFE003, lr  }
0x1b: {  	s9 =	sadd.s32 $0xFFFFFEF7, lr;
	s5 =	simm.s32 $0xFFFFFFFF;
	p2 =	slt.u32 s8, $0xFFFFF086  }
0x1c: {  	p1 =	slt.u32 s9, $0xF7A;
	s5 =	simm.s32 @!p2 $0x0  }
0x1d: {  	s5 =	simm.s32 @p1 $0x1;
	p0 =	seq.s32 s7, s2  }
0x1e: {  	s7 =	smul.u32 @!p0 $0xF7A, s2;
	p2 =	seq.s32 @!p0 s5, $0x0  }
0x1f: {  	s9 =	smul.u32 $0xF7A, s1;
	s8 =	simm.s32 @!p0 $0x1BF5;
	p2 =	por !p2, p0  }
0x20: {  	[sflag:s8] =	ssyncset.s32 @!p0 $0xFFFFF086;
	s6 =	sadd.s32 @!p0 s3, s7;
	s7 =	simm.s32 @!p0 $0x108  }
0x21: {  	s3 =	sadd.s32 s3, s9;
	s6 =	sadd.s32 @!p0 $0x88, s6;
	s7 =	simm.s32 @p2 $0x1082  }
0x22: {  	[simem:s7], [sflag:s8] =	dma.local @!p0 [hbm:s6], $0xF7A  }
0x23: {  	s9 =	sor.u32 $0xD0000000, s2;
	s6 =	simm.s32 $0x108;
	_ =	swait.ge @!p0 [sflag:s8], $0x0  }
0x24: {  	s3 =	sadd.s32 $0x88, s3;
	s6 =	simm.s32 @!p1 $0x1082;
	[sflag:s4] =	ssyncset.s32 $0xFFFFF086  }
0x25: {  	[simem:s6], [sflag:s4] =	dma.local [hbm:s3], $0xF7A  }
0x26: {  	[smem:$0x3F94] =	sst s1;
	(tag) =	ssettag s2;
	_ =	strace s9  }
0x27: {  	s1 =	sld [smem:$0x3FA4]  }
0x28: {  	s2 =	sld [smem:$0x3FA5]  }
0x29: {  	s4 =	sld [smem:$0x3FA7]  }
0x2a: {  	p0 =	seq.s32 s5, $0x0;
	s5 =	sld [smem:$0x3FA8]  }
0x2b: {  	s6 =	sld [smem:$0x3FA9]  }
0x2c: {  	s7 =	sld [smem:$0x3FAA]  }
0x2d: {  	s3 =	simm.s32 $0x108;
	s8 =	sld [smem:$0x3FAB]  }
0x2e: {  	s3 =	simm.s32 @!p0 $0x1082;
	s9 =	sld [smem:$0x3FAC]  }
0x2f: {  	lr =	sadd.s32 s0, s3;
	s0 =	sld [smem:$0x3FA3]  }
0x30: {  	s3 =	sld [smem:$0x3FA6]  }
0x31: {  	[smem:$0x3FAF] =	sst s10  }
0x32: {  	s10 =	sld [smem:$0x3FAD];
	_ =	sdelay $0x3  }
0x33: {  	p0 =	seq.s32 s10, $0x1;
	s10 =	sld [smem:$0x3FAF];
	_ =	sdelay $0x3  }
0x34: {  	[smem:$0x3FAF] =	sst s10  }
0x35: {  	s10 =	sld [smem:$0x3FAE];
	_ =	sdelay $0x3  }
0x36: {  	p1 =	seq.s32 s10, $0x1;
	s10 =	sld [smem:$0x3FAF];
	_ =	sdelay $0x3  }
0x37: {  	[smem:$0x3FAF] =	sst s10  }
0x38: {  	s10 =	sld [smem:$0x3FB0]  }
0x39: {  	_ = 	snop;
	(pc) =	sbr.ind lr, $3  }
0x3a: {  	_ = 	snop  }
0x3b: {  	_ = 	snop  }
0x3c: {  	p2 =	seq.s32 s10, $0x1;
	s10 =	sld [smem:$0x3FAF]  }
0x3d: {  	_ =	shalt  }
0x3e: {  	_ =	shalt  }
0x3f: {  	_ =	shalt  }
0x40: {  	_ =	shalt  }
0x41: {  	_ =	shalt  }
0x42: {  	_ =	shalt  }
0x43: {  	_ =	shalt  }
0x44: {  	_ =	shalt  }
0x45: {  	_ =	shalt  }
0x46: {  	_ =	shalt  }
0x47: {  	_ =	shalt  }
0x48: {  	_ =	shalt  }
0x49: {  	_ =	shalt  }
0x4a: {  	_ =	shalt  }
0x4b: {  	_ =	shalt  }
0x4c: {  	_ =	shalt  }
0x4d: {  	_ =	shalt  }
0x4e: {  	_ =	shalt  }
0x4f: {  	_ =	shalt  }
0x50: {  	_ =	shalt  }
0x51: {  	_ =	shalt  }
0x52: {  	_ =	shalt  }
0x53: {  	_ =	shalt  }
0x54: {  	_ =	shalt  }
0x55: {  	_ =	shalt  }
0x56: {  	_ =	shalt  }
0x57: {  	_ =	shalt  }
0x58: {  	_ =	shalt  }
0x59: {  	_ =	shalt  }
0x5a: {  	_ =	shalt  }
0x5b: {  	_ =	shalt  }
0x5c: {  	_ =	shalt  }
0x5d: {  	_ =	shalt  }
0x5e: {  	_ =	shalt  }
0x5f: {  	_ =	shalt  }
0x60: {  	_ =	shalt  }
0x61: {  	_ =	shalt  }
0x62: {  	_ =	shalt  }
0x63: {  	_ =	shalt  }
0x64: {  	_ =	shalt  }
0x65: {  	_ =	shalt  }
0x66: {  	_ =	shalt  }
0x67: {  	_ =	shalt  }
0x68: {  	_ =	shalt  }
0x69: {  	_ =	shalt  }
0x6a: {  	_ =	shalt  }
0x6b: {  	_ =	shalt  }
0x6c: {  	_ =	shalt  }
0x6d: {  	_ =	shalt  }
0x6e: {  	_ =	shalt  }
0x6f: {  	_ =	shalt  }
0x70: {  	_ =	shalt  }
0x71: {  	_ =	shalt  }
0x72: {  	_ =	shalt  }
0x73: {  	_ =	shalt  }
0x74: {  	_ =	shalt  }
0x75: {  	_ =	shalt  }
0x76: {  	_ =	shalt  }
0x77: {  	_ =	shalt  }
0x78: {  	_ =	shalt  }
0x79: {  	_ =	shalt  }
0x7a: {  	_ =	shalt  }
0x7b: {  	_ =	shalt  }
0x7c: {  	_ =	shalt  }
0x7d: {  	_ =	shalt  }
0x7e: {  	_ =	shalt  }
0x7f: {  	_ =	shalt  }
0x80: {  	_ =	shalt  }
0x81: {  	_ =	shalt  }
0x82: {  	_ =	shalt  }
0x83: {  	_ =	shalt  }
0x84: {  	_ =	shalt  }
0x85: {  	_ =	shalt  }
0x86: {  	_ =	shalt  }
0x87: {  	_ =	shalt  }
.Lfunc_end0:
.L_simem_size_0:
called_computation_lowered:
.L_overlay_start_0:
0x88: {  	s2 =	sld [smem:$0x3FD9]  }
0x89: {  	s3 =	sld [smem:$0x3FFE];
	_ =	sdelay $0x1  }
0x8a: {  	s1 =	srdreg.scid  }
0x8b: {  	s0 =	sand.u32 $0x1, s1  }
0x8c: {  	s17 =	sshll.u32 s0, $0xA;
	s2 =	sadd.s32 s3, s2  }
0x8d: {  	s2 =	sadd.s32 s2, s17  }
0x8e: {  	[smem:$0x3FBB] =	sst s2  }
0x8f: {  	_ = 	snop  }
0x90: {  	s2 =	sld [smem:$0x3FC9];
	(tm) =	ssettm $0x1  }
0x91: {  	s18 =	sld [smem:$0x3FFB];
	_ =	sdelay $0x3  }
0x92: {  	_ =	strace s18  }
0x93: {  	s3 =	sld [smem:$0x3FFC];
	_ =	sdelay $0x3  }
0x94: {  	_ =	strace s3  }
0x95: {  	s3 =	sld [smem:$0x3FFD];
	_ =	sdelay $0x3  }
0x96: {  	_ =	strace s3  }
0x97: {  	_ =	strace $0x8FFFFFFF  }
0x98: {  	s19 =	sld [smem:$0x3FDB];
	_ =	sdelay $0x1  }
0x99: {  	s4 =	simm.s32 $_scs_section_size  }
0x9a: {  	s5 =	simm.s32 $_size__tile_overlayer_lowered;
	s6 =	simm.s32 $_tile_overlayer_lowered  }
0x9b: {  	s22 =	simm.s32 $0x1BFF;
	s21 =	sshll.u32 s6, $0x1;
	s3 =	sadd.s32 s4, s19  }
0x9c: {  	s7 =	simm.s32 $0x0;
	s20 =	sshll.u32 s5, $0x1;
	s5 =	sadd.s32 s21, s3  }
0x9d: {  	[timem:s7], [sflag:s22] =	dma.local [hbm:s5], s20  }
0x9e: {  	_ =	swait.ge [sflag:s22], s20  }
0x9f: {  	s4 =	ssub.s32 $0x0, s20;
	[sflag:s22] =	ssyncset.done $0x0  }
0xa0: {  	[sflag:s22] =	ssyncadd.s32 s4;
	_ =	sdelay $0x1  }
0xa1: {  	s23 =	simm.s32 $0x1B8B  }
0xa2: {  	_ =	swait.ge [sflag:s23], $0x1  }
0xa3: {  	[sflag:s23] =	ssyncset.done $0x0  }
0xa4: {  	s25 =	simm.s32 $0x1B8E;
	s24 =	sld [smem:$0x3FFE];
	[sflag:s23] =	ssyncadd.s32 $0xFFFFFFFF  }
0xa5: {  	s26 =	simm.s32 $execute0_lowered;
	[smem:$0x3FD2] =	sst s25  }
0xa6: {  	s5 =	sshll.u32 s26, $0x1;
	_ =	strace $0x80000046;
	[dreg:$0x1] =	wrdreg $0xFFFFFFFF  }
0xa7: {  	s28 =	simm.s32 $_size_execute0_lowered;
	s3 =	sadd.s32 s3, s5;
	[dreg:$0x0] =	wrdreg $0x0  }
0xa8: {  	s5 =	sshll.u32 s28, $0x1;
	[dreg:$0x2] =	wrdreg s3  }
0xa9: {  	[dreg:$0x3] =	wrdreg s5  }
0xaa: {  	[dreg:$0x4] =	wrdreg $0xC0  }
0xab: {  	_ =	task [dreg:s7], $0x5FFFF  }
0xac: {  	[dreg:$0x1] =	wrdreg $0xFFFFFFFF  }
0xad: {  	[dreg:$0x0] =	wrdreg $0x60  }
0xae: {  	[dreg:$0x2] =	wrdreg s2  }
0xaf: {  	[dreg:$0x3] =	wrdreg s24  }
0xb0: {  	[dreg:$0x4] =	wrdreg $0xA8000  }
0xb1: {  	[dreg:$0x5] =	wrdreg $0x9  }
0xb2: {  	_ =	task.clear_ibuf [dreg:s7], $0x6FFFF;
	_ =	strace $0x90000046  }
0xb3: {  	s29 =	simm.s32 $0x9;
	_ =	strace $0x80000048  }
0xb4: {  	_ =	swait.ge [sflag:s29], $0x1  }
0xb5: {  	[sflag:s29] =	ssyncadd.s32 $0xFFFFFFFF  }
0xb6: {  	_ =	strace $0x90000048  }
0xb7: {  	_ =	sfence  }
0xb8: {  	s30 =	sld [smem:$0x0];
	_ =	sdelay $0x2  }
0xb9: {  	s31 =	sshll.u32 s1, $0xD;
	s1 =	sshrl.u32 s1, $0x2  }
0xba: {  	s3 =	sand.u32 $0x4000, s31;
	s1 =	sadd.s32 s1, s30  }
0xbb: {  	s0 =	sor.u32 s3, s0;
	s1 =	sshll.u32 s1, $0x11  }
0xbc: {  	s0 =	sor.u32 s1, s0  }
0xbd: {  	s0 =	sadd.s32 $0x8F2B, s0  }
0xbe: {  	[sflag:s0] =	ssyncadd.remote.s32 $0x1  }
0xbf: {  	_ =	sfence.sel $0xFFFF  }
0xc0: {  	[dreg:$0x0] =	wrdreg $0xFFFFFFFF;
	(pc) =	sbr.abs _section_cstart, $3  }
0xc1: {  	[dreg:$0x1] =	wrdreg $0xFFFFFFFF  }
0xc2: {  	_ =	task.clear_ibuf [dreg:s7], $0x2FFFF;
	_ =	strace $0x9FFFFFFF  }
0xc3: {  	(tm) =	ssettm $0x7FFFFFFF  }
tec
execute0_lowered:
.L_overlay_start_1:
0x0: {  	(tag) =	ssettag $0x1  }
0x1: {  	s0 =	srdreg.scid  }
0x2: {  	s14 =	stileid.u32;
	s1 =	rddreg [dreg:$0x0]  }
0x3: {  	s3 =	rddreg [dreg:$0x1];
	s8 =	smul.u32 $0x13C00, s14  }
0x4: {  	s4 =	rddreg [dreg:$0x2];
	s5 =	simm.s32 $0x0;
	s10 =	smul.u32 $0x4F000, s14  }
0x5: {  	s20 =	simm.s32 $0x80;
	s0 =	sand.u32 $0x1, s0;
	s28 =	smul.u32 $0xFFFFFF60, s14  }
0x6: {  	s21 =	simm.s32 $0x2800;
	s2 =	sshll.u32 s14, $0x1;
	s7 =	smul.u32 $0x13C000, s0  }
0x7: {  	s2 =	sor.u32 s0, s2;
	s23 =	ssub.s32 $0x2, s0;
	s0 =	smul.u32 $0xFFFFFFB0, s0  }
0x8: {  	s22 =	simm.s32 $0x6800;
	[smem:$0x7FF] =	sst s5;
	s6 =	smul.u32 $0x2800, s2  }
0x9: {  	s29 =	sshll.u32 s14, $0x6;
	_ =	strace $0x80000047;
	s2 =	smul.u32 $0xFFFFFFB0, s2  }
0xa: {  	s9 =	sshrl.u32 s23, $0x1;
	s25 =	sshrl.u32 s10, $0x2;
	s7 =	sadd.s32 s8, s7  }
0xb: {  	s13 =	ssub.s32 s23, s9;
	s17 =	sadd.s32 s25, s4;
	s0 =	sadd.s32 s28, s0  }
0xc: {  	s23 =	simm.s32 $0x3;
	s25 =	simm.s32 $0x0;
	s6 =	sshrl.u32 s6, $0x3  }
0xd: {  	s7 =	sshrl.u32 s7, $0x3;
	s2 =	sadd.s32 $0x9C4, s2;
	s0 =	sadd.s32 $0x9C4, s0  }
0xe: {  	s15 =	smax.u32 s13, $0x1;
	s18 =	sshrl.u32 s17, $0x3;
	s12 =	sadd.s32 s6, s3  }
0xf: {  	s6 =	sadd.s32 $0x16800, s3;
	s3 =	sadd.s32 s7, s3;
	s11 =	smin.u32 s2, $0x50  }
0x10: {  	s7 =	sor.u32 $0x1C03, s29;
	s8 =	smin.u32 s2, $0x28;
	s30 =	smin.u32 s0, $0x28  }
0x11: {  	s0 =	smin.u32 s0, $0x50;
	s9 =	sadd.s32 $0x2C00, s12;
	s10 =	sadd.s32 $0xC980, s12  }
.Ltmp0:
0x12: {  	s11 =	ssub.s32 s11, s8;
	s0 =	ssub.s32 s0, s30;
	(pc) =	sbr.rel .LBB2_1-.Ltmp0, $4  }
0x13: {  	s31 =	sadd.s32 $0x2E80, s12;
	s12 =	sadd.s32 $0xCC00, s12;
	s0 =	sshrl.u32 s0, $0x1  }
0x14: {  	s14 =	sadd.s32 $0x19000, s3;
	[dreg:$0x4] =	wrdreg s31;
	s0 =	smax.u32 s0, $0x1  }
0x15: {  	s2 =	sshrl.u32 s30, $0x1;
	[dreg:$0x5] =	wrdreg s12;
	s0 =	ssub.s32 $0x0, s0  }
0x16: {  	s16 =	sadd.s32 $0xFFFFFFFF, s2;
	p0 =	slt.s32 s11, $0x1;
	[dreg:$0x6] =	wrdreg s0  }
.LBB2_9:
0x17: {  	_ = 	snop  }
.LBB2_14:
0x18: {  	p2 =	por p4, !p1  }
0x19: {  	p1 =	sge.s32 s3, s11;
	s0 =	simm.s32 @!p2 $0x6800  }
0x1a: {  	[tilespmem:s0], [sflag:$0x2] =	stream.indirect.gather @!p2 [hbm4b:s1+s12], $0x80, s2, s12, $0xb8;
	[tilespmem:$0x1E400] =	vst v63  }
0x1b: {  	s0 =	simm.s32 @!p1 $0x1  }
0x1c: {  	s2 =	sadd.s32 @!p1 $0x1, s30;
	_ =	swait.ge @!p1 [sflag:s0], $0x4000  }
0x1d: {  	s3 =	simm.s32 @!p1 $0x2800;
	p2 =	sge.s32 @!p1 s2, s11;
	[sflag:s0] =	ssyncset.done @!p1 $0x0  }
0x1e: {  	s2 =	simm.s32 @!p1 $0x3;
	[sflag:s0] =	ssyncadd.s32 @!p1 $0xFFFFC000;
	s0 =	simm.s32 @!p1 $0x80  }
0x1f: {  	[spmem:s4] =	stream.indirect.scatter.add.f32 @!p1 [tilespmem:s3], [sflag:$0x3], $0x80, s29, s0, $0xb8;
	[tilespmem:$0x1E400] =	vst v63  }
0x20: {  	p3 =	por p2, p1;
	_ =	swait.ge @!p1 [sflag:s2], $0x4000  }
0x21: {  	p2 =	sge.s32 s30, s11;
	s0 =	simm.s32 @!p3 $0x2800;
	[sflag:s2] =	ssyncset.done @!p1 $0x0  }
0x22: {  	s3 =	simm.s32 @!p2 $0x2;
	[sflag:s2] =	ssyncadd.s32 @!p1 $0xFFFFC000;
	s2 =	simm.s32 @!p3 $0x80  }
0x23: {  	[tilespmem:s0], [sflag:$0x1] =	stream.indirect.gather @!p3 [hbm4b:s1+s2], $0x80, s28, s2, $0xb8;
	[tilespmem:$0x1E400] =	vst v63  }
0x24: {  	_ =	swait.ge @!p2 [sflag:s3], $0x4000  }
0x25: {  	s12 =	simm.s32 @!p2 $0x6800;
	s0 =	simm.s32 @!p2 $0x3;
	[sflag:s3] =	ssyncset.done @!p2 $0x0  }
0x26: {  	s2 =	simm.s32 @!p2 $0x80;
	[sflag:s3] =	ssyncadd.s32 @!p2 $0xFFFFC000;
	s3 =	sadd.s32 @!p2 $0x80, s29  }
0x27: {  	[spmem:s4] =	stream.indirect.scatter.add.f32 @!p2 [tilespmem:s12], [sflag:$0x3], $0x80, s3, s2, $0xb8;
	[tilespmem:$0x1E400] =	vst v63  }
0x28: {  	s2 =	sadd.s32 @!p2 $0x2, s30;
	_ =	swait.ge @!p2 [sflag:s0], $0x4000  }
0x29: {  	p1 =	sge.s32 @!p2 s2, s11;
	[sflag:s0] =	ssyncset.done @!p2 $0x0  }
0x2a: {  	p1 =	por p1, p2;
	[sflag:s0] =	ssyncadd.s32 @!p2 $0xFFFFC000  }
0x2b: {  	s0 =	sadd.s32 @!p1 $0x80, s28;
	s2 =	simm.s32 @!p1 $0x80;
	s3 =	simm.s32 @!p1 $0x6800  }
0x2c: {  	[tilespmem:s3], [sflag:$0x2] =	stream.indirect.gather @!p1 [hbm4b:s1+s2], $0x80, s0, s2, $0xb8;
	[tilespmem:$0x1E400] =	vst v63  }
.LBB2_15:
0x2d: {  	s25 =	sadd.s32 $0x1, s25  }
0x2e: {  	p1 =	sne.s32 s25, s15  }
.Ltmp1:
0x2f: {  	[bflag:$0x0] =	sbarrier.arrive $0xFFFF;
	(pc) =	sbr.rel @!p1 .LBB2_16-.Ltmp1, $4  }
0x30: {  	[hbm:s14], [sflag:s7] =	dma.local [spmem:s18], $0x2780  }
0x31: {  	_ =	swait.ge [sflag:s23], $0x2780  }
0x32: {  	[sflag:s23] =	ssyncset.done $0x0  }
0x33: {  	[sflag:s23] =	ssyncadd.s32 $0xFFFFD880  }
.LBB2_1:
0x34: {  	[spmem:s18], [sflag:s7] =	dma.local [hbm:s6], $0x2780  }
0x35: {  	_ =	swait.ge [sflag:s23], $0x2780  }
0x36: {  	[sflag:s23] =	ssyncset.done $0x0  }
0x37: {  	[sflag:s23] =	ssyncadd.s32 $0xFFFFD880  }
0x38: {  	[bflag:$0x0] =	sbarrier.arrive $0xFFFF  }
0x39: {  	[tilespmem:s5], [sflag:$0x3] =	stream.linear.gather [hbm4b:s9+s5], $0x1400, $0x38;
	[tilespmem:$0x1E400] =	vst v63  }
0x3a: {  	_ =	swait.ge [sflag:s23], $0x1400  }
0x3b: {  	[sflag:s23] =	ssyncset.done $0x0  }
0x3c: {  	s0 =	simm.s32 $0x1400;
	[sflag:s23] =	ssyncadd.s32 $0xFFFFEC00  }
0x3d: {  	[tilespmem:s0], [sflag:$0x3] =	stream.linear.gather [hbm4b:s10+s5], $0x1400, $0x38;
	[tilespmem:$0x1E400] =	vst v63  }
0x3e: {  	s0 =	sadd.s32 $0xFFFFFFFF, s16  }
0x3f: {  	_ =	swait.ge [sflag:s23], $0x1400;
	p2 =	sne.s32 s0, $0x0  }
.Ltmp2:
0x40: {  	[sflag:s23] =	ssyncset.done $0x0;
	(pc) =	sbr.rel @!p2 .LBB2_2-.Ltmp2, $4  }
0x41: {  	s30 =	simm.s32 $0x180;
	[sflag:s23] =	ssyncadd.s32 $0xFFFFEC00  }
0x42: {  	[tilespmem:s21], [sflag:$0x1] =	stream.indirect.gather [hbm4b:s1+s20], $0x80, s5, s20, $0xb8;
	[tilespmem:$0x1E400] =	vst v63  }
0x43: {  	s28 =	simm.s32 $0x1480;
	s3 =	simm.s32 $0x0;
	p1 =	por $0x0, $0x0  }
0x44: {  	[tilespmem:s22], [sflag:$0x2] =	stream.indirect.gather [hbm4b:s1+s20], $0x80, s20, s20, $0xb8;
	[tilespmem:$0x1E400] =	vst v63  }
0x45: {  	p1 =	sle.u32 s8, $0x0  }
0x46: {  	s0 =	sadd.s32 $0xFFFFFFFF, s0;
	s29 =	simm.s32 $0x280;
	s2 =	simm.s32 @!p1 $0x1  }
0x47: {  	s31 =	simm.s32 $0x5;
	p2 =	sle.u32 @!p1 s8, $0x2;
	_ =	swait.ge @!p1 [sflag:s2], $0x4000  }
0x48: {  	s3 =	simm.s32 @!p1 $0x2800;
	s12 =	simm.s32 @!p1 $0x3;
	[sflag:s2] =	ssyncset.done @!p1 $0x0  }
0x49: {  	s13 =	simm.s32 @!p1 $0x80;
	[sflag:s2] =	ssyncadd.s32 @!p1 $0xFFFFC000;
	s2 =	simm.s32 @!p1 $0x1400  }
0x4a: {  	[spmem:s4] =	stream.indirect.scatter.add.f32 @!p1 [tilespmem:s3], [sflag:$0x3], $0x80, s2, s13, $0xb8;
	[tilespmem:$0x1E400] =	vst v63  }
0x4b: {  	p4 =	sne.s32 s0, $0x0;
	p3 =	por p2, p1;
	_ =	swait.ge @!p1 [sflag:s12], $0x4000  }
0x4c: {  	p2 =	sle.u32 s8, $0x1;
	s2 =	simm.s32 @!p3 $0x80;
	[sflag:s12] =	ssyncset.done @!p1 $0x0  }
0x4d: {  	s3 =	simm.s32 @!p3 $0x2800;
	[sflag:s12] =	ssyncadd.s32 @!p1 $0xFFFFC000;
	s12 =	simm.s32 @!p3 $0x100  }
0x4e: {  	[tilespmem:s3], [sflag:$0x1] =	stream.indirect.gather @!p3 [hbm4b:s1+s2], $0x80, s12, s2, $0xb8;
	[tilespmem:$0x1E400] =	vst v63  }
0x4f: {  	s17 =	simm.s32 @!p2 $0x80;
	s13 =	simm.s32 @!p2 $0x6800;
	s12 =	simm.s32 @!p2 $0x2  }
0x50: {  	p1 =	sle.u32 @!p2 s8, $0x3;
	s2 =	simm.s32 $0x5;
	_ =	swait.ge @!p2 [sflag:s12], $0x4000  }
.Ltmp3:
0x51: {  	s3 =	simm.s32 $0x2;
	[sflag:s12] =	ssyncset.done @!p2 $0x0;
	(pc) =	sbr.rel @!p4 .LBB2_4-.Ltmp3, $4  }
0x52: {  	p3 =	por p1, p2;
	[sflag:s12] =	ssyncadd.s32 @!p2 $0xFFFFC000;
	s12 =	simm.s32 @!p2 $0x3  }
0x53: {  	[spmem:s4] =	stream.indirect.scatter.add.f32 @!p2 [tilespmem:s13], [sflag:$0x3], $0x80, s28, s17, $0xb8;
	[tilespmem:$0x1E400] =	vst v63  }
0x54: {  	p1 =	por $0x1, $0x1;
	s28 =	simm.s32 $0x1580;
	_ =	swait.ge @!p2 [sflag:s12], $0x4000  }
0x55: {  	s13 =	simm.s32 @!p3 $0x80;
	s17 =	simm.s32 @!p3 $0x6800;
	[sflag:s12] =	ssyncset.done @!p2 $0x0  }
.LBB2_5:
0x56: {  	p4 =	sge.u32 s3, s8;
	s19 =	sadd.s32 $0x2, s2  }
0x57: {  	[sflag:s12] =	ssyncadd.s32 @!p2 $0xFFFFC000;
	s2 =	smov.u32 s30;
	s30 =	smov.u32 s29  }
0x58: {  	s0 =	sadd.s32 $0xFFFFFFFF, s0;
	s24 =	sadd.s32 $0x100, s29;
	s26 =	sadd.s32 $0x100, s28  }
0x59: {  	[tilespmem:s17], [sflag:$0x2] =	stream.indirect.gather @!p3 [hbm4b:s1+s13], $0x80, s2, s13, $0xb8;
	[tilespmem:$0x1E400] =	vst v63  }
0x5a: {  	s3 =	sadd.s32 $0xFFFFFFFD, s19;
	s2 =	simm.s32 @!p4 $0x1;
	s12 =	sadd.s32 @!p4 $0xFFFFFFFF, s31  }
0x5b: {  	s13 =	simm.s32 @!p4 $0x3;
	p2 =	sge.u32 @!p4 s12, s8;
	_ =	swait.ge @!p4 [sflag:s2], $0x4000  }
0x5c: {  	s17 =	simm.s32 @!p4 $0x80;
	s12 =	simm.s32 @!p4 $0x2800;
	[sflag:s2] =	ssyncset.done @!p4 $0x0  }
0x5d: {  	p3 =	por p2, p4;
	[sflag:s2] =	ssyncadd.s32 @!p4 $0xFFFFC000;
	s2 =	sadd.s32 @!p4 $0xFFFFFF80, s28  }
0x5e: {  	[spmem:s4] =	stream.indirect.scatter.add.f32 @!p4 [tilespmem:s12], [sflag:$0x3], $0x80, s2, s17, $0xb8;
	[tilespmem:$0x1E400] =	vst v63  }
0x5f: {  	s2 =	sadd.s32 $0xFFFFFFFE, s31;
	s12 =	simm.s32 @!p3 $0x80;
	_ =	swait.ge @!p4 [sflag:s13], $0x4000  }
0x60: {  	s17 =	simm.s32 @!p3 $0x2800;
	p2 =	sge.u32 s2, s8;
	[sflag:s13] =	ssyncset.done @!p4 $0x0  }
0x61: {  	s2 =	simm.s32 @!p2 $0x2;
	[sflag:s13] =	ssyncadd.s32 @!p4 $0xFFFFC000;
	s13 =	sadd.s32 @!p3 $0xFFFFFF80, s29  }
0x62: {  	[tilespmem:s17], [sflag:$0x1] =	stream.indirect.gather @!p3 [hbm4b:s1+s12], $0x80, s13, s12, $0xb8;
	[tilespmem:$0x1E400] =	vst v63  }
0x63: {  	p4 =	sne.s32 s0, $0x0;
	s29 =	smov.u32 s24;
	p3 =	sge.u32 @!p2 s31, s8  }
0x64: {  	s13 =	simm.s32 @!p2 $0x6800;
	p3 =	por p3, p2;
	_ =	swait.ge @!p2 [sflag:s2], $0x4000  }
.Ltmp4:
0x65: {  	s17 =	simm.s32 @!p2 $0x80;
	[sflag:s2] =	ssyncset.done @!p2 $0x0;
	(pc) =	sbr.rel @p4 .LBB2_5-.Ltmp4, $4  }
0x66: {  	s12 =	simm.s32 @!p2 $0x3;
	s31 =	smov.u32 s19;
	[sflag:s2] =	ssyncadd.s32 @!p2 $0xFFFFC000  }
0x67: {  	[spmem:s4] =	stream.indirect.scatter.add.f32 @!p2 [tilespmem:s13], [sflag:$0x3], $0x80, s28, s17, $0xb8;
	[tilespmem:$0x1E400] =	vst v63  }
0x68: {  	s2 =	smov.u32 s19;
	s13 =	simm.s32 @!p3 $0x80;
	_ =	swait.ge @!p2 [sflag:s12], $0x4000  }
0x69: {  	s17 =	simm.s32 @!p3 $0x6800;
	s28 =	smov.u32 s26;
	[sflag:s12] =	ssyncset.done @!p2 $0x0  }
0x6a: {  	s2 =	smov.u32 s19;
	s29 =	smov.u32 s24;
	s28 =	smov.u32 s26  }
.LBB2_7:
0x6b: {  	p4 =	sge.u32 s3, s8;
	p2 =	por p2, !p1  }
0x6c: {  	s0 =	smov.u32 @p1 s30;
	p1 =	por p3, !p1;
	[sflag:s12] =	ssyncadd.s32 @!p2 $0xFFFFC000  }
0x6d: {  	[tilespmem:s17], [sflag:$0x2] =	stream.indirect.gather @!p1 [hbm4b:s1+s13], $0x80, s0, s13, $0xb8;
	[tilespmem:$0x1E400] =	vst v63  }
0x6e: {  	s30 =	sadd.s32 $0xFFFFFFFE, s31;
	s0 =	simm.s32 @!p4 $0x1  }
0x6f: {  	s3 =	sadd.s32 @!p4 $0xFFFFFFFF, s31;
	s12 =	simm.s32 @!p4 $0x3;
	_ =	swait.ge @!p4 [sflag:s0], $0x4000  }
0x70: {  	p1 =	sge.u32 @!p4 s3, s8;
	s3 =	simm.s32 @!p4 $0x2800;
	[sflag:s0] =	ssyncset.done @!p4 $0x0  }
0x71: {  	s13 =	simm.s32 @!p4 $0x80;
	[sflag:s0] =	ssyncadd.s32 @!p4 $0xFFFFC000;
	s0 =	sadd.s32 @!p4 $0xFFFFFF80, s28  }
0x72: {  	[spmem:s4] =	stream.indirect.scatter.add.f32 @!p4 [tilespmem:s3], [sflag:$0x3], $0x80, s0, s13, $0xb8;
	[tilespmem:$0x1E400] =	vst v63  }
0x73: {  	p2 =	por p1, p4;
	p1 =	sge.u32 s30, s8;
	_ =	swait.ge @!p4 [sflag:s12], $0x4000  }
0x74: {  	s3 =	simm.s32 @!p2 $0x80;
	s13 =	simm.s32 @!p2 $0x2800;
	[sflag:s12] =	ssyncset.done @!p4 $0x0  }
0x75: {  	s0 =	simm.s32 @!p1 $0x2;
	[sflag:s12] =	ssyncadd.s32 @!p4 $0xFFFFC000;
	s12 =	sadd.s32 @!p2 $0xFFFFFF80, s29  }
0x76: {  	[tilespmem:s13], [sflag:$0x1] =	stream.indirect.gather @!p2 [hbm4b:s1+s3], $0x80, s12, s3, $0xb8;
	[tilespmem:$0x1E400] =	vst v63  }
0x77: {  	_ =	swait.ge @!p1 [sflag:s0], $0x4000  }
0x78: {  	s3 =	simm.s32 @!p1 $0x6800;
	s12 =	simm.s32 @!p1 $0x80;
	[sflag:s0] =	ssyncset.done @!p1 $0x0  }
0x79: {  	p2 =	sge.u32 @!p1 s31, s8;
	[sflag:s0] =	ssyncadd.s32 @!p1 $0xFFFFC000;
	s0 =	simm.s32 @!p1 $0x3  }
0x7a: {  	[spmem:s4] =	stream.indirect.scatter.add.f32 @!p1 [tilespmem:s3], [sflag:$0x3], $0x80, s28, s12, $0xb8;
	[tilespmem:$0x1E400] =	vst v63  }
0x7b: {  	s2 =	sadd.s32 $0x2, s2;
	p2 =	por p2, p1;
	_ =	swait.ge @!p1 [sflag:s0], $0x4000  }
0x7c: {  	s31 =	sadd.s32 $0xFFFFFFFD, s2;
	s3 =	simm.s32 @!p2 $0x80;
	[sflag:s0] =	ssyncset.done @!p1 $0x0  }
0x7d: {  	s12 =	simm.s32 @!p2 $0x6800;
	[sflag:s0] =	ssyncadd.s32 @!p1 $0xFFFFC000;
	p1 =	sge.s32 s31, s8  }
0x7e: {  	[tilespmem:s12], [sflag:$0x2] =	stream.indirect.gather @!p2 [hbm4b:s1+s3], $0x80, s29, s3, $0xb8;
	[tilespmem:$0x1E400] =	vst v63  }
0x7f: {  	s0 =	simm.s32 @!p1 $0x1  }
0x80: {  	_ =	swait.ge @!p1 [sflag:s0], $0x4000  }
0x81: {  	s3 =	simm.s32 @!p1 $0x80;
	[sflag:s0] =	ssyncset.done @!p1 $0x0  }
0x82: {  	s12 =	simm.s32 @!p1 $0x2800;
	[sflag:s0] =	ssyncadd.s32 @!p1 $0xFFFFC000;
	s0 =	sadd.s32 @!p1 $0x80, s26  }
0x83: {  	[spmem:s4] =	stream.indirect.scatter.add.f32 @!p1 [tilespmem:s12], [sflag:$0x3], $0x80, s0, s3, $0xb8;
	[tilespmem:$0x1E400] =	vst v63  }
0x84: {  	s0 =	simm.s32 @!p1 $0x3  }
0x85: {  	s3 =	sadd.s32 @!p1 $0xFFFFFFFF, s2;
	_ =	swait.ge @!p1 [sflag:s0], $0x4000  }
0x86: {  	p2 =	sge.s32 @!p1 s3, s8;
	[sflag:s0] =	ssyncset.done @!p1 $0x0  }
0x87: {  	[sflag:s0] =	ssyncadd.s32 @!p1 $0xFFFFC000;
	p1 =	por p2, p1  }
0x88: {  	s0 =	sadd.s32 @!p1 $0x80, s24;
	s3 =	simm.s32 @!p1 $0x80;
	s12 =	simm.s32 @!p1 $0x2800  }
0x89: {  	[tilespmem:s12], [sflag:$0x1] =	stream.indirect.gather @!p1 [hbm4b:s1+s3], $0x80, s0, s3, $0xb8;
	[tilespmem:$0x1E400] =	vst v63  }
0x8a: {  	p1 =	sge.s32 s19, s8  }
0x8b: {  	s0 =	simm.s32 @!p1 $0x2  }
0x8c: {  	_ =	swait.ge @!p1 [sflag:s0], $0x4000  }
0x8d: {  	s3 =	sadd.s32 $0x100, s28;
	[sflag:s0] =	ssyncset.done @!p1 $0x0  }
0x8e: {  	s12 =	simm.s32 @!p1 $0x6800;
	[sflag:s0] =	ssyncadd.s32 @!p1 $0xFFFFC000;
	s0 =	simm.s32 @!p1 $0x80  }
0x8f: {  	[spmem:s4] =	stream.indirect.scatter.add.f32 @!p1 [tilespmem:s12], [sflag:$0x3], $0x80, s3, s0, $0xb8;
	[tilespmem:$0x1E400] =	vst v63  }
.Ltmp5:
0x90: {  	s0 =	simm.s32 @!p1 $0x3;
	(pc) =	sbr.rel @p0 .LBB2_15-.Ltmp5, $4  }
0x91: {  	p2 =	sge.s32 @!p1 s2, s8;
	_ =	swait.ge @!p1 [sflag:s0], $0x4000  }
0x92: {  	s2 =	sadd.s32 $0x100, s29;
	p2 =	por p2, p1;
	[sflag:s0] =	ssyncset.done @!p1 $0x0  }
0x93: {  	s3 =	simm.s32 @!p2 $0x6800;
	[sflag:s0] =	ssyncadd.s32 @!p1 $0xFFFFC000;
	s0 =	simm.s32 @!p2 $0x80  }
0x94: {  	[tilespmem:s3], [sflag:$0x2] =	stream.indirect.gather @!p2 [hbm4b:s1+s0], $0x80, s2, s0, $0xb8;
	[tilespmem:$0x1E400] =	vst v63  }
0x95: {  	s0 =	rddreg [dreg:$0x4]  }
0x96: {  	[tilespmem:s5], [sflag:$0x3] =	stream.linear.gather [hbm4b:s0+s5], $0x1400, $0x38;
	[tilespmem:$0x1E400] =	vst v63  }
0x97: {  	_ =	swait.ge [sflag:s23], $0x1400  }
0x98: {  	[sflag:s23] =	ssyncset.done $0x0  }
0x99: {  	s29 =	simm.s32 $0x1400;
	s17 =	rddreg [dreg:$0x5];
	[sflag:s23] =	ssyncadd.s32 $0xFFFFEC00  }
0x9a: {  	[tilespmem:s29], [sflag:$0x3] =	stream.linear.gather [hbm4b:s17+s5], $0x1400, $0x38;
	[tilespmem:$0x1E400] =	vst v63  }
0x9b: {  	_ =	swait.ge [sflag:s23], $0x1400  }
0x9c: {  	s31 =	rddreg [dreg:$0x6]  }
0x9d: {  	s0 =	sadd.s32 $0x1, s31  }
0x9e: {  	p2 =	seq.s32 s0, $0x0  }
.Ltmp6:
0x9f: {  	[sflag:s23] =	ssyncset.done $0x0;
	(pc) =	sbr.rel @p2 .LBB2_9-.Ltmp6, $4  }
0xa0: {  	s28 =	simm.s32 $0x100;
	[sflag:s23] =	ssyncadd.s32 $0xFFFFEC00  }
0xa1: {  	[tilespmem:s21], [sflag:$0x1] =	stream.indirect.gather [hbm4b:s1+s20], $0x80, s5, s20, $0xb8;
	[tilespmem:$0x1E400] =	vst v63  }
0xa2: {  	s30 =	simm.s32 $0x1;
	s3 =	simm.s32 $0x0;
	p1 =	por $0x0, $0x0  }
0xa3: {  	[tilespmem:s22], [sflag:$0x2] =	stream.indirect.gather [hbm4b:s1+s20], $0x80, s20, s20, $0xb8;
	[tilespmem:$0x1E400] =	vst v63  }
0xa4: {  	p2 =	sle.s32 s11, $0x0  }
0xa5: {  	s30 =	simm.s32 $0x3;
	s2 =	simm.s32 @!p2 $0x1  }
0xa6: {  	p1 =	sle.s32 @!p2 s11, $0x2;
	s3 =	simm.s32 @!p2 $0x3;
	_ =	swait.ge @!p2 [sflag:s2], $0x4000  }
0xa7: {  	s12 =	simm.s32 @!p2 $0x2800;
	p3 =	por p1, p2;
	[sflag:s2] =	ssyncset.done @!p2 $0x0  }
0xa8: {  	p1 =	sle.s32 s11, $0x1;
	[sflag:s2] =	ssyncadd.s32 @!p2 $0xFFFFC000;
	s2 =	simm.s32 @!p2 $0x80  }
0xa9: {  	[spmem:s4] =	stream.indirect.scatter.add.f32 @!p2 [tilespmem:s12], [sflag:$0x3], $0x80, s29, s2, $0xb8;
	[tilespmem:$0x1E400] =	vst v63  }
0xaa: {  	s0 =	sadd.s32 $0x1, s0;
	s13 =	simm.s32 @!p1 $0x6800;
	_ =	swait.ge @!p2 [sflag:s3], $0x4000  }
0xab: {  	s2 =	simm.s32 @!p3 $0x2800;
	s12 =	simm.s32 @!p1 $0x2;
	[sflag:s3] =	ssyncset.done @!p2 $0x0  }
0xac: {  	s29 =	simm.s32 $0x1500;
	[sflag:s3] =	ssyncadd.s32 @!p2 $0xFFFFC000;
	s3 =	simm.s32 @!p3 $0x80  }
0xad: {  	[tilespmem:s2], [sflag:$0x1] =	stream.indirect.gather @!p3 [hbm4b:s1+s3], $0x80, s28, s3, $0xb8;
	[tilespmem:$0x1E400] =	vst v63  }
0xae: {  	p2 =	seq.s32 s0, $0x0;
	s2 =	simm.s32 @!p1 $0x3;
	_ =	swait.ge @!p1 [sflag:s12], $0x4000  }
0xaf: {  	s3 =	simm.s32 @!p1 $0x80;
	p3 =	sle.s32 @!p1 s11, $0x3;
	[sflag:s12] =	ssyncset.done @!p1 $0x0  }
.Ltmp7:
0xb0: {  	[sflag:s12] =	ssyncadd.s32 @!p1 $0xFFFFC000;
	s12 =	simm.s32 @!p1 $0x1480;
	(pc) =	sbr.rel @p2 .LBB2_11-.Ltmp7, $4  }
0xb1: {  	[spmem:s4] =	stream.indirect.scatter.add.f32 @!p1 [tilespmem:s13], [sflag:$0x3], $0x80, s12, s3, $0xb8;
	[tilespmem:$0x1E400] =	vst v63  }
0xb2: {  	s28 =	simm.s32 $0x200;
	p4 =	por p3, p1;
	_ =	swait.ge @!p1 [sflag:s2], $0x4000  }
0xb3: {  	s3 =	simm.s32 $0x2;
	s12 =	simm.s32 @!p4 $0x80;
	[sflag:s2] =	ssyncset.done @!p1 $0x0  }
0xb4: {  	[sflag:s2] =	ssyncadd.s32 @!p1 $0xFFFFC000;
	s2 =	simm.s32 @!p4 $0x180;
	p1 =	por $0x1, $0x1  }
.LBB2_12:
0xb5: {  	p3 =	sge.s32 s3, s11;
	s3 =	simm.s32 @!p4 $0x6800  }
0xb6: {  	s13 =	smov.u32 s30;
	s30 =	sadd.s32 $0x2, s30;
	s17 =	smov.u32 s28  }
0xb7: {  	[tilespmem:s3], [sflag:$0x2] =	stream.indirect.gather @!p4 [hbm4b:s1+s12], $0x80, s2, s12, $0xb8;
	[tilespmem:$0x1E400] =	vst v63  }
0xb8: {  	s3 =	sadd.s32 $0xFFFFFFFF, s30;
	s2 =	simm.s32 @!p3 $0x1;
	s12 =	sadd.s32 @!p3 $0x1, s13  }
0xb9: {  	s0 =	sadd.s32 $0x1, s0;
	p2 =	sge.s32 @!p3 s12, s11;
	_ =	swait.ge @!p3 [sflag:s2], $0x4000  }
0xba: {  	s12 =	simm.s32 @!p3 $0x3;
	p4 =	por p2, p3;
	[sflag:s2] =	ssyncset.done @!p3 $0x0  }
0xbb: {  	s31 =	simm.s32 @!p3 $0x2800;
	[sflag:s2] =	ssyncadd.s32 @!p3 $0xFFFFC000;
	s2 =	simm.s32 @!p3 $0x80  }
0xbc: {  	[spmem:s4] =	stream.indirect.scatter.add.f32 @!p3 [tilespmem:s31], [sflag:$0x3], $0x80, s29, s2, $0xb8;
	[tilespmem:$0x1E400] =	vst v63  }
0xbd: {  	p2 =	seq.s32 s0, $0x0;
	_ =	swait.ge @!p3 [sflag:s12], $0x4000  }
0xbe: {  	p5 =	sge.s32 s13, s11;
	s2 =	simm.s32 @!p4 $0x2800;
	[sflag:s12] =	ssyncset.done @!p3 $0x0  }
0xbf: {  	s31 =	simm.s32 @!p5 $0x2;
	[sflag:s12] =	ssyncadd.s32 @!p3 $0xFFFFC000;
	s12 =	simm.s32 @!p4 $0x80  }
0xc0: {  	[tilespmem:s2], [sflag:$0x1] =	stream.indirect.gather @!p4 [hbm4b:s1+s12], $0x80, s28, s12, $0xb8;
	[tilespmem:$0x1E400] =	vst v63  }
0xc1: {  	s2 =	simm.s32 @!p5 $0x3;
	s12 =	sadd.s32 @!p5 $0x2, s13;
	_ =	swait.ge @!p5 [sflag:s31], $0x4000  }
0xc2: {  	s21 =	simm.s32 @!p5 $0x6800;
	s13 =	simm.s32 @!p5 $0x80;
	[sflag:s31] =	ssyncset.done @!p5 $0x0  }
.Ltmp8:
0xc3: {  	[sflag:s31] =	ssyncadd.s32 @!p5 $0xFFFFC000;
	s31 =	sadd.s32 @!p5 $0x80, s29;
	(pc) =	sbr.rel @!p2 .LBB2_12-.Ltmp8, $4  }
0xc4: {  	[spmem:s4] =	stream.indirect.scatter.add.f32 @!p5 [tilespmem:s21], [sflag:$0x3], $0x80, s31, s13, $0xb8;
	[tilespmem:$0x1E400] =	vst v63  }
0xc5: {  	s28 =	sadd.s32 $0x100, s28;
	p3 =	sge.s32 @!p5 s12, s11;
	_ =	swait.ge @!p5 [sflag:s2], $0x4000  }
0xc6: {  	p4 =	por p3, p5;
	s29 =	sadd.s32 $0x100, s29;
	[sflag:s2] =	ssyncset.done @!p5 $0x0  }
0xc7: {  	s12 =	simm.s32 @!p4 $0x80;
	[sflag:s2] =	ssyncadd.s32 @!p5 $0xFFFFC000;
	s2 =	sadd.s32 @!p4 $0x80, s17  }
.Ltmp9:
0xc8: {  	(pc) =	sbr.rel .LBB2_14-.Ltmp9, $2  }
0xc9: {  	_ =	sdelay $0x2  }
0xca: {  	s21 =	simm.s32 $0x2800  }
.LBB2_2:
.Ltmp10:
0xcb: {  	(pc) =	sbr.rel .LBB2_7-.Ltmp10, $2  }
0xcc: {  	_ =	sdelay $0x2  }
0xcd: {  	s2 =	simm.s32 $0x3;
	s29 =	simm.s32 $0x180;
	s31 =	simm.s32 $0x3  }
.LBB2_4:
.Ltmp11:
0xce: {  	(pc) =	sbr.rel .LBB2_7-.Ltmp11, $2  }
0xcf: {  	_ =	sdelay $0x2  }
0xd0: {  	s31 =	simm.s32 $0x5  }
.LBB2_11:
.Ltmp12:
0xd1: {  	(pc) =	sbr.rel .LBB2_14-.Ltmp12, $2  }
0xd2: {  	_ =	sdelay $0x2  }
0xd3: {  	s21 =	simm.s32 $0x2800  }
.LBB2_16:
0xd4: {  	_ =	sfence.sel $0x180000  }
0xd5: {  	[bflag:$0x0] =	sbarrier.arrive $0xFFFF  }
0xd6: {  	_ =	strace $0x90000047  }
0xd7: {  	s0 =	stileid.u32;
	[bflag:$0x2] =	sbarrier.arrive $0xFFFF  }
0xd8: {  	p0 =	sne.s32 s0, $0x0;
	s0 =	rddreg [dreg:$0x3]  }
0xd9: {  	s0 =	sadd.s32 @!p0 $0x100000, s0  }
0xda: {  	[sflag:s0] =	ssyncadd.tile.s32 @!p0 $0x1;
	_ =	shalt  }
.Lfunc_end2:
_tile_overlayer_lowered:
.L_overlay_start_2:
0xdb: {  	(tag) =	ssettag $0x2  }
0xdc: {  	s0 =	rddreg [dreg:$0x0];
	s2 =	stileid.u32  }
0xdd: {  	s1 =	rddreg [dreg:$0x1];
	p0 =	sne.s32 s2, $0x0  }
0xde: {  	s3 =	rddreg [dreg:$0x2];
	[bflag:$0x3] =	sbarrier.arrive $0xFFFF;
	s2 =	simm.s32 @!p0 $0x1C03  }
0xdf: {  	[timem:s3], [sflag:s2] =	dma.local @!p0 [hbm:s0], s1  }
0xe0: {  	s0 =	simm.s32 @!p0 $0x3  }
0xe1: {  	_ =	swait.ge @!p0 [sflag:s0], s1  }
0xe2: {  	s1 =	ssub.s32 @!p0 $0x0, s1;
	[sflag:s0] =	ssyncset.done @!p0 $0x0  }
0xe3: {  	[sflag:s0] =	ssyncadd.s32 @!p0 s1  }
0xe4: {  	[bflag:$0x3] =	sbarrier.arrive $0xFFFF  }
0xe5: {  	_ =	shalt  }

</sc_bundles>
